<compile_context>
chip_gen: v7x
topology: tpu7x:2x2x1
jax: 0.10.2.dev20260603
libtpu: 0.0.44.dev20260713+nightly
codegen_flags: <defaults>
</compile_context>

<pallas_src>
import jax
import jax.numpy as jnp
from jax.experimental import pallas as pl
from jax.experimental.pallas import tpu as pltpu
from jax.experimental.pallas import tpu_sc as plsc

_B, _T, _D, _E, _DF = 64, 256, 384, 4, 1536
_N = _B * _T
_EP = 128
_TMA = 1024
_GA = _N // _TMA
_TMC = 512
_L = _N + 6 * _TMC
_NTC = _L // _TMC
_PAIR_E1 = (0, 0, 0, 1, 1, 2)
_PAIR_E2 = (1, 2, 3, 2, 3, 3)
_W = 128
_RS2 = 0.7071067811865476


def _lane_major(col, dmask):
    rows = []
    for s in range(_TMA // 128):
        v = col[s * 128:(s + 1) * 128, :]
        rows.append(jnp.sum(jnp.broadcast_to(v, (128, 128)) * dmask,
                            axis=0, keepdims=True))
    return jnp.concatenate(rows, axis=0)


def _gate_kernel(x_ref, gw_ref, gb_ref, ltri_ref,
                 meta_ref, grk_ref, pid_ref, cnt_ref, bal_ref, run_ref):
    i = pl.program_id(0)
    xt = x_ref[...]
    scores = jnp.dot(xt, gw_ref[...], preferred_element_type=jnp.float32)
    scores = scores + gb_ref[...]
    scores = jnp.nan_to_num(scores, nan=0.0)
    m = jnp.max(scores, axis=1, keepdims=True)
    ex = jnp.exp(scores - m)
    probs = ex / jnp.sum(ex, axis=1, keepdims=True)

    @pl.when(i == 0)
    def _init():
        bal_ref[...] = jnp.zeros_like(bal_ref)
        run_ref[...] = jnp.zeros_like(run_ref)
    psum = jnp.sum(probs, axis=0, keepdims=True)
    bal_ref[...] += jnp.broadcast_to(psum, bal_ref.shape)

    lane = jax.lax.broadcasted_iota(jnp.int32, probs.shape, 1)
    m1 = jnp.max(probs, axis=1, keepdims=True)
    a1 = jnp.min(jnp.where(probs == m1, lane, _EP), axis=1, keepdims=True)
    p2 = jnp.where(lane == a1, -jnp.inf, probs)
    m2 = jnp.max(p2, axis=1, keepdims=True)
    a2 = jnp.min(jnp.where(p2 == m2, lane, _EP), axis=1, keepdims=True)
    sel = (lane == a1) | (lane == a2)
    masked = jnp.where(sel, probs, 0.0)
    wgt = masked / (jnp.sum(masked, axis=1, keepdims=True) + 1e-9)
    meta_ref[...] = wgt * (lane < _E)

    emin = jnp.minimum(a1, a2)
    emax = jnp.maximum(a1, a2)
    pid = emax + jnp.where(emin == 0, -1, emin)

    onehot = (lane == pid)
    cnts = jnp.dot(ltri_ref[...], onehot.astype(jnp.bfloat16),
                   preferred_element_type=jnp.float32)
    rank = jnp.sum(jnp.where(onehot, cnts, 0.0), axis=1, keepdims=True)
    runrow = jnp.broadcast_to(run_ref[0:1, :], onehot.shape)
    grank = rank + jnp.sum(jnp.where(onehot, runrow, 0.0), axis=1,
                           keepdims=True)
    run_ref[...] += jnp.broadcast_to(
        jnp.sum(onehot.astype(jnp.float32), axis=0, keepdims=True),
        run_ref.shape)

    sub = jax.lax.broadcasted_iota(jnp.int32, (128, 128), 0)
    lan = jax.lax.broadcasted_iota(jnp.int32, (128, 128), 1)
    dmask = (sub == lan).astype(jnp.float32)
    grk_ref[...] = _lane_major(grank, dmask)
    pid_ref[...] = _lane_major(pid.astype(jnp.float32), dmask)

    @pl.when(i == _GA - 1)
    def _fin():
        cnt_ref[...] = run_ref[...]


def _dest_kernel(cnt_ref, grk_ref, pid_ref, bal_ref,
                 dest_ref, e1v_ref, e2v_ref, bl_ref):
    sub = jax.lax.broadcasted_iota(jnp.int32, (128, 128), 0)
    lan = jax.lax.broadcasted_iota(jnp.int32, (128, 128), 1)
    dmask = (sub == lan).astype(jnp.float32)

    lane1 = jax.lax.broadcasted_iota(jnp.int32, (1, _EP), 1)
    cnt = jnp.where(lane1 < 6, cnt_ref[0:1, :], 0.0)
    rup = jnp.ceil(cnt / _TMC) * _TMC
    utri = (sub <= lan).astype(jnp.float32)
    ends = jnp.dot(rup, utri, preferred_element_type=jnp.float32)
    offs = ends - rup

    grk = grk_ref[...]
    pidf = pid_ref[...]
    acc = grk
    for p in range(6):
        acc = acc + jnp.where(pidf == float(p),
                              jnp.broadcast_to(offs[:, p:p + 1], grk.shape),
                              0.0)
    dest_ref[...] = acc.astype(jnp.int32)

    ends_t = jnp.sum(jnp.broadcast_to(jnp.where(lane1 < 6, ends, 3.0e7),
                                      (128, 128)) * dmask,
                     axis=1, keepdims=True)
    ttv = (lan * _TMC).astype(jnp.float32)
    gid = jnp.sum((ttv >= ends_t).astype(jnp.float32), axis=0, keepdims=True)
    gid = jnp.minimum(gid, 5.0)
    e1 = jnp.zeros_like(gid)
    e2 = jnp.zeros_like(gid)
    for g in range(6):
        e1 = e1 + jnp.where(gid == float(g), float(_PAIR_E1[g]), 0.0)
        e2 = e2 + jnp.where(gid == float(g), float(_PAIR_E2[g]), 0.0)
    e1v_ref[...] = jnp.broadcast_to(e1, (8, _EP)).astype(jnp.int32)
    e2v_ref[...] = jnp.broadcast_to(e2, (8, _EP)).astype(jnp.int32)

    bsum = jnp.where(lane1 < _E, bal_ref[0:1, :], 0.0) * (1.0 / _N)
    bl = jnp.sum(bsum * bsum) * _E
    bl = jnp.clip(bl, 0.0, 5.0)
    bl_ref[...] = jnp.broadcast_to(bl, (8, _EP))


def _ffn_kernel(e1s_ref, e2s_ref, xs_ref, ws_ref,
                w1_ref, b1_ref, w2_ref, b2_ref, ys_ref):
    tt = pl.program_id(0)
    e1 = e1s_ref[0, tt]
    e2 = e2s_ref[0, tt]
    xt = xs_ref[...]
    ws = ws_ref[...]
    lane = jax.lax.broadcasted_iota(jnp.int32, ws.shape, 1)
    wa = jnp.sum(jnp.where(lane == e1, ws, 0.0), axis=1, keepdims=True)
    wb = jnp.sum(jnp.where(lane == e2, ws, 0.0), axis=1, keepdims=True)

    acc = jnp.zeros((_TMC, _D), dtype=jnp.float32)
    for e, w in ((e1, wa), (e2, wb)):
        t = jnp.dot(xt, w1_ref[e], preferred_element_type=jnp.float32)
        t = t + b1_ref[e]
        t = 0.5 * t * (1.0 + jax.lax.erf(t * 0.7071067811865476))
        y = jnp.dot(t, w2_ref[e], preferred_element_type=jnp.float32)
        acc = acc + w * (y + b2_ref[e])
    ys_ref[...] = acc


def _vector_mesh():
    return plsc.VectorSubcoreMesh(core_axis_name="core",
                                  subcore_axis_name="subcore")


def _sc_scatter_both(xf, meta, idx):
    @pl.kernel(out_type=[jax.ShapeDtypeStruct((_L, _D), jnp.float32),
                         jax.ShapeDtypeStruct((_L, _EP), jnp.float32)],
               mesh=_vector_mesh(), scratch_types=[])
    def skern(x_hbm, m_hbm, i_hbm, xs_hbm, ws_hbm):
        core = jax.lax.axis_index("core")

        @pl.when(core == 0)
        def _x():
            def body(s_vmem, i_vmem):
                pltpu.sync_copy(s_vmem, xs_hbm.at[i_vmem.at[0]])

            pltpu.emit_pipeline(
                body,
                grid=(_N // _W,),
                in_specs=[pl.BlockSpec((_W, _D), lambda i: (i, 0)),
                          pl.BlockSpec((1, _W), lambda i: (0, i))],
                out_specs=[],
                core_axis_name="subcore",
                dimension_semantics=(pltpu.PARALLEL,),
            )(x_hbm, i_hbm)

        @pl.when(core == 1)
        def _m():
            def body(s_vmem, i_vmem):
                pltpu.sync_copy(s_vmem, ws_hbm.at[i_vmem.at[0]])

            pltpu.emit_pipeline(
                body,
                grid=(_N // _W,),
                in_specs=[pl.BlockSpec((_W, _EP), lambda i: (i, 0)),
                          pl.BlockSpec((1, _W), lambda i: (0, i))],
                out_specs=[],
                core_axis_name="subcore",
                dimension_semantics=(pltpu.PARALLEL,),
            )(m_hbm, i_hbm)

    return skern(xf, meta, idx)


def _sc_gather(ys, idx):
    @pl.kernel(out_type=jax.ShapeDtypeStruct((_N, _D), jnp.float32),
               mesh=_vector_mesh(), scratch_types=[])
    def gkern(y_hbm, i_hbm, o_hbm):
        def body(i_vmem, o_vmem):
            pltpu.sync_copy(y_hbm.at[i_vmem.at[0]], o_vmem)

        pltpu.emit_pipeline(
            body,
            grid=(_N // _W,),
            in_specs=[pl.BlockSpec((1, _W), lambda i: (0, i))],
            out_specs=[pl.BlockSpec((_W, _D), lambda i: (i, 0))],
            core_axis_name=("core", "subcore"),
            dimension_semantics=(pltpu.PARALLEL,),
        )(i_hbm, o_hbm)

    return gkern(ys, idx)


def kernel(x, gate_w, gate_b, w1, b1, w2, b2):
    x2 = x.reshape(_N, _D)
    gw_p = jnp.zeros((_D, _EP), jnp.float32).at[:, :_E].set(gate_w)
    gb_p = jnp.full((1, _EP), -jnp.inf, jnp.float32).at[0, :_E].set(gate_b)
    ltri = jnp.tril(jnp.ones((_TMA, _TMA), jnp.bfloat16), -1)

    meta, grk, pidm, cnt, bal = pl.pallas_call(
        _gate_kernel,
        grid=(_GA,),
        in_specs=[
            pl.BlockSpec((_TMA, _D), lambda i: (i, 0)),
            pl.BlockSpec((_D, _EP), lambda i: (0, 0)),
            pl.BlockSpec((1, _EP), lambda i: (0, 0)),
            pl.BlockSpec((_TMA, _TMA), lambda i: (0, 0)),
        ],
        out_specs=[
            pl.BlockSpec((_TMA, _EP), lambda i: (i, 0)),
            pl.BlockSpec((8, _EP), lambda i: (i, 0)),
            pl.BlockSpec((8, _EP), lambda i: (i, 0)),
            pl.BlockSpec((8, _EP), lambda i: (0, 0)),
            pl.BlockSpec((8, _EP), lambda i: (0, 0)),
        ],
        out_shape=[
            jax.ShapeDtypeStruct((_N, _EP), jnp.float32),
            jax.ShapeDtypeStruct((_GA * 8, _EP), jnp.float32),
            jax.ShapeDtypeStruct((_GA * 8, _EP), jnp.float32),
            jax.ShapeDtypeStruct((8, _EP), jnp.float32),
            jax.ShapeDtypeStruct((8, _EP), jnp.float32),
        ],
        scratch_shapes=[pltpu.VMEM((8, _EP), jnp.float32)],
    )(x2, gw_p, gb_p, ltri)

    destb, e1s, e2s, blv = pl.pallas_call(
        _dest_kernel,
        grid=(1,),
        in_specs=[
            pl.BlockSpec((8, _EP), lambda i: (0, 0)),
            pl.BlockSpec((_GA * 8, _EP), lambda i: (0, 0)),
            pl.BlockSpec((_GA * 8, _EP), lambda i: (0, 0)),
            pl.BlockSpec((8, _EP), lambda i: (0, 0)),
        ],
        out_specs=[
            pl.BlockSpec((_GA * 8, _EP), lambda i: (0, 0)),
            pl.BlockSpec((8, _EP), lambda i: (0, 0)),
            pl.BlockSpec((8, _EP), lambda i: (0, 0)),
            pl.BlockSpec((8, _EP), lambda i: (0, 0)),
        ],
        out_shape=[
            jax.ShapeDtypeStruct((_GA * 8, _EP), jnp.int32),
            jax.ShapeDtypeStruct((8, _EP), jnp.int32),
            jax.ShapeDtypeStruct((8, _EP), jnp.int32),
            jax.ShapeDtypeStruct((8, _EP), jnp.float32),
        ],
    )(cnt, grk, pidm, bal)
    dest = destb.reshape(1, _N)

    xs, ws = _sc_scatter_both(x2, meta, dest)

    ys = pl.pallas_call(
        _ffn_kernel,
        grid_spec=pltpu.PrefetchScalarGridSpec(
            num_scalar_prefetch=2,
            grid=(_NTC,),
            in_specs=[
                pl.BlockSpec((_TMC, _D), lambda i, s1, s2: (i, 0)),
                pl.BlockSpec((_TMC, _EP), lambda i, s1, s2: (i, 0)),
                pl.BlockSpec((_E, _D, _DF), lambda i, s1, s2: (0, 0, 0)),
                pl.BlockSpec((_E, 1, _DF), lambda i, s1, s2: (0, 0, 0)),
                pl.BlockSpec((_E, _DF, _D), lambda i, s1, s2: (0, 0, 0)),
                pl.BlockSpec((_E, 1, _D), lambda i, s1, s2: (0, 0, 0)),
            ],
            out_specs=pl.BlockSpec((_TMC, _D), lambda i, s1, s2: (i, 0)),
        ),
        out_shape=jax.ShapeDtypeStruct((_L, _D), jnp.float32),
    )(e1s, e2s, xs, ws, w1, b1.reshape(_E, 1, _DF), w2,
      b2.reshape(_E, 1, _D))

    out = _sc_gather(ys, dest)

    bal_loss = blv[0, 0]
    return out.reshape(_B, _T, _D), bal_loss

# --- scband reference (transcript-rebuilt; emitter-appended) ---
"""Pipeline reference for scband-godhead-transformer-35656818492145 (READ-ONLY COPY).

The authoritative reference and input builder live on the scoring server;
editing this copy changes nothing except your own understanding.
"""

import jax, jax.numpy as jnp
import numpy as np

B, T, D, E, DF, K = 64, 256, 384, 4, 1536, 2


def setup_inputs(seed: int = 0) -> dict:
    key = jax.random.key(seed)
    ks = jax.random.split(key, 5)
    return {
        "x": jax.random.normal(ks[0], (B, T, D), dtype=jnp.float32),
        "gate_w": jax.random.normal(ks[1], (D, E), dtype=jnp.float32) * 0.02,
        "gate_b": jnp.zeros((E,), dtype=jnp.float32),
        "w1": jax.random.normal(ks[2], (E, D, DF), dtype=jnp.float32) * 0.02,
        "b1": jnp.zeros((E, DF), dtype=jnp.float32),
        "w2": jax.random.normal(ks[3], (E, DF, D), dtype=jnp.float32) * 0.02,
        "b2": jnp.zeros((E, D), dtype=jnp.float32),
    }


def reference(x, gate_w, gate_b, w1, b1, w2, b2):
    # gate scores + nan_to_num (as in torch forward)
    scores = jnp.nan_to_num(x @ gate_w + gate_b, nan=0.0)
    probs = jax.nn.softmax(scores, axis=-1)
    # balance loss (stored in a buffer in torch; computed here for faithfulness)
    bl = (probs.mean(axis=(0, 1)) ** 2).sum() * E
    bal_loss = jnp.clip(bl, 0.0, 5.0)
    # top-k gating mask via scatter of ones (one_hot-sum is the scatter_ equivalent)
    _, idx = jax.lax.top_k(probs, K)
    mask = jax.nn.one_hot(idx, E, dtype=probs.dtype).sum(axis=-2)
    masked = probs * mask
    masked = masked / (masked.sum(axis=-1, keepdims=True) + 1e-09)
    # dense weighted sum over experts (matches torch `sum(masked[...,i:i+1]*e(x))`)
    out = jnp.zeros_like(x)
    for i in range(E):
        h = jax.nn.gelu(x @ w1[i] + b1[i], approximate=False)
        out = out + masked[..., i:i + 1] * (h @ w2[i] + b2[i])
    return out, bal_loss

if __name__ == "__main__":
    import jax
    _d = setup_inputs()
    print(jax.jit(kernel)(*tuple(_d.values())))

</pallas_src>

<mosaic_0001>
#map = affine_map<(d0, d1) -> (0, 0)>
module attributes {stable_mosaic.version = 14 : i64} {
  func.func @gkern(%arg0: i32, %arg1: i32, %arg2: memref<19456x384xf32, #tpu.memory_space<hbm>>, %arg3: memref<1x16384xi32, #tpu.memory_space<hbm>>, %arg4: memref<16384x384xf32, #tpu.memory_space<hbm>>) attributes {dimension_semantics = [#tpu.dimension_semantics<core_parallel>, #tpu.dimension_semantics<subcore_parallel>], iteration_bounds = array<i64: 2, 16>, scalar_prefetch = 0 : i64, scratch_operands = 0 : i64, tpu.core_type = #tpu.core_type<sc_vector_subcore>, window_params = [{transform_indices = #map}, {transform_indices = #map}, {transform_indices = #map}]} {
    %mul3A = arith.constant 1 : i32
    %mul3A_0 = arith.muli %arg1, %mul3A : i32
    %add3A = arith.constant 0 : i32
    %add3A_1 = arith.addi %add3A, %mul3A_0 : i32
    %mul3A_2 = arith.constant 16 : i32
    %mul3A_3 = arith.muli %arg0, %mul3A_2 : i32
    %add3A_4 = arith.addi %add3A_1, %mul3A_3 : i32
    %mul3A_5 = arith.constant 4 : i32
    %mul3A_6 = arith.muli %add3A_4, %mul3A_5 : i32
    "tpu.region"() ({
      %run_scoped3A = memref.alloca() : memref<2x1x128xi32, #tpu.memory_space<vmem>>
      %run_scoped3A_7 = tpu.sem_alloc : memref<2x!tpu.dma_semaphore, #tpu.memory_space<semaphore_mem>>
      %run_scoped3A_8 = memref.alloca() : memref<2x128x384xf32, #tpu.memory_space<vmem>>
      %run_scoped3A_9 = tpu.sem_alloc : memref<2x!tpu.dma_semaphore, #tpu.memory_space<semaphore_mem>>
      %add3A_10 = arith.constant 0 : i32
      %add3A_11 = arith.addi %add3A_10, %mul3A_6 : i32
      %select_n3A = arith.constant true
      %select_n3A_12 = arith.constant 0 : i32
      %select_n3A_13 = arith.constant -1 : i32
      %select_n3A_14 = arith.select %select_n3A, %select_n3A_13, %select_n3A_12 : i32
      %eq3A = arith.constant -1 : i32
      %eq3A_15 = arith.cmpi eq, %select_n3A_14, %eq3A : i32
      %select_n3A_16 = arith.constant 3 : i32
      %select_n3A_17 = arith.select %eq3A_15, %select_n3A_16, %select_n3A_14 : i32
      %add3A_18 = arith.addi %select_n3A_17, %mul3A_6 : i32
      %select_n3A_19 = arith.constant true
      %select_n3A_20 = arith.constant 0 : i32
      %select_n3A_21 = arith.constant 1 : i32
      %select_n3A_22 = arith.select %select_n3A_19, %select_n3A_21, %select_n3A_20 : i32
      %eq3A_23 = arith.constant 4 : i32
      %eq3A_24 = arith.cmpi eq, %select_n3A_22, %eq3A_23 : i32
      %select_n3A_25 = arith.constant 0 : i32
      %select_n3A_26 = arith.select %eq3A_24, %select_n3A_25, %select_n3A_22 : i32
      %add3A_27 = arith.addi %select_n3A_26, %mul3A_6 : i32
      %add3A_28 = arith.constant 1 : i32
      %add3A_29 = arith.addi %select_n3A_26, %add3A_28 : i32
      %select_n3A_30 = arith.constant true
      %select_n3A_31 = arith.select %select_n3A_30, %add3A_29, %select_n3A_26 : i32
      %eq3A_32 = arith.constant 4 : i32
      %eq3A_33 = arith.cmpi eq, %select_n3A_31, %eq3A_32 : i32
      %select_n3A_34 = arith.constant 0 : i32
      %select_n3A_35 = arith.select %eq3A_33, %select_n3A_34, %select_n3A_31 : i32
      %add3A_36 = arith.addi %select_n3A_35, %mul3A_6 : i32
      "tpu.trace_start"() <{level = 10 : i32, message = "ep_initialize_0"}> : () -> ()
      %rem3A = arith.constant 0 : i32
      %rem3A_37 = arith.constant 2 : i32
      %rem3A_38 = arith.remui %rem3A, %rem3A_37 : i32
      %mul3A_39 = arith.constant 128 : i32
      %mul3A_40 = arith.muli %mul3A_39, %add3A_11 : i32
      %dma_start3A = arith.constant 0 : i32
      %dma_start3A_41 = arith.constant 0 : i32
      %dma_start3A_42 = tpu.memref_slice %run_scoped3A[%rem3A_38, %dma_start3A, %dma_start3A_41] : memref<2x1x128xi32, #tpu.memory_space<vmem>> -> memref<1x1x128xi32, #tpu.memory_space<vmem>>
      %dma_start3A_43 = tpu.memref_squeeze %dma_start3A_42 : memref<1x1x128xi32, #tpu.memory_space<vmem>> -> memref<1x128xi32, #tpu.memory_space<vmem>>
      %dma_start3A_44 = arith.constant 0 : i32
      %dma_start3A_45 = tpu.memref_slice %arg3[%dma_start3A_44, %mul3A_40] : memref<1x16384xi32, #tpu.memory_space<hbm>> -> memref<1x128xi32, #tpu.memory_space<hbm>>
      %dma_start3A_46 = tpu.memref_slice %run_scoped3A_7[%rem3A_38] : memref<2x!tpu.dma_semaphore, #tpu.memory_space<semaphore_mem>> -> memref<1x!tpu.dma_semaphore, #tpu.memory_space<semaphore_mem>>
      %dma_start3A_47 = tpu.memref_squeeze %dma_start3A_46 : memref<1x!tpu.dma_semaphore, #tpu.memory_space<semaphore_mem>> -> memref<!tpu.dma_semaphore, #tpu.memory_space<semaphore_mem>>
      %dma_start3A_48 = arith.constant 0 : i32
      %dma_start3A_49 = arith.constant 0 : i32
      %dma_start3A_50 = tpu.memref_slice %run_scoped3A[%rem3A_38, %dma_start3A_48, %dma_start3A_49] : memref<2x1x128xi32, #tpu.memory_space<vmem>> -> memref<1x1x128xi32, #tpu.memory_space<vmem>>
      %dma_start3A_51 = tpu.memref_squeeze %dma_start3A_50 : memref<1x1x128xi32, #tpu.memory_space<vmem>> -> memref<1x128xi32, #tpu.memory_space<vmem>>
      %dma_start3A_52 = arith.constant 0 : i32
      %dma_start3A_53 = tpu.memref_slice %arg3[%dma_start3A_52, %mul3A_40] : memref<1x16384xi32, #tpu.memory_space<hbm>> -> memref<1x128xi32, #tpu.memory_space<hbm>>
      tpu.enqueue_dma source(%dma_start3A_53 : memref<1x128xi32, #tpu.memory_space<hbm>>) target(%dma_start3A_51 : memref<1x128xi32, #tpu.memory_space<vmem>>) target_semaphore(%dma_start3A_47 : memref<!tpu.dma_semaphore, #tpu.memory_space<semaphore_mem>>)
      %add3A_54 = arith.constant 0 : i32
      %add3A_55 = arith.constant 1 : i32
      %add3A_56 = arith.addi %add3A_54, %add3A_55 : i32
      %select_n3A_57 = arith.constant true
      %select_n3A_58 = arith.constant 0 : i32
      %select_n3A_59 = arith.select %select_n3A_57, %add3A_56, %select_n3A_58 : i32
      "tpu.trace_stop"() : () -> ()
      %scan3A = arith.constant 0 : i32
      %scan3A_60 = arith.constant 0 : i32
      %scan3A_61 = arith.constant 0 : i32
      %scan3A_62 = arith.constant 0 : i32
      %scan3A_63 = arith.constant 0 : i32
      %scan3A_64 = arith.constant 4 : i32
      %scan3A_65 = arith.addi %scan3A_63, %scan3A_64 : i32
      %scan3A_66 = arith.constant 1 : i32
      %scan3A_67:5 = scf.for %scan3A_121 = %scan3A_63 to %scan3A_65 step %scan3A_66 iter_args(%scan3A_122 = %select_n3A_59, %scan3A_123 = %scan3A, %scan3A_124 = %scan3A_60, %scan3A_125 = %scan3A_61, %scan3A_126 = %scan3A_62) -> (i32, i32, i32, i32, i32)  : i32 {
        %eq3A_127 = arith.constant 0 : i32
        %eq3A_128 = arith.cmpi eq, %scan3A_121, %eq3A_127 : i32
        %eq3A_129 = arith.constant 3 : i32
        %eq3A_130 = arith.cmpi eq, %scan3A_121, %eq3A_129 : i32
        %add3A_131 = arith.addi %scan3A_126, %mul3A_6 : i32
        %sub3A_132 = arith.constant 1 : i32
        %sub3A_133 = arith.subi %scan3A_126, %sub3A_132 : i32
        %select_n3A_134 = arith.constant true
        %select_n3A_135 = arith.select %select_n3A_134, %sub3A_133, %scan3A_126 : i32
        %eq3A_136 = arith.constant -1 : i32
        %eq3A_137 = arith.cmpi eq, %select_n3A_135, %eq3A_136 : i32
        %select_n3A_138 = arith.constant 3 : i32
        %select_n3A_139 = arith.select %eq3A_137, %select_n3A_138, %select_n3A_135 : i32
        %add3A_140 = arith.addi %select_n3A_139, %mul3A_6 : i32
        %add3A_141 = arith.constant 1 : i32
        %add3A_142 = arith.addi %scan3A_126, %add3A_141 : i32
        %select_n3A_143 = arith.constant true
        %select_n3A_144 = arith.select %select_n3A_143, %add3A_142, %scan3A_126 : i32
        %eq3A_145 = arith.constant 4 : i32
        %eq3A_146 = arith.cmpi eq, %select_n3A_144, %eq3A_145 : i32
        %select_n3A_147 = arith.constant 0 : i32
        %select_n3A_148 = arith.select %eq3A_146, %select_n3A_147, %select_n3A_144 : i32
        %add3A_149 = arith.addi %select_n3A_148, %mul3A_6 : i32
        %add3A_150 = arith.constant 1 : i32
        %add3A_151 = arith.addi %select_n3A_148, %add3A_150 : i32
        %select_n3A_152 = arith.constant true
        %select_n3A_153 = arith.select %select_n3A_152, %add3A_151, %select_n3A_148 : i32
        %eq3A_154 = arith.constant 4 : i32
        %eq3A_155 = arith.cmpi eq, %select_n3A_153, %eq3A_154 : i32
        %select_n3A_156 = arith.constant 0 : i32
        %select_n3A_157 = arith.select %eq3A_155, %select_n3A_156, %select_n3A_153 : i32
        %add3A_158 = arith.addi %select_n3A_157, %mul3A_6 : i32
        %ne3A = arith.cmpi ne, %add3A_131, %add3A_149 : i32
        %or3A = arith.constant false
        %or3A_159 = arith.ori %or3A, %ne3A : i1
        %ge3A = arith.constant 3 : i32
        %ge3A_160 = arith.cmpi sge, %scan3A_121, %ge3A : i32
        %not3A = arith.constant true
        %not3A_161 = arith.xori %ge3A_160, %not3A : i1
        %and3A = arith.andi %or3A_159, %not3A_161 : i1
        %convert_element_type3A = arith.extui %and3A : i1 to i32
        %cond3A = arith.constant 0 : i32
        %cond3A_162 = arith.cmpi ne, %convert_element_type3A, %cond3A : i32
        scf.if %cond3A_162 {
          "tpu.trace_start"() <{level = 10 : i32, message = "ep_copy_in"}> : () -> ()
          %rem3A_264 = arith.constant 2 : i32
          %rem3A_265 = arith.remui %scan3A_122, %rem3A_264 : i32
          %mul3A_266 = arith.constant 128 : i32
          %mul3A_267 = arith.muli %mul3A_266, %add3A_149 : i32
          %dma_start3A_268 = arith.constant 0 : i32
          %dma_start3A_269 = arith.constant 0 : i32
          %dma_start3A_270 = tpu.memref_slice %run_scoped3A[%rem3A_265, %dma_start3A_268, %dma_start3A_269] : memref<2x1x128xi32, #tpu.memory_space<vmem>> -> memref<1x1x128xi32, #tpu.memory_space<vmem>>
          %dma_start3A_271 = tpu.memref_squeeze %dma_start3A_270 : memref<1x1x128xi32, #tpu.memory_space<vmem>> -> memref<1x128xi32, #tpu.memory_space<vmem>>
          %dma_start3A_272 = arith.constant 0 : i32
          %dma_start3A_273 = tpu.memref_slice %arg3[%dma_start3A_272, %mul3A_267] : memref<1x16384xi32, #tpu.memory_space<hbm>> -> memref<1x128xi32, #tpu.memory_space<hbm>>
          %dma_start3A_274 = tpu.memref_slice %run_scoped3A_7[%rem3A_265] : memref<2x!tpu.dma_semaphore, #tpu.memory_space<semaphore_mem>> -> memref<1x!tpu.dma_semaphore, #tpu.memory_space<semaphore_mem>>
          %dma_start3A_275 = tpu.memref_squeeze %dma_start3A_274 : memref<1x!tpu.dma_semaphore, #tpu.memory_space<semaphore_mem>> -> memref<!tpu.dma_semaphore, #tpu.memory_space<semaphore_mem>>
          %dma_start3A_276 = arith.constant 0 : i32
          %dma_start3A_277 = arith.constant 0 : i32
          %dma_start3A_278 = tpu.memref_slice %run_scoped3A[%rem3A_265, %dma_start3A_276, %dma_start3A_277] : memref<2x1x128xi32, #tpu.memory_space<vmem>> -> memref<1x1x128xi32, #tpu.memory_space<vmem>>
          %dma_start3A_279 = tpu.memref_squeeze %dma_start3A_278 : memref<1x1x128xi32, #tpu.memory_space<vmem>> -> memref<1x128xi32, #tpu.memory_space<vmem>>
          %dma_start3A_280 = arith.constant 0 : i32
          %dma_start3A_281 = tpu.memref_slice %arg3[%dma_start3A_280, %mul3A_267] : memref<1x16384xi32, #tpu.memory_space<hbm>> -> memref<1x128xi32, #tpu.memory_space<hbm>>
          tpu.enqueue_dma source(%dma_start3A_281 : memref<1x128xi32, #tpu.memory_space<hbm>>) target(%dma_start3A_279 : memref<1x128xi32, #tpu.memory_space<vmem>>) target_semaphore(%dma_start3A_275 : memref<!tpu.dma_semaphore, #tpu.memory_space<semaphore_mem>>)
          "tpu.trace_stop"() : () -> ()
        } else {
        }
        %and3A_163 = arith.constant true
        %and3A_164 = arith.andi %and3A, %and3A_163 : i1
        %add3A_165 = arith.constant 1 : i32
        %add3A_166 = arith.addi %scan3A_122, %add3A_165 : i32
        %select_n3A_167 = arith.select %and3A_164, %add3A_166, %scan3A_122 : i32
        %ne3A_168 = arith.cmpi ne, %add3A_131, %add3A_149 : i32
        %or3A_169 = arith.constant false
        %or3A_170 = arith.ori %or3A_169, %ne3A_168 : i1
        %or3A_171 = arith.constant false
        %or3A_172 = arith.ori %or3A_170, %or3A_171 : i1
        %ge3A_173 = arith.constant 3 : i32
        %ge3A_174 = arith.cmpi sge, %scan3A_121, %ge3A_173 : i32
        %not3A_175 = arith.constant true
        %not3A_176 = arith.xori %ge3A_174, %not3A_175 : i1
        %and3A_177 = arith.andi %or3A_172, %not3A_176 : i1
        %ne3A_178 = arith.cmpi ne, %add3A_131, %add3A_140 : i32
        %or3A_179 = arith.constant false
        %or3A_180 = arith.ori %or3A_179, %ne3A_178 : i1
        %or3A_181 = arith.ori %or3A_180, %eq3A_128 : i1
        %convert_element_type3A_182 = arith.extui %or3A_181 : i1 to i32
        %cond3A_183 = arith.constant 0 : i32
        %cond3A_184 = arith.cmpi ne, %convert_element_type3A_182, %cond3A_183 : i32
        scf.if %cond3A_184 {
          "tpu.trace_start"() <{level = 10 : i32, message = "ep_wait_in"}> : () -> ()
          %mul3A_264 = arith.constant 128 : i32
          %mul3A_265 = arith.muli %mul3A_264, %add3A_131 : i32
          %rem3A_266 = arith.constant 2 : i32
          %rem3A_267 = arith.remui %scan3A_123, %rem3A_266 : i32
          %dma_wait3A_268 = arith.constant 0 : i32
          %dma_wait3A_269 = arith.constant 0 : i32
          %dma_wait3A_270 = tpu.memref_slice %run_scoped3A[%rem3A_267, %dma_wait3A_268, %dma_wait3A_269] : memref<2x1x128xi32, #tpu.memory_space<vmem>> -> memref<1x1x128xi32, #tpu.memory_space<vmem>>
          %dma_wait3A_271 = tpu.memref_squeeze %dma_wait3A_270 : memref<1x1x128xi32, #tpu.memory_space<vmem>> -> memref<1x128xi32, #tpu.memory_space<vmem>>
          %dma_wait3A_272 = arith.constant 0 : i32
          %dma_wait3A_273 = tpu.memref_slice %arg3[%dma_wait3A_272, %mul3A_265] : memref<1x16384xi32, #tpu.memory_space<hbm>> -> memref<1x128xi32, #tpu.memory_space<hbm>>
          %dma_wait3A_274 = tpu.memref_slice %run_scoped3A_7[%rem3A_267] : memref<2x!tpu.dma_semaphore, #tpu.memory_space<semaphore_mem>> -> memref<1x!tpu.dma_semaphore, #tpu.memory_space<semaphore_mem>>
          %dma_wait3A_275 = tpu.memref_squeeze %dma_wait3A_274 : memref<1x!tpu.dma_semaphore, #tpu.memory_space<semaphore_mem>> -> memref<!tpu.dma_semaphore, #tpu.memory_space<semaphore_mem>>
          %dma_wait3A_276 = arith.constant 0 : i32
          %dma_wait3A_277 = arith.constant 0 : i32
          %dma_wait3A_278 = tpu.memref_slice %run_scoped3A[%rem3A_267, %dma_wait3A_276, %dma_wait3A_277] : memref<2x1x128xi32, #tpu.memory_space<vmem>> -> memref<1x1x128xi32, #tpu.memory_space<vmem>>
          %dma_wait3A_279 = tpu.memref_squeeze %dma_wait3A_278 : memref<1x1x128xi32, #tpu.memory_space<vmem>> -> memref<1x128xi32, #tpu.memory_space<vmem>>
          %dma_wait3A_280 = arith.constant 0 : i32
          %dma_wait3A_281 = tpu.memref_slice %arg3[%dma_wait3A_280, %mul3A_265] : memref<1x16384xi32, #tpu.memory_space<hbm>> -> memref<1x128xi32, #tpu.memory_space<hbm>>
          tpu.wait_dma2 semaphore(%dma_wait3A_275 : memref<!tpu.dma_semaphore, #tpu.memory_space<semaphore_mem>>) src(%dma_wait3A_281 : memref<1x128xi32, #tpu.memory_space<hbm>>) dst(%dma_wait3A_279 : memref<1x128xi32, #tpu.memory_space<vmem>>)
          "tpu.trace_stop"() : () -> ()
        } else {
        }
        %ne3A_185 = arith.cmpi ne, %add3A_131, %add3A_140 : i32
        %or3A_186 = arith.constant false
        %or3A_187 = arith.ori %or3A_186, %ne3A_185 : i1
        %or3A_188 = arith.constant false
        %or3A_189 = arith.ori %or3A_187, %or3A_188 : i1
        %or3A_190 = arith.ori %or3A_189, %eq3A_128 : i1
        %convert_element_type3A_191 = arith.extui %or3A_190 : i1 to i32
        %cond3A_192 = arith.constant 0 : i32
        %cond3A_193 = arith.cmpi ne, %convert_element_type3A_191, %cond3A_192 : i32
        scf.if %cond3A_193 {
        } else {
        }
        %rem3A_194 = arith.constant 2 : i32
        %rem3A_195 = arith.remui %scan3A_123, %rem3A_194 : i32
        %rem3A_196 = arith.constant 2 : i32
        %rem3A_197 = arith.remui %scan3A_124, %rem3A_196 : i32
        %run_scoped3A_198 = arith.constant 0 : i32
        "tpu.trace_start"() <{level = 10 : i32, message = "ep_run_kernel"}> : () -> ()
        "tpu.region"() ({
          %run_scoped3A_264 = tpu.sem_alloc : memref<!tpu.dma_semaphore, #tpu.memory_space<semaphore_mem>>
          %dma_start3A_265 = arith.constant 0 : i32
          %dma_start3A_266 = arith.constant 0 : i32
          %dma_start3A_267 = tpu.memref_slice %run_scoped3A_8[%rem3A_197, %dma_start3A_265, %dma_start3A_266] : memref<2x128x384xf32, #tpu.memory_space<vmem>> -> memref<1x128x384xf32, #tpu.memory_space<vmem>>
          %dma_start3A_268 = tpu.memref_squeeze %dma_start3A_267 : memref<1x128x384xf32, #tpu.memory_space<vmem>> -> memref<128x384xf32, #tpu.memory_space<vmem>>
          %dma_start3A_269 = arith.constant 0 : i32
          %dma_start3A_270 = arith.constant 0 : i32
          %dma_start3A_271 = tpu.memref_slice %run_scoped3A[%rem3A_195, %dma_start3A_269, %dma_start3A_270] : memref<2x1x128xi32, #tpu.memory_space<vmem>> -> memref<1x1x128xi32, #tpu.memory_space<vmem>>
          %dma_start3A_272 = tpu.memref_squeeze %dma_start3A_271 : memref<1x1x128xi32, #tpu.memory_space<vmem>> -> memref<1x128xi32, #tpu.memory_space<vmem>>
          %dma_start3A_273 = arith.constant 0 : i32
          %dma_start3A_274 = tpu.memref_slice %dma_start3A_272[%run_scoped3A_198, %dma_start3A_273] : memref<1x128xi32, #tpu.memory_space<vmem>> -> memref<1x128xi32, #tpu.memory_space<vmem>>
          %dma_start3A_275 = tpu.memref_squeeze %dma_start3A_274 : memref<1x128xi32, #tpu.memory_space<vmem>> -> memref<128xi32, #tpu.memory_space<vmem>>
          %dma_start3A_276 = arith.constant 0 : i32
          %dma_start3A_277 = arith.constant 0 : i32
          %dma_start3A_278 = tpu.memref_slice %arg2[%dma_start3A_276, %dma_start3A_277] : memref<19456x384xf32, #tpu.memory_space<hbm>> -> memref<19456x384xf32, #tpu.memory_space<hbm>>
          tpu.enqueue_indirect_dma source(%dma_start3A_278 : memref<19456x384xf32, #tpu.memory_space<hbm>>) target(%dma_start3A_268 : memref<128x384xf32, #tpu.memory_space<vmem>>) offsets(%dma_start3A_275 : memref<128xi32, #tpu.memory_space<vmem>>) semaphore(%run_scoped3A_264 : memref<!tpu.dma_semaphore, #tpu.memory_space<semaphore_mem>>)
          %dma_wait3A_279 = arith.constant 0 : i32
          %dma_wait3A_280 = arith.constant 0 : i32
          %dma_wait3A_281 = tpu.memref_slice %run_scoped3A_8[%rem3A_197, %dma_wait3A_279, %dma_wait3A_280] : memref<2x128x384xf32, #tpu.memory_space<vmem>> -> memref<1x128x384xf32, #tpu.memory_space<vmem>>
          %dma_wait3A_282 = tpu.memref_squeeze %dma_wait3A_281 : memref<1x128x384xf32, #tpu.memory_space<vmem>> -> memref<128x384xf32, #tpu.memory_space<vmem>>
          %dma_wait3A_283 = arith.constant 0 : i32
          %dma_wait3A_284 = arith.constant 0 : i32
          %dma_wait3A_285 = tpu.memref_slice %run_scoped3A[%rem3A_195, %dma_wait3A_283, %dma_wait3A_284] : memref<2x1x128xi32, #tpu.memory_space<vmem>> -> memref<1x1x128xi32, #tpu.memory_space<vmem>>
          %dma_wait3A_286 = tpu.memref_squeeze %dma_wait3A_285 : memref<1x1x128xi32, #tpu.memory_space<vmem>> -> memref<1x128xi32, #tpu.memory_space<vmem>>
          %dma_wait3A_287 = arith.constant 0 : i32
          %dma_wait3A_288 = tpu.memref_slice %dma_wait3A_286[%run_scoped3A_198, %dma_wait3A_287] : memref<1x128xi32, #tpu.memory_space<vmem>> -> memref<1x128xi32, #tpu.memory_space<vmem>>
          %dma_wait3A_289 = tpu.memref_squeeze %dma_wait3A_288 : memref<1x128xi32, #tpu.memory_space<vmem>> -> memref<128xi32, #tpu.memory_space<vmem>>
          %dma_wait3A_290 = arith.constant 0 : i32
          %dma_wait3A_291 = arith.constant 0 : i32
          %dma_wait3A_292 = tpu.memref_slice %arg2[%dma_wait3A_290, %dma_wait3A_291] : memref<19456x384xf32, #tpu.memory_space<hbm>> -> memref<19456x384xf32, #tpu.memory_space<hbm>>
          tpu.wait_indirect_dma semaphore(%run_scoped3A_264 : memref<!tpu.dma_semaphore, #tpu.memory_space<semaphore_mem>>) src(%dma_wait3A_292 : memref<19456x384xf32, #tpu.memory_space<hbm>>) dst(%dma_wait3A_282 : memref<128x384xf32, #tpu.memory_space<vmem>>)
          tpu.yield
        }) : () -> ()
        "tpu.trace_stop"() : () -> ()
        %ne3A_199 = arith.cmpi ne, %add3A_131, %add3A_149 : i32
        %or3A_200 = arith.constant false
        %or3A_201 = arith.ori %or3A_200, %ne3A_199 : i1
        %or3A_202 = arith.ori %or3A_201, %eq3A_130 : i1
        %convert_element_type3A_203 = arith.extui %or3A_202 : i1 to i32
        %cond3A_204 = arith.constant 0 : i32
        %cond3A_205 = arith.cmpi ne, %convert_element_type3A_203, %cond3A_204 : i32
        scf.if %cond3A_205 {
        } else {
        }
        %and3A_206 = arith.constant false
        %and3A_207 = arith.andi %or3A_202, %and3A_206 : i1
        %ne3A_208 = arith.cmpi ne, %add3A_131, %add3A_149 : i32
        %or3A_209 = arith.constant false
        %or3A_210 = arith.ori %or3A_209, %ne3A_208 : i1
        %or3A_211 = arith.constant false
        %or3A_212 = arith.ori %or3A_210, %or3A_211 : i1
        %or3A_213 = arith.ori %or3A_212, %eq3A_130 : i1
        %convert_element_type3A_214 = arith.extui %or3A_213 : i1 to i32
        %cond3A_215 = arith.constant 0 : i32
        %cond3A_216 = arith.cmpi ne, %convert_element_type3A_214, %cond3A_215 : i32
        scf.if %cond3A_216 {
          "tpu.trace_start"() <{level = 10 : i32, message = "ep_copy_out"}> : () -> ()
          %rem3A_264 = arith.constant 2 : i32
          %rem3A_265 = arith.remui %scan3A_124, %rem3A_264 : i32
          %mul3A_266 = arith.constant 128 : i32
          %mul3A_267 = arith.muli %mul3A_266, %add3A_131 : i32
          %dma_start3A_268 = arith.constant 0 : i32
          %dma_start3A_269 = arith.constant 0 : i32
          %dma_start3A_270 = tpu.memref_slice %run_scoped3A_8[%rem3A_265, %dma_start3A_268, %dma_start3A_269] : memref<2x128x384xf32, #tpu.memory_space<vmem>> -> memref<1x128x384xf32, #tpu.memory_space<vmem>>
          %dma_start3A_271 = tpu.memref_squeeze %dma_start3A_270 : memref<1x128x384xf32, #tpu.memory_space<vmem>> -> memref<128x384xf32, #tpu.memory_space<vmem>>
          %dma_start3A_272 = arith.constant 0 : i32
          %dma_start3A_273 = tpu.memref_slice %arg4[%mul3A_267, %dma_start3A_272] : memref<16384x384xf32, #tpu.memory_space<hbm>> -> memref<128x384xf32, #tpu.memory_space<hbm>>
          %dma_start3A_274 = tpu.memref_slice %run_scoped3A_9[%rem3A_265] : memref<2x!tpu.dma_semaphore, #tpu.memory_space<semaphore_mem>> -> memref<1x!tpu.dma_semaphore, #tpu.memory_space<semaphore_mem>>
          %dma_start3A_275 = tpu.memref_squeeze %dma_start3A_274 : memref<1x!tpu.dma_semaphore, #tpu.memory_space<semaphore_mem>> -> memref<!tpu.dma_semaphore, #tpu.memory_space<semaphore_mem>>
          %dma_start3A_276 = arith.constant 0 : i32
          %dma_start3A_277 = tpu.memref_slice %arg4[%mul3A_267, %dma_start3A_276] : memref<16384x384xf32, #tpu.memory_space<hbm>> -> memref<128x384xf32, #tpu.memory_space<hbm>>
          %dma_start3A_278 = arith.constant 0 : i32
          %dma_start3A_279 = arith.constant 0 : i32
          %dma_start3A_280 = tpu.memref_slice %run_scoped3A_8[%rem3A_265, %dma_start3A_278, %dma_start3A_279] : memref<2x128x384xf32, #tpu.memory_space<vmem>> -> memref<1x128x384xf32, #tpu.memory_space<vmem>>
          %dma_start3A_281 = tpu.memref_squeeze %dma_start3A_280 : memref<1x128x384xf32, #tpu.memory_space<vmem>> -> memref<128x384xf32, #tpu.memory_space<vmem>>
          tpu.enqueue_dma source(%dma_start3A_281 : memref<128x384xf32, #tpu.memory_space<vmem>>) target(%dma_start3A_277 : memref<128x384xf32, #tpu.memory_space<hbm>>) target_semaphore(%dma_start3A_275 : memref<!tpu.dma_semaphore, #tpu.memory_space<semaphore_mem>>)
          "tpu.trace_stop"() : () -> ()
        } else {
        }
        %and3A_217 = arith.constant true
        %and3A_218 = arith.andi %or3A_213, %and3A_217 : i1
        %add3A_219 = arith.constant 1 : i32
        %add3A_220 = arith.addi %scan3A_124, %add3A_219 : i32
        %select_n3A_221 = arith.select %and3A_218, %add3A_220, %scan3A_124 : i32
        %ne3A_222 = arith.cmpi ne, %add3A_131, %add3A_140 : i32
        %or3A_223 = arith.constant false
        %or3A_224 = arith.ori %or3A_223, %ne3A_222 : i1
        %not3A_225 = arith.constant true
        %not3A_226 = arith.xori %eq3A_128, %not3A_225 : i1
        %and3A_227 = arith.andi %or3A_224, %not3A_226 : i1
        %convert_element_type3A_228 = arith.extui %and3A_227 : i1 to i32
        %cond3A_229 = arith.constant 0 : i32
        %cond3A_230 = arith.cmpi ne, %convert_element_type3A_228, %cond3A_229 : i32
        scf.if %cond3A_230 {
        } else {
        }
        %and3A_231 = arith.constant false
        %and3A_232 = arith.andi %and3A_227, %and3A_231 : i1
        %ne3A_233 = arith.cmpi ne, %add3A_131, %add3A_140 : i32
        %or3A_234 = arith.constant false
        %or3A_235 = arith.ori %or3A_234, %ne3A_233 : i1
        %or3A_236 = arith.constant false
        %or3A_237 = arith.ori %or3A_235, %or3A_236 : i1
        %not3A_238 = arith.constant true
        %not3A_239 = arith.xori %eq3A_128, %not3A_238 : i1
        %and3A_240 = arith.andi %or3A_237, %not3A_239 : i1
        %convert_element_type3A_241 = arith.extui %and3A_240 : i1 to i32
        %cond3A_242 = arith.constant 0 : i32
        %cond3A_243 = arith.cmpi ne, %convert_element_type3A_241, %cond3A_242 : i32
        scf.if %cond3A_243 {
          "tpu.trace_start"() <{level = 10 : i32, message = "ep_wait_out"}> : () -> ()
          %rem3A_264 = arith.constant 2 : i32
          %rem3A_265 = arith.remui %scan3A_125, %rem3A_264 : i32
          %mul3A_266 = arith.constant 128 : i32
          %mul3A_267 = arith.muli %mul3A_266, %add3A_140 : i32
          %dma_wait3A_268 = arith.constant 0 : i32
          %dma_wait3A_269 = arith.constant 0 : i32
          %dma_wait3A_270 = tpu.memref_slice %run_scoped3A_8[%rem3A_265, %dma_wait3A_268, %dma_wait3A_269] : memref<2x128x384xf32, #tpu.memory_space<vmem>> -> memref<1x128x384xf32, #tpu.memory_space<vmem>>
          %dma_wait3A_271 = tpu.memref_squeeze %dma_wait3A_270 : memref<1x128x384xf32, #tpu.memory_space<vmem>> -> memref<128x384xf32, #tpu.memory_space<vmem>>
          %dma_wait3A_272 = arith.constant 0 : i32
          %dma_wait3A_273 = tpu.memref_slice %arg4[%mul3A_267, %dma_wait3A_272] : memref<16384x384xf32, #tpu.memory_space<hbm>> -> memref<128x384xf32, #tpu.memory_space<hbm>>
          %dma_wait3A_274 = tpu.memref_slice %run_scoped3A_9[%rem3A_265] : memref<2x!tpu.dma_semaphore, #tpu.memory_space<semaphore_mem>> -> memref<1x!tpu.dma_semaphore, #tpu.memory_space<semaphore_mem>>
          %dma_wait3A_275 = tpu.memref_squeeze %dma_wait3A_274 : memref<1x!tpu.dma_semaphore, #tpu.memory_space<semaphore_mem>> -> memref<!tpu.dma_semaphore, #tpu.memory_space<semaphore_mem>>
          %dma_wait3A_276 = arith.constant 0 : i32
          %dma_wait3A_277 = tpu.memref_slice %arg4[%mul3A_267, %dma_wait3A_276] : memref<16384x384xf32, #tpu.memory_space<hbm>> -> memref<128x384xf32, #tpu.memory_space<hbm>>
          %dma_wait3A_278 = arith.constant 0 : i32
          %dma_wait3A_279 = arith.constant 0 : i32
          %dma_wait3A_280 = tpu.memref_slice %run_scoped3A_8[%rem3A_265, %dma_wait3A_278, %dma_wait3A_279] : memref<2x128x384xf32, #tpu.memory_space<vmem>> -> memref<1x128x384xf32, #tpu.memory_space<vmem>>
          %dma_wait3A_281 = tpu.memref_squeeze %dma_wait3A_280 : memref<1x128x384xf32, #tpu.memory_space<vmem>> -> memref<128x384xf32, #tpu.memory_space<vmem>>
          tpu.wait_dma2 semaphore(%dma_wait3A_275 : memref<!tpu.dma_semaphore, #tpu.memory_space<semaphore_mem>>) src(%dma_wait3A_281 : memref<128x384xf32, #tpu.memory_space<vmem>>) dst(%dma_wait3A_277 : memref<128x384xf32, #tpu.memory_space<hbm>>)
          "tpu.trace_stop"() : () -> ()
        } else {
        }
        %and3A_244 = arith.constant true
        %and3A_245 = arith.andi %and3A_240, %and3A_244 : i1
        %add3A_246 = arith.constant 1 : i32
        %add3A_247 = arith.addi %scan3A_125, %add3A_246 : i32
        %select_n3A_248 = arith.select %and3A_245, %add3A_247, %scan3A_125 : i32
        %ne3A_249 = arith.cmpi ne, %add3A_131, %add3A_149 : i32
        %or3A_250 = arith.constant false
        %or3A_251 = arith.ori %or3A_250, %ne3A_249 : i1
        %or3A_252 = arith.ori %or3A_251, %eq3A_130 : i1
        %add3A_253 = arith.constant 1 : i32
        %add3A_254 = arith.addi %scan3A_123, %add3A_253 : i32
        %select_n3A_255 = arith.select %or3A_252, %add3A_254, %scan3A_123 : i32
        %add3A_256 = arith.constant 1 : i32
        %add3A_257 = arith.addi %scan3A_126, %add3A_256 : i32
        %select_n3A_258 = arith.constant true
        %select_n3A_259 = arith.select %select_n3A_258, %add3A_257, %scan3A_126 : i32
        %eq3A_260 = arith.constant 4 : i32
        %eq3A_261 = arith.cmpi eq, %select_n3A_259, %eq3A_260 : i32
        %select_n3A_262 = arith.constant 0 : i32
        %select_n3A_263 = arith.select %eq3A_261, %select_n3A_262, %select_n3A_259 : i32
        scf.yield %select_n3A_167, %select_n3A_255, %select_n3A_221, %select_n3A_248, %select_n3A_263 : i32, i32, i32, i32, i32
      }
      %scan3A_68 = arith.constant 4 : i32
      %sub3A = arith.constant 1 : i32
      %sub3A_69 = arith.subi %scan3A_67#4, %sub3A : i32
      %select_n3A_70 = arith.constant true
      %select_n3A_71 = arith.select %select_n3A_70, %sub3A_69, %scan3A_67#4 : i32
      %eq3A_72 = arith.constant -1 : i32
      %eq3A_73 = arith.cmpi eq, %select_n3A_71, %eq3A_72 : i32
      %select_n3A_74 = arith.constant 3 : i32
      %select_n3A_75 = arith.select %eq3A_73, %select_n3A_74, %select_n3A_71 : i32
      %add3A_76 = arith.addi %select_n3A_75, %mul3A_6 : i32
      %sub3A_77 = arith.constant 1 : i32
      %sub3A_78 = arith.subi %select_n3A_75, %sub3A_77 : i32
      %select_n3A_79 = arith.constant true
      %select_n3A_80 = arith.select %select_n3A_79, %sub3A_78, %select_n3A_75 : i32
      %eq3A_81 = arith.constant -1 : i32
      %eq3A_82 = arith.cmpi eq, %select_n3A_80, %eq3A_81 : i32
      %select_n3A_83 = arith.constant 3 : i32
      %select_n3A_84 = arith.select %eq3A_82, %select_n3A_83, %select_n3A_80 : i32
      %add3A_85 = arith.addi %select_n3A_84, %mul3A_6 : i32
      %add3A_86 = arith.constant 1 : i32
      %add3A_87 = arith.addi %select_n3A_75, %add3A_86 : i32
      %select_n3A_88 = arith.constant true
      %select_n3A_89 = arith.select %select_n3A_88, %add3A_87, %select_n3A_75 : i32
      %eq3A_90 = arith.constant 4 : i32
      %eq3A_91 = arith.cmpi eq, %select_n3A_89, %eq3A_90 : i32
      %select_n3A_92 = arith.constant 0 : i32
      %select_n3A_93 = arith.select %eq3A_91, %select_n3A_92, %select_n3A_89 : i32
      %add3A_94 = arith.addi %select_n3A_93, %mul3A_6 : i32
      %add3A_95 = arith.constant 1 : i32
      %add3A_96 = arith.addi %select_n3A_93, %add3A_95 : i32
      %select_n3A_97 = arith.constant true
      %select_n3A_98 = arith.select %select_n3A_97, %add3A_96, %select_n3A_93 : i32
      %eq3A_99 = arith.constant 4 : i32
      %eq3A_100 = arith.cmpi eq, %select_n3A_98, %eq3A_99 : i32
      %select_n3A_101 = arith.constant 0 : i32
      %select_n3A_102 = arith.select %eq3A_100, %select_n3A_101, %select_n3A_98 : i32
      %add3A_103 = arith.addi %select_n3A_102, %mul3A_6 : i32
      "tpu.trace_start"() <{level = 10 : i32, message = "ep_finalize"}> : () -> ()
      %rem3A_104 = arith.constant 2 : i32
      %rem3A_105 = arith.remui %scan3A_67#3, %rem3A_104 : i32
      %mul3A_106 = arith.constant 128 : i32
      %mul3A_107 = arith.muli %mul3A_106, %add3A_76 : i32
      %dma_wait3A = arith.constant 0 : i32
      %dma_wait3A_108 = arith.constant 0 : i32
      %dma_wait3A_109 = tpu.memref_slice %run_scoped3A_8[%rem3A_105, %dma_wait3A, %dma_wait3A_108] : memref<2x128x384xf32, #tpu.memory_space<vmem>> -> memref<1x128x384xf32, #tpu.memory_space<vmem>>
      %dma_wait3A_110 = tpu.memref_squeeze %dma_wait3A_109 : memref<1x128x384xf32, #tpu.memory_space<vmem>> -> memref<128x384xf32, #tpu.memory_space<vmem>>
      %dma_wait3A_111 = arith.constant 0 : i32
      %dma_wait3A_112 = tpu.memref_slice %arg4[%mul3A_107, %dma_wait3A_111] : memref<16384x384xf32, #tpu.memory_space<hbm>> -> memref<128x384xf32, #tpu.memory_space<hbm>>
      %dma_wait3A_113 = tpu.memref_slice %run_scoped3A_9[%rem3A_105] : memref<2x!tpu.dma_semaphore, #tpu.memory_space<semaphore_mem>> -> memref<1x!tpu.dma_semaphore, #tpu.memory_space<semaphore_mem>>
      %dma_wait3A_114 = tpu.memref_squeeze %dma_wait3A_113 : memref<1x!tpu.dma_semaphore, #tpu.memory_space<semaphore_mem>> -> memref<!tpu.dma_semaphore, #tpu.memory_space<semaphore_mem>>
      %dma_wait3A_115 = arith.constant 0 : i32
      %dma_wait3A_116 = tpu.memref_slice %arg4[%mul3A_107, %dma_wait3A_115] : memref<16384x384xf32, #tpu.memory_space<hbm>> -> memref<128x384xf32, #tpu.memory_space<hbm>>
      %dma_wait3A_117 = arith.constant 0 : i32
      %dma_wait3A_118 = arith.constant 0 : i32
      %dma_wait3A_119 = tpu.memref_slice %run_scoped3A_8[%rem3A_105, %dma_wait3A_117, %dma_wait3A_118] : memref<2x128x384xf32, #tpu.memory_space<vmem>> -> memref<1x128x384xf32, #tpu.memory_space<vmem>>
      %dma_wait3A_120 = tpu.memref_squeeze %dma_wait3A_119 : memref<1x128x384xf32, #tpu.memory_space<vmem>> -> memref<128x384xf32, #tpu.memory_space<vmem>>
      tpu.wait_dma2 semaphore(%dma_wait3A_114 : memref<!tpu.dma_semaphore, #tpu.memory_space<semaphore_mem>>) src(%dma_wait3A_120 : memref<128x384xf32, #tpu.memory_space<vmem>>) dst(%dma_wait3A_116 : memref<128x384xf32, #tpu.memory_space<hbm>>)
      "tpu.trace_stop"() : () -> ()
      tpu.yield
    }) : () -> ()
    return
  }
}

#map = affine_map<(d0, d1) -> (0, 0)>
module attributes {stable_mosaic.version = 14 : i64} {
  func.func @skern(%arg0: i32, %arg1: i32, %arg2: memref<16384x384xf32, #tpu.memory_space<hbm>>, %arg3: memref<16384x128xf32, #tpu.memory_space<hbm>>, %arg4: memref<1x16384xi32, #tpu.memory_space<hbm>>, %arg5: memref<19456x384xf32, #tpu.memory_space<hbm>>, %arg6: memref<19456x128xf32, #tpu.memory_space<hbm>>) attributes {dimension_semantics = [#tpu.dimension_semantics<core_parallel>, #tpu.dimension_semantics<subcore_parallel>], iteration_bounds = array<i64: 2, 16>, scalar_prefetch = 0 : i64, scratch_operands = 0 : i64, tpu.core_type = #tpu.core_type<sc_vector_subcore>, window_params = [{transform_indices = #map}, {transform_indices = #map}, {transform_indices = #map}, {transform_indices = #map}, {transform_indices = #map}]} {
    %eq3A = arith.constant 0 : i32
    %eq3A_0 = arith.cmpi eq, %arg0, %eq3A : i32
    %convert_element_type3A = arith.extui %eq3A_0 : i1 to i32
    %cond3A = arith.constant 0 : i32
    %cond3A_1 = arith.cmpi ne, %convert_element_type3A, %cond3A : i32
    scf.if %cond3A_1 {
      %mul3A = arith.constant 8 : i32
      %mul3A_7 = arith.muli %arg1, %mul3A : i32
      "tpu.region"() ({
        %run_scoped3A = memref.alloca() : memref<2x128x384xf32, #tpu.memory_space<vmem>>
        %run_scoped3A_8 = tpu.sem_alloc : memref<2x!tpu.dma_semaphore, #tpu.memory_space<semaphore_mem>>
        %run_scoped3A_9 = memref.alloca() : memref<2x1x128xi32, #tpu.memory_space<vmem>>
        %run_scoped3A_10 = tpu.sem_alloc : memref<2x!tpu.dma_semaphore, #tpu.memory_space<semaphore_mem>>
        %add3A = arith.constant 0 : i32
        %add3A_11 = arith.addi %add3A, %mul3A_7 : i32
        %select_n3A = arith.constant true
        %select_n3A_12 = arith.constant 0 : i32
        %select_n3A_13 = arith.constant -1 : i32
        %select_n3A_14 = arith.select %select_n3A, %select_n3A_13, %select_n3A_12 : i32
        %eq3A_15 = arith.constant -1 : i32
        %eq3A_16 = arith.cmpi eq, %select_n3A_14, %eq3A_15 : i32
        %select_n3A_17 = arith.constant 7 : i32
        %select_n3A_18 = arith.select %eq3A_16, %select_n3A_17, %select_n3A_14 : i32
        %add3A_19 = arith.addi %select_n3A_18, %mul3A_7 : i32
        %select_n3A_20 = arith.constant true
        %select_n3A_21 = arith.constant 0 : i32
        %select_n3A_22 = arith.constant 1 : i32
        %select_n3A_23 = arith.select %select_n3A_20, %select_n3A_22, %select_n3A_21 : i32
        %eq3A_24 = arith.constant 8 : i32
        %eq3A_25 = arith.cmpi eq, %select_n3A_23, %eq3A_24 : i32
        %select_n3A_26 = arith.constant 0 : i32
        %select_n3A_27 = arith.select %eq3A_25, %select_n3A_26, %select_n3A_23 : i32
        %add3A_28 = arith.addi %select_n3A_27, %mul3A_7 : i32
        %add3A_29 = arith.constant 1 : i32
        %add3A_30 = arith.addi %select_n3A_27, %add3A_29 : i32
        %select_n3A_31 = arith.constant true
        %select_n3A_32 = arith.select %select_n3A_31, %add3A_30, %select_n3A_27 : i32
        %eq3A_33 = arith.constant 8 : i32
        %eq3A_34 = arith.cmpi eq, %select_n3A_32, %eq3A_33 : i32
        %select_n3A_35 = arith.constant 0 : i32
        %select_n3A_36 = arith.select %eq3A_34, %select_n3A_35, %select_n3A_32 : i32
        %add3A_37 = arith.addi %select_n3A_36, %mul3A_7 : i32
        "tpu.trace_start"() <{level = 10 : i32, message = "ep_initialize_0"}> : () -> ()
        %rem3A = arith.constant 0 : i32
        %rem3A_38 = arith.constant 2 : i32
        %rem3A_39 = arith.remui %rem3A, %rem3A_38 : i32
        %mul3A_40 = arith.constant 128 : i32
        %mul3A_41 = arith.muli %mul3A_40, %add3A_11 : i32
        %dma_start3A = arith.constant 0 : i32
        %dma_start3A_42 = arith.constant 0 : i32
        %dma_start3A_43 = tpu.memref_slice %run_scoped3A[%rem3A_39, %dma_start3A, %dma_start3A_42] : memref<2x128x384xf32, #tpu.memory_space<vmem>> -> memref<1x128x384xf32, #tpu.memory_space<vmem>>
        %dma_start3A_44 = tpu.memref_squeeze %dma_start3A_43 : memref<1x128x384xf32, #tpu.memory_space<vmem>> -> memref<128x384xf32, #tpu.memory_space<vmem>>
        %dma_start3A_45 = arith.constant 0 : i32
        %dma_start3A_46 = tpu.memref_slice %arg2[%mul3A_41, %dma_start3A_45] : memref<16384x384xf32, #tpu.memory_space<hbm>> -> memref<128x384xf32, #tpu.memory_space<hbm>>
        %dma_start3A_47 = tpu.memref_slice %run_scoped3A_8[%rem3A_39] : memref<2x!tpu.dma_semaphore, #tpu.memory_space<semaphore_mem>> -> memref<1x!tpu.dma_semaphore, #tpu.memory_space<semaphore_mem>>
        %dma_start3A_48 = tpu.memref_squeeze %dma_start3A_47 : memref<1x!tpu.dma_semaphore, #tpu.memory_space<semaphore_mem>> -> memref<!tpu.dma_semaphore, #tpu.memory_space<semaphore_mem>>
        %dma_start3A_49 = arith.constant 0 : i32
        %dma_start3A_50 = arith.constant 0 : i32
        %dma_start3A_51 = tpu.memref_slice %run_scoped3A[%rem3A_39, %dma_start3A_49, %dma_start3A_50] : memref<2x128x384xf32, #tpu.memory_space<vmem>> -> memref<1x128x384xf32, #tpu.memory_space<vmem>>
        %dma_start3A_52 = tpu.memref_squeeze %dma_start3A_51 : memref<1x128x384xf32, #tpu.memory_space<vmem>> -> memref<128x384xf32, #tpu.memory_space<vmem>>
        %dma_start3A_53 = arith.constant 0 : i32
        %dma_start3A_54 = tpu.memref_slice %arg2[%mul3A_41, %dma_start3A_53] : memref<16384x384xf32, #tpu.memory_space<hbm>> -> memref<128x384xf32, #tpu.memory_space<hbm>>
        tpu.enqueue_dma source(%dma_start3A_54 : memref<128x384xf32, #tpu.memory_space<hbm>>) target(%dma_start3A_52 : memref<128x384xf32, #tpu.memory_space<vmem>>) target_semaphore(%dma_start3A_48 : memref<!tpu.dma_semaphore, #tpu.memory_space<semaphore_mem>>)
        %add3A_55 = arith.constant 0 : i32
        %add3A_56 = arith.constant 1 : i32
        %add3A_57 = arith.addi %add3A_55, %add3A_56 : i32
        %select_n3A_58 = arith.constant true
        %select_n3A_59 = arith.constant 0 : i32
        %select_n3A_60 = arith.select %select_n3A_58, %add3A_57, %select_n3A_59 : i32
        %rem3A_61 = arith.constant 0 : i32
        %rem3A_62 = arith.constant 2 : i32
        %rem3A_63 = arith.remui %rem3A_61, %rem3A_62 : i32
        %mul3A_64 = arith.constant 128 : i32
        %mul3A_65 = arith.muli %mul3A_64, %add3A_11 : i32
        %dma_start3A_66 = arith.constant 0 : i32
        %dma_start3A_67 = arith.constant 0 : i32
        %dma_start3A_68 = tpu.memref_slice %run_scoped3A_9[%rem3A_63, %dma_start3A_66, %dma_start3A_67] : memref<2x1x128xi32, #tpu.memory_space<vmem>> -> memref<1x1x128xi32, #tpu.memory_space<vmem>>
        %dma_start3A_69 = tpu.memref_squeeze %dma_start3A_68 : memref<1x1x128xi32, #tpu.memory_space<vmem>> -> memref<1x128xi32, #tpu.memory_space<vmem>>
        %dma_start3A_70 = arith.constant 0 : i32
        %dma_start3A_71 = tpu.memref_slice %arg4[%dma_start3A_70, %mul3A_65] : memref<1x16384xi32, #tpu.memory_space<hbm>> -> memref<1x128xi32, #tpu.memory_space<hbm>>
        %dma_start3A_72 = tpu.memref_slice %run_scoped3A_10[%rem3A_63] : memref<2x!tpu.dma_semaphore, #tpu.memory_space<semaphore_mem>> -> memref<1x!tpu.dma_semaphore, #tpu.memory_space<semaphore_mem>>
        %dma_start3A_73 = tpu.memref_squeeze %dma_start3A_72 : memref<1x!tpu.dma_semaphore, #tpu.memory_space<semaphore_mem>> -> memref<!tpu.dma_semaphore, #tpu.memory_space<semaphore_mem>>
        %dma_start3A_74 = arith.constant 0 : i32
        %dma_start3A_75 = arith.constant 0 : i32
        %dma_start3A_76 = tpu.memref_slice %run_scoped3A_9[%rem3A_63, %dma_start3A_74, %dma_start3A_75] : memref<2x1x128xi32, #tpu.memory_space<vmem>> -> memref<1x1x128xi32, #tpu.memory_space<vmem>>
        %dma_start3A_77 = tpu.memref_squeeze %dma_start3A_76 : memref<1x1x128xi32, #tpu.memory_space<vmem>> -> memref<1x128xi32, #tpu.memory_space<vmem>>
        %dma_start3A_78 = arith.constant 0 : i32
        %dma_start3A_79 = tpu.memref_slice %arg4[%dma_start3A_78, %mul3A_65] : memref<1x16384xi32, #tpu.memory_space<hbm>> -> memref<1x128xi32, #tpu.memory_space<hbm>>
        tpu.enqueue_dma source(%dma_start3A_79 : memref<1x128xi32, #tpu.memory_space<hbm>>) target(%dma_start3A_77 : memref<1x128xi32, #tpu.memory_space<vmem>>) target_semaphore(%dma_start3A_73 : memref<!tpu.dma_semaphore, #tpu.memory_space<semaphore_mem>>)
        %add3A_80 = arith.constant 0 : i32
        %add3A_81 = arith.constant 1 : i32
        %add3A_82 = arith.addi %add3A_80, %add3A_81 : i32
        %select_n3A_83 = arith.constant true
        %select_n3A_84 = arith.constant 0 : i32
        %select_n3A_85 = arith.select %select_n3A_83, %add3A_82, %select_n3A_84 : i32
        "tpu.trace_stop"() : () -> ()
        %scan3A = arith.constant 0 : i32
        %scan3A_86 = arith.constant 0 : i32
        %scan3A_87 = arith.constant 0 : i32
        %scan3A_88 = arith.constant 0 : i32
        %scan3A_89 = arith.constant 8 : i32
        %scan3A_90 = arith.addi %scan3A_88, %scan3A_89 : i32
        %scan3A_91 = arith.constant 1 : i32
        %scan3A_92:5 = scf.for %scan3A_129 = %scan3A_88 to %scan3A_90 step %scan3A_91 iter_args(%scan3A_130 = %select_n3A_60, %scan3A_131 = %scan3A, %scan3A_132 = %select_n3A_85, %scan3A_133 = %scan3A_86, %scan3A_134 = %scan3A_87) -> (i32, i32, i32, i32, i32)  : i32 {
          %eq3A_135 = arith.constant 0 : i32
          %eq3A_136 = arith.cmpi eq, %scan3A_129, %eq3A_135 : i32
          %eq3A_137 = arith.constant 7 : i32
          %eq3A_138 = arith.cmpi eq, %scan3A_129, %eq3A_137 : i32
          %add3A_139 = arith.addi %scan3A_134, %mul3A_7 : i32
          %sub3A_140 = arith.constant 1 : i32
          %sub3A_141 = arith.subi %scan3A_134, %sub3A_140 : i32
          %select_n3A_142 = arith.constant true
          %select_n3A_143 = arith.select %select_n3A_142, %sub3A_141, %scan3A_134 : i32
          %eq3A_144 = arith.constant -1 : i32
          %eq3A_145 = arith.cmpi eq, %select_n3A_143, %eq3A_144 : i32
          %select_n3A_146 = arith.constant 7 : i32
          %select_n3A_147 = arith.select %eq3A_145, %select_n3A_146, %select_n3A_143 : i32
          %add3A_148 = arith.addi %select_n3A_147, %mul3A_7 : i32
          %add3A_149 = arith.constant 1 : i32
          %add3A_150 = arith.addi %scan3A_134, %add3A_149 : i32
          %select_n3A_151 = arith.constant true
          %select_n3A_152 = arith.select %select_n3A_151, %add3A_150, %scan3A_134 : i32
          %eq3A_153 = arith.constant 8 : i32
          %eq3A_154 = arith.cmpi eq, %select_n3A_152, %eq3A_153 : i32
          %select_n3A_155 = arith.constant 0 : i32
          %select_n3A_156 = arith.select %eq3A_154, %select_n3A_155, %select_n3A_152 : i32
          %add3A_157 = arith.addi %select_n3A_156, %mul3A_7 : i32
          %add3A_158 = arith.constant 1 : i32
          %add3A_159 = arith.addi %select_n3A_156, %add3A_158 : i32
          %select_n3A_160 = arith.constant true
          %select_n3A_161 = arith.select %select_n3A_160, %add3A_159, %select_n3A_156 : i32
          %eq3A_162 = arith.constant 8 : i32
          %eq3A_163 = arith.cmpi eq, %select_n3A_161, %eq3A_162 : i32
          %select_n3A_164 = arith.constant 0 : i32
          %select_n3A_165 = arith.select %eq3A_163, %select_n3A_164, %select_n3A_161 : i32
          %add3A_166 = arith.addi %select_n3A_165, %mul3A_7 : i32
          %ne3A = arith.cmpi ne, %add3A_139, %add3A_157 : i32
          %or3A = arith.constant false
          %or3A_167 = arith.ori %or3A, %ne3A : i1
          %or3A_168 = arith.constant false
          %or3A_169 = arith.ori %or3A_167, %or3A_168 : i1
          %ge3A = arith.constant 7 : i32
          %ge3A_170 = arith.cmpi sge, %scan3A_129, %ge3A : i32
          %not3A = arith.constant true
          %not3A_171 = arith.xori %ge3A_170, %not3A : i1
          %and3A = arith.andi %or3A_169, %not3A_171 : i1
          %convert_element_type3A_172 = arith.extui %and3A : i1 to i32
          %cond3A_173 = arith.constant 0 : i32
          %cond3A_174 = arith.cmpi ne, %convert_element_type3A_172, %cond3A_173 : i32
          scf.if %cond3A_174 {
            "tpu.trace_start"() <{level = 10 : i32, message = "ep_copy_in"}> : () -> ()
            %rem3A_285 = arith.constant 2 : i32
            %rem3A_286 = arith.remui %scan3A_130, %rem3A_285 : i32
            %mul3A_287 = arith.constant 128 : i32
            %mul3A_288 = arith.muli %mul3A_287, %add3A_157 : i32
            %dma_start3A_289 = arith.constant 0 : i32
            %dma_start3A_290 = arith.constant 0 : i32
            %dma_start3A_291 = tpu.memref_slice %run_scoped3A[%rem3A_286, %dma_start3A_289, %dma_start3A_290] : memref<2x128x384xf32, #tpu.memory_space<vmem>> -> memref<1x128x384xf32, #tpu.memory_space<vmem>>
            %dma_start3A_292 = tpu.memref_squeeze %dma_start3A_291 : memref<1x128x384xf32, #tpu.memory_space<vmem>> -> memref<128x384xf32, #tpu.memory_space<vmem>>
            %dma_start3A_293 = arith.constant 0 : i32
            %dma_start3A_294 = tpu.memref_slice %arg2[%mul3A_288, %dma_start3A_293] : memref<16384x384xf32, #tpu.memory_space<hbm>> -> memref<128x384xf32, #tpu.memory_space<hbm>>
            %dma_start3A_295 = tpu.memref_slice %run_scoped3A_8[%rem3A_286] : memref<2x!tpu.dma_semaphore, #tpu.memory_space<semaphore_mem>> -> memref<1x!tpu.dma_semaphore, #tpu.memory_space<semaphore_mem>>
            %dma_start3A_296 = tpu.memref_squeeze %dma_start3A_295 : memref<1x!tpu.dma_semaphore, #tpu.memory_space<semaphore_mem>> -> memref<!tpu.dma_semaphore, #tpu.memory_space<semaphore_mem>>
            %dma_start3A_297 = arith.constant 0 : i32
            %dma_start3A_298 = arith.constant 0 : i32
            %dma_start3A_299 = tpu.memref_slice %run_scoped3A[%rem3A_286, %dma_start3A_297, %dma_start3A_298] : memref<2x128x384xf32, #tpu.memory_space<vmem>> -> memref<1x128x384xf32, #tpu.memory_space<vmem>>
            %dma_start3A_300 = tpu.memref_squeeze %dma_start3A_299 : memref<1x128x384xf32, #tpu.memory_space<vmem>> -> memref<128x384xf32, #tpu.memory_space<vmem>>
            %dma_start3A_301 = arith.constant 0 : i32
            %dma_start3A_302 = tpu.memref_slice %arg2[%mul3A_288, %dma_start3A_301] : memref<16384x384xf32, #tpu.memory_space<hbm>> -> memref<128x384xf32, #tpu.memory_space<hbm>>
            tpu.enqueue_dma source(%dma_start3A_302 : memref<128x384xf32, #tpu.memory_space<hbm>>) target(%dma_start3A_300 : memref<128x384xf32, #tpu.memory_space<vmem>>) target_semaphore(%dma_start3A_296 : memref<!tpu.dma_semaphore, #tpu.memory_space<semaphore_mem>>)
            "tpu.trace_stop"() : () -> ()
          } else {
          }
          %and3A_175 = arith.constant true
          %and3A_176 = arith.andi %and3A, %and3A_175 : i1
          %add3A_177 = arith.constant 1 : i32
          %add3A_178 = arith.addi %scan3A_130, %add3A_177 : i32
          %select_n3A_179 = arith.select %and3A_176, %add3A_178, %scan3A_130 : i32
          %ne3A_180 = arith.cmpi ne, %add3A_139, %add3A_157 : i32
          %or3A_181 = arith.constant false
          %or3A_182 = arith.ori %or3A_181, %ne3A_180 : i1
          %ge3A_183 = arith.constant 7 : i32
          %ge3A_184 = arith.cmpi sge, %scan3A_129, %ge3A_183 : i32
          %not3A_185 = arith.constant true
          %not3A_186 = arith.xori %ge3A_184, %not3A_185 : i1
          %and3A_187 = arith.andi %or3A_182, %not3A_186 : i1
          %convert_element_type3A_188 = arith.extui %and3A_187 : i1 to i32
          %cond3A_189 = arith.constant 0 : i32
          %cond3A_190 = arith.cmpi ne, %convert_element_type3A_188, %cond3A_189 : i32
          scf.if %cond3A_190 {
            "tpu.trace_start"() <{level = 10 : i32, message = "ep_copy_in"}> : () -> ()
            %rem3A_285 = arith.constant 2 : i32
            %rem3A_286 = arith.remui %scan3A_132, %rem3A_285 : i32
            %mul3A_287 = arith.constant 128 : i32
            %mul3A_288 = arith.muli %mul3A_287, %add3A_157 : i32
            %dma_start3A_289 = arith.constant 0 : i32
            %dma_start3A_290 = arith.constant 0 : i32
            %dma_start3A_291 = tpu.memref_slice %run_scoped3A_9[%rem3A_286, %dma_start3A_289, %dma_start3A_290] : memref<2x1x128xi32, #tpu.memory_space<vmem>> -> memref<1x1x128xi32, #tpu.memory_space<vmem>>
            %dma_start3A_292 = tpu.memref_squeeze %dma_start3A_291 : memref<1x1x128xi32, #tpu.memory_space<vmem>> -> memref<1x128xi32, #tpu.memory_space<vmem>>
            %dma_start3A_293 = arith.constant 0 : i32
            %dma_start3A_294 = tpu.memref_slice %arg4[%dma_start3A_293, %mul3A_288] : memref<1x16384xi32, #tpu.memory_space<hbm>> -> memref<1x128xi32, #tpu.memory_space<hbm>>
            %dma_start3A_295 = tpu.memref_slice %run_scoped3A_10[%rem3A_286] : memref<2x!tpu.dma_semaphore, #tpu.memory_space<semaphore_mem>> -> memref<1x!tpu.dma_semaphore, #tpu.memory_space<semaphore_mem>>
            %dma_start3A_296 = tpu.memref_squeeze %dma_start3A_295 : memref<1x!tpu.dma_semaphore, #tpu.memory_space<semaphore_mem>> -> memref<!tpu.dma_semaphore, #tpu.memory_space<semaphore_mem>>
            %dma_start3A_297 = arith.constant 0 : i32
            %dma_start3A_298 = arith.constant 0 : i32
            %dma_start3A_299 = tpu.memref_slice %run_scoped3A_9[%rem3A_286, %dma_start3A_297, %dma_start3A_298] : memref<2x1x128xi32, #tpu.memory_space<vmem>> -> memref<1x1x128xi32, #tpu.memory_space<vmem>>
            %dma_start3A_300 = tpu.memref_squeeze %dma_start3A_299 : memref<1x1x128xi32, #tpu.memory_space<vmem>> -> memref<1x128xi32, #tpu.memory_space<vmem>>
            %dma_start3A_301 = arith.constant 0 : i32
            %dma_start3A_302 = tpu.memref_slice %arg4[%dma_start3A_301, %mul3A_288] : memref<1x16384xi32, #tpu.memory_space<hbm>> -> memref<1x128xi32, #tpu.memory_space<hbm>>
            tpu.enqueue_dma source(%dma_start3A_302 : memref<1x128xi32, #tpu.memory_space<hbm>>) target(%dma_start3A_300 : memref<1x128xi32, #tpu.memory_space<vmem>>) target_semaphore(%dma_start3A_296 : memref<!tpu.dma_semaphore, #tpu.memory_space<semaphore_mem>>)
            "tpu.trace_stop"() : () -> ()
          } else {
          }
          %and3A_191 = arith.constant true
          %and3A_192 = arith.andi %and3A_187, %and3A_191 : i1
          %add3A_193 = arith.constant 1 : i32
          %add3A_194 = arith.addi %scan3A_132, %add3A_193 : i32
          %select_n3A_195 = arith.select %and3A_192, %add3A_194, %scan3A_132 : i32
          %ne3A_196 = arith.cmpi ne, %add3A_139, %add3A_148 : i32
          %or3A_197 = arith.constant false
          %or3A_198 = arith.ori %or3A_197, %ne3A_196 : i1
          %or3A_199 = arith.constant false
          %or3A_200 = arith.ori %or3A_198, %or3A_199 : i1
          %or3A_201 = arith.ori %or3A_200, %eq3A_136 : i1
          %convert_element_type3A_202 = arith.extui %or3A_201 : i1 to i32
          %cond3A_203 = arith.constant 0 : i32
          %cond3A_204 = arith.cmpi ne, %convert_element_type3A_202, %cond3A_203 : i32
          scf.if %cond3A_204 {
            "tpu.trace_start"() <{level = 10 : i32, message = "ep_wait_in"}> : () -> ()
            %mul3A_285 = arith.constant 128 : i32
            %mul3A_286 = arith.muli %mul3A_285, %add3A_139 : i32
            %rem3A_287 = arith.constant 2 : i32
            %rem3A_288 = arith.remui %scan3A_131, %rem3A_287 : i32
            %dma_wait3A = arith.constant 0 : i32
            %dma_wait3A_289 = arith.constant 0 : i32
            %dma_wait3A_290 = tpu.memref_slice %run_scoped3A[%rem3A_288, %dma_wait3A, %dma_wait3A_289] : memref<2x128x384xf32, #tpu.memory_space<vmem>> -> memref<1x128x384xf32, #tpu.memory_space<vmem>>
            %dma_wait3A_291 = tpu.memref_squeeze %dma_wait3A_290 : memref<1x128x384xf32, #tpu.memory_space<vmem>> -> memref<128x384xf32, #tpu.memory_space<vmem>>
            %dma_wait3A_292 = arith.constant 0 : i32
            %dma_wait3A_293 = tpu.memref_slice %arg2[%mul3A_286, %dma_wait3A_292] : memref<16384x384xf32, #tpu.memory_space<hbm>> -> memref<128x384xf32, #tpu.memory_space<hbm>>
            %dma_wait3A_294 = tpu.memref_slice %run_scoped3A_8[%rem3A_288] : memref<2x!tpu.dma_semaphore, #tpu.memory_space<semaphore_mem>> -> memref<1x!tpu.dma_semaphore, #tpu.memory_space<semaphore_mem>>
            %dma_wait3A_295 = tpu.memref_squeeze %dma_wait3A_294 : memref<1x!tpu.dma_semaphore, #tpu.memory_space<semaphore_mem>> -> memref<!tpu.dma_semaphore, #tpu.memory_space<semaphore_mem>>
            %dma_wait3A_296 = arith.constant 0 : i32
            %dma_wait3A_297 = arith.constant 0 : i32
            %dma_wait3A_298 = tpu.memref_slice %run_scoped3A[%rem3A_288, %dma_wait3A_296, %dma_wait3A_297] : memref<2x128x384xf32, #tpu.memory_space<vmem>> -> memref<1x128x384xf32, #tpu.memory_space<vmem>>
            %dma_wait3A_299 = tpu.memref_squeeze %dma_wait3A_298 : memref<1x128x384xf32, #tpu.memory_space<vmem>> -> memref<128x384xf32, #tpu.memory_space<vmem>>
            %dma_wait3A_300 = arith.constant 0 : i32
            %dma_wait3A_301 = tpu.memref_slice %arg2[%mul3A_286, %dma_wait3A_300] : memref<16384x384xf32, #tpu.memory_space<hbm>> -> memref<128x384xf32, #tpu.memory_space<hbm>>
            tpu.wait_dma2 semaphore(%dma_wait3A_295 : memref<!tpu.dma_semaphore, #tpu.memory_space<semaphore_mem>>) src(%dma_wait3A_301 : memref<128x384xf32, #tpu.memory_space<hbm>>) dst(%dma_wait3A_299 : memref<128x384xf32, #tpu.memory_space<vmem>>)
            "tpu.trace_stop"() : () -> ()
          } else {
          }
          %ne3A_205 = arith.cmpi ne, %add3A_139, %add3A_148 : i32
          %or3A_206 = arith.constant false
          %or3A_207 = arith.ori %or3A_206, %ne3A_205 : i1
          %or3A_208 = arith.ori %or3A_207, %eq3A_136 : i1
          %convert_element_type3A_209 = arith.extui %or3A_208 : i1 to i32
          %cond3A_210 = arith.constant 0 : i32
          %cond3A_211 = arith.cmpi ne, %convert_element_type3A_209, %cond3A_210 : i32
          scf.if %cond3A_211 {
            "tpu.trace_start"() <{level = 10 : i32, message = "ep_wait_in"}> : () -> ()
            %mul3A_285 = arith.constant 128 : i32
            %mul3A_286 = arith.muli %mul3A_285, %add3A_139 : i32
            %rem3A_287 = arith.constant 2 : i32
            %rem3A_288 = arith.remui %scan3A_133, %rem3A_287 : i32
            %dma_wait3A = arith.constant 0 : i32
            %dma_wait3A_289 = arith.constant 0 : i32
            %dma_wait3A_290 = tpu.memref_slice %run_scoped3A_9[%rem3A_288, %dma_wait3A, %dma_wait3A_289] : memref<2x1x128xi32, #tpu.memory_space<vmem>> -> memref<1x1x128xi32, #tpu.memory_space<vmem>>
            %dma_wait3A_291 = tpu.memref_squeeze %dma_wait3A_290 : memref<1x1x128xi32, #tpu.memory_space<vmem>> -> memref<1x128xi32, #tpu.memory_space<vmem>>
            %dma_wait3A_292 = arith.constant 0 : i32
            %dma_wait3A_293 = tpu.memref_slice %arg4[%dma_wait3A_292, %mul3A_286] : memref<1x16384xi32, #tpu.memory_space<hbm>> -> memref<1x128xi32, #tpu.memory_space<hbm>>
            %dma_wait3A_294 = tpu.memref_slice %run_scoped3A_10[%rem3A_288] : memref<2x!tpu.dma_semaphore, #tpu.memory_space<semaphore_mem>> -> memref<1x!tpu.dma_semaphore, #tpu.memory_space<semaphore_mem>>
            %dma_wait3A_295 = tpu.memref_squeeze %dma_wait3A_294 : memref<1x!tpu.dma_semaphore, #tpu.memory_space<semaphore_mem>> -> memref<!tpu.dma_semaphore, #tpu.memory_space<semaphore_mem>>
            %dma_wait3A_296 = arith.constant 0 : i32
            %dma_wait3A_297 = arith.constant 0 : i32
            %dma_wait3A_298 = tpu.memref_slice %run_scoped3A_9[%rem3A_288, %dma_wait3A_296, %dma_wait3A_297] : memref<2x1x128xi32, #tpu.memory_space<vmem>> -> memref<1x1x128xi32, #tpu.memory_space<vmem>>
            %dma_wait3A_299 = tpu.memref_squeeze %dma_wait3A_298 : memref<1x1x128xi32, #tpu.memory_space<vmem>> -> memref<1x128xi32, #tpu.memory_space<vmem>>
            %dma_wait3A_300 = arith.constant 0 : i32
            %dma_wait3A_301 = tpu.memref_slice %arg4[%dma_wait3A_300, %mul3A_286] : memref<1x16384xi32, #tpu.memory_space<hbm>> -> memref<1x128xi32, #tpu.memory_space<hbm>>
            tpu.wait_dma2 semaphore(%dma_wait3A_295 : memref<!tpu.dma_semaphore, #tpu.memory_space<semaphore_mem>>) src(%dma_wait3A_301 : memref<1x128xi32, #tpu.memory_space<hbm>>) dst(%dma_wait3A_299 : memref<1x128xi32, #tpu.memory_space<vmem>>)
            "tpu.trace_stop"() : () -> ()
          } else {
          }
          %rem3A_212 = arith.constant 2 : i32
          %rem3A_213 = arith.remui %scan3A_131, %rem3A_212 : i32
          %rem3A_214 = arith.constant 2 : i32
          %rem3A_215 = arith.remui %scan3A_133, %rem3A_214 : i32
          %run_scoped3A_216 = arith.constant 0 : i32
          "tpu.trace_start"() <{level = 10 : i32, message = "ep_run_kernel"}> : () -> ()
          "tpu.region"() ({
            %run_scoped3A_285 = tpu.sem_alloc : memref<!tpu.dma_semaphore, #tpu.memory_space<semaphore_mem>>
            %dma_start3A_286 = arith.constant 0 : i32
            %dma_start3A_287 = arith.constant 0 : i32
            %dma_start3A_288 = tpu.memref_slice %run_scoped3A[%rem3A_213, %dma_start3A_286, %dma_start3A_287] : memref<2x128x384xf32, #tpu.memory_space<vmem>> -> memref<1x128x384xf32, #tpu.memory_space<vmem>>
            %dma_start3A_289 = tpu.memref_squeeze %dma_start3A_288 : memref<1x128x384xf32, #tpu.memory_space<vmem>> -> memref<128x384xf32, #tpu.memory_space<vmem>>
            %dma_start3A_290 = arith.constant 0 : i32
            %dma_start3A_291 = arith.constant 0 : i32
            %dma_start3A_292 = tpu.memref_slice %run_scoped3A_9[%rem3A_215, %dma_start3A_290, %dma_start3A_291] : memref<2x1x128xi32, #tpu.memory_space<vmem>> -> memref<1x1x128xi32, #tpu.memory_space<vmem>>
            %dma_start3A_293 = tpu.memref_squeeze %dma_start3A_292 : memref<1x1x128xi32, #tpu.memory_space<vmem>> -> memref<1x128xi32, #tpu.memory_space<vmem>>
            %dma_start3A_294 = arith.constant 0 : i32
            %dma_start3A_295 = tpu.memref_slice %dma_start3A_293[%run_scoped3A_216, %dma_start3A_294] : memref<1x128xi32, #tpu.memory_space<vmem>> -> memref<1x128xi32, #tpu.memory_space<vmem>>
            %dma_start3A_296 = tpu.memref_squeeze %dma_start3A_295 : memref<1x128xi32, #tpu.memory_space<vmem>> -> memref<128xi32, #tpu.memory_space<vmem>>
            %dma_start3A_297 = arith.constant 0 : i32
            %dma_start3A_298 = arith.constant 0 : i32
            %dma_start3A_299 = tpu.memref_slice %arg5[%dma_start3A_297, %dma_start3A_298] : memref<19456x384xf32, #tpu.memory_space<hbm>> -> memref<19456x384xf32, #tpu.memory_space<hbm>>
            tpu.enqueue_indirect_dma source(%dma_start3A_289 : memref<128x384xf32, #tpu.memory_space<vmem>>) target(%dma_start3A_299 : memref<19456x384xf32, #tpu.memory_space<hbm>>) offsets(%dma_start3A_296 : memref<128xi32, #tpu.memory_space<vmem>>) semaphore(%run_scoped3A_285 : memref<!tpu.dma_semaphore, #tpu.memory_space<semaphore_mem>>)
            %dma_wait3A = arith.constant 0 : i32
            %dma_wait3A_300 = arith.constant 0 : i32
            %dma_wait3A_301 = tpu.memref_slice %run_scoped3A[%rem3A_213, %dma_wait3A, %dma_wait3A_300] : memref<2x128x384xf32, #tpu.memory_space<vmem>> -> memref<1x128x384xf32, #tpu.memory_space<vmem>>
            %dma_wait3A_302 = tpu.memref_squeeze %dma_wait3A_301 : memref<1x128x384xf32, #tpu.memory_space<vmem>> -> memref<128x384xf32, #tpu.memory_space<vmem>>
            %dma_wait3A_303 = arith.constant 0 : i32
            %dma_wait3A_304 = arith.constant 0 : i32
            %dma_wait3A_305 = tpu.memref_slice %run_scoped3A_9[%rem3A_215, %dma_wait3A_303, %dma_wait3A_304] : memref<2x1x128xi32, #tpu.memory_space<vmem>> -> memref<1x1x128xi32, #tpu.memory_space<vmem>>
            %dma_wait3A_306 = tpu.memref_squeeze %dma_wait3A_305 : memref<1x1x128xi32, #tpu.memory_space<vmem>> -> memref<1x128xi32, #tpu.memory_space<vmem>>
            %dma_wait3A_307 = arith.constant 0 : i32
            %dma_wait3A_308 = tpu.memref_slice %dma_wait3A_306[%run_scoped3A_216, %dma_wait3A_307] : memref<1x128xi32, #tpu.memory_space<vmem>> -> memref<1x128xi32, #tpu.memory_space<vmem>>
            %dma_wait3A_309 = tpu.memref_squeeze %dma_wait3A_308 : memref<1x128xi32, #tpu.memory_space<vmem>> -> memref<128xi32, #tpu.memory_space<vmem>>
            %dma_wait3A_310 = arith.constant 0 : i32
            %dma_wait3A_311 = arith.constant 0 : i32
            %dma_wait3A_312 = tpu.memref_slice %arg5[%dma_wait3A_310, %dma_wait3A_311] : memref<19456x384xf32, #tpu.memory_space<hbm>> -> memref<19456x384xf32, #tpu.memory_space<hbm>>
            tpu.wait_indirect_dma semaphore(%run_scoped3A_285 : memref<!tpu.dma_semaphore, #tpu.memory_space<semaphore_mem>>) src(%dma_wait3A_302 : memref<128x384xf32, #tpu.memory_space<vmem>>) dst(%dma_wait3A_312 : memref<19456x384xf32, #tpu.memory_space<hbm>>)
            tpu.yield
          }) : () -> ()
          "tpu.trace_stop"() : () -> ()
          %ne3A_217 = arith.cmpi ne, %add3A_139, %add3A_157 : i32
          %or3A_218 = arith.constant false
          %or3A_219 = arith.ori %or3A_218, %ne3A_217 : i1
          %or3A_220 = arith.constant false
          %or3A_221 = arith.ori %or3A_219, %or3A_220 : i1
          %or3A_222 = arith.ori %or3A_221, %eq3A_138 : i1
          %convert_element_type3A_223 = arith.extui %or3A_222 : i1 to i32
          %cond3A_224 = arith.constant 0 : i32
          %cond3A_225 = arith.cmpi ne, %convert_element_type3A_223, %cond3A_224 : i32
          scf.if %cond3A_225 {
          } else {
          }
          %and3A_226 = arith.constant false
          %and3A_227 = arith.andi %or3A_222, %and3A_226 : i1
          %ne3A_228 = arith.cmpi ne, %add3A_139, %add3A_157 : i32
          %or3A_229 = arith.constant false
          %or3A_230 = arith.ori %or3A_229, %ne3A_228 : i1
          %or3A_231 = arith.ori %or3A_230, %eq3A_138 : i1
          %convert_element_type3A_232 = arith.extui %or3A_231 : i1 to i32
          %cond3A_233 = arith.constant 0 : i32
          %cond3A_234 = arith.cmpi ne, %convert_element_type3A_232, %cond3A_233 : i32
          scf.if %cond3A_234 {
          } else {
          }
          %and3A_235 = arith.constant false
          %and3A_236 = arith.andi %or3A_231, %and3A_235 : i1
          %ne3A_237 = arith.cmpi ne, %add3A_139, %add3A_148 : i32
          %or3A_238 = arith.constant false
          %or3A_239 = arith.ori %or3A_238, %ne3A_237 : i1
          %or3A_240 = arith.constant false
          %or3A_241 = arith.ori %or3A_239, %or3A_240 : i1
          %not3A_242 = arith.constant true
          %not3A_243 = arith.xori %eq3A_136, %not3A_242 : i1
          %and3A_244 = arith.andi %or3A_241, %not3A_243 : i1
          %convert_element_type3A_245 = arith.extui %and3A_244 : i1 to i32
          %cond3A_246 = arith.constant 0 : i32
          %cond3A_247 = arith.cmpi ne, %convert_element_type3A_245, %cond3A_246 : i32
          scf.if %cond3A_247 {
          } else {
          }
          %and3A_248 = arith.constant false
          %and3A_249 = arith.andi %and3A_244, %and3A_248 : i1
          %ne3A_250 = arith.cmpi ne, %add3A_139, %add3A_148 : i32
          %or3A_251 = arith.constant false
          %or3A_252 = arith.ori %or3A_251, %ne3A_250 : i1
          %not3A_253 = arith.constant true
          %not3A_254 = arith.xori %eq3A_136, %not3A_253 : i1
          %and3A_255 = arith.andi %or3A_252, %not3A_254 : i1
          %convert_element_type3A_256 = arith.extui %and3A_255 : i1 to i32
          %cond3A_257 = arith.constant 0 : i32
          %cond3A_258 = arith.cmpi ne, %convert_element_type3A_256, %cond3A_257 : i32
          scf.if %cond3A_258 {
          } else {
          }
          %and3A_259 = arith.constant false
          %and3A_260 = arith.andi %and3A_255, %and3A_259 : i1
          %ne3A_261 = arith.cmpi ne, %add3A_139, %add3A_157 : i32
          %or3A_262 = arith.constant false
          %or3A_263 = arith.ori %or3A_262, %ne3A_261 : i1
          %or3A_264 = arith.constant false
          %or3A_265 = arith.ori %or3A_263, %or3A_264 : i1
          %or3A_266 = arith.ori %or3A_265, %eq3A_138 : i1
          %add3A_267 = arith.constant 1 : i32
          %add3A_268 = arith.addi %scan3A_131, %add3A_267 : i32
          %select_n3A_269 = arith.select %or3A_266, %add3A_268, %scan3A_131 : i32
          %ne3A_270 = arith.cmpi ne, %add3A_139, %add3A_157 : i32
          %or3A_271 = arith.constant false
          %or3A_272 = arith.ori %or3A_271, %ne3A_270 : i1
          %or3A_273 = arith.ori %or3A_272, %eq3A_138 : i1
          %add3A_274 = arith.constant 1 : i32
          %add3A_275 = arith.addi %scan3A_133, %add3A_274 : i32
          %select_n3A_276 = arith.select %or3A_273, %add3A_275, %scan3A_133 : i32
          %add3A_277 = arith.constant 1 : i32
          %add3A_278 = arith.addi %scan3A_134, %add3A_277 : i32
          %select_n3A_279 = arith.constant true
          %select_n3A_280 = arith.select %select_n3A_279, %add3A_278, %scan3A_134 : i32
          %eq3A_281 = arith.constant 8 : i32
          %eq3A_282 = arith.cmpi eq, %select_n3A_280, %eq3A_281 : i32
          %select_n3A_283 = arith.constant 0 : i32
          %select_n3A_284 = arith.select %eq3A_282, %select_n3A_283, %select_n3A_280 : i32
          scf.yield %select_n3A_179, %select_n3A_269, %select_n3A_195, %select_n3A_276, %select_n3A_284 : i32, i32, i32, i32, i32
        }
        %scan3A_93 = arith.constant 8 : i32
        %sub3A = arith.constant 1 : i32
        %sub3A_94 = arith.subi %scan3A_92#4, %sub3A : i32
        %select_n3A_95 = arith.constant true
        %select_n3A_96 = arith.select %select_n3A_95, %sub3A_94, %scan3A_92#4 : i32
        %eq3A_97 = arith.constant -1 : i32
        %eq3A_98 = arith.cmpi eq, %select_n3A_96, %eq3A_97 : i32
        %select_n3A_99 = arith.constant 7 : i32
        %select_n3A_100 = arith.select %eq3A_98, %select_n3A_99, %select_n3A_96 : i32
        %add3A_101 = arith.addi %select_n3A_100, %mul3A_7 : i32
        %sub3A_102 = arith.constant 1 : i32
        %sub3A_103 = arith.subi %select_n3A_100, %sub3A_102 : i32
        %select_n3A_104 = arith.constant true
        %select_n3A_105 = arith.select %select_n3A_104, %sub3A_103, %select_n3A_100 : i32
        %eq3A_106 = arith.constant -1 : i32
        %eq3A_107 = arith.cmpi eq, %select_n3A_105, %eq3A_106 : i32
        %select_n3A_108 = arith.constant 7 : i32
        %select_n3A_109 = arith.select %eq3A_107, %select_n3A_108, %select_n3A_105 : i32
        %add3A_110 = arith.addi %select_n3A_109, %mul3A_7 : i32
        %add3A_111 = arith.constant 1 : i32
        %add3A_112 = arith.addi %select_n3A_100, %add3A_111 : i32
        %select_n3A_113 = arith.constant true
        %select_n3A_114 = arith.select %select_n3A_113, %add3A_112, %select_n3A_100 : i32
        %eq3A_115 = arith.constant 8 : i32
        %eq3A_116 = arith.cmpi eq, %select_n3A_114, %eq3A_115 : i32
        %select_n3A_117 = arith.constant 0 : i32
        %select_n3A_118 = arith.select %eq3A_116, %select_n3A_117, %select_n3A_114 : i32
        %add3A_119 = arith.addi %select_n3A_118, %mul3A_7 : i32
        %add3A_120 = arith.constant 1 : i32
        %add3A_121 = arith.addi %select_n3A_118, %add3A_120 : i32
        %select_n3A_122 = arith.constant true
        %select_n3A_123 = arith.select %select_n3A_122, %add3A_121, %select_n3A_118 : i32
        %eq3A_124 = arith.constant 8 : i32
        %eq3A_125 = arith.cmpi eq, %select_n3A_123, %eq3A_124 : i32
        %select_n3A_126 = arith.constant 0 : i32
        %select_n3A_127 = arith.select %eq3A_125, %select_n3A_126, %select_n3A_123 : i32
        %add3A_128 = arith.addi %select_n3A_127, %mul3A_7 : i32
        tpu.yield
      }) : () -> ()
    } else {
    }
    %eq3A_2 = arith.constant 1 : i32
    %eq3A_3 = arith.cmpi eq, %arg0, %eq3A_2 : i32
    %convert_element_type3A_4 = arith.extui %eq3A_3 : i1 to i32
    %cond3A_5 = arith.constant 0 : i32
    %cond3A_6 = arith.cmpi ne, %convert_element_type3A_4, %cond3A_5 : i32
    scf.if %cond3A_6 {
      %mul3A = arith.constant 8 : i32
      %mul3A_7 = arith.muli %arg1, %mul3A : i32
      "tpu.region"() ({
        %run_scoped3A = memref.alloca() : memref<2x128x128xf32, #tpu.memory_space<vmem>>
        %run_scoped3A_8 = tpu.sem_alloc : memref<2x!tpu.dma_semaphore, #tpu.memory_space<semaphore_mem>>
        %run_scoped3A_9 = memref.alloca() : memref<2x1x128xi32, #tpu.memory_space<vmem>>
        %run_scoped3A_10 = tpu.sem_alloc : memref<2x!tpu.dma_semaphore, #tpu.memory_space<semaphore_mem>>
        %add3A = arith.constant 0 : i32
        %add3A_11 = arith.addi %add3A, %mul3A_7 : i32
        %select_n3A = arith.constant true
        %select_n3A_12 = arith.constant 0 : i32
        %select_n3A_13 = arith.constant -1 : i32
        %select_n3A_14 = arith.select %select_n3A, %select_n3A_13, %select_n3A_12 : i32
        %eq3A_15 = arith.constant -1 : i32
        %eq3A_16 = arith.cmpi eq, %select_n3A_14, %eq3A_15 : i32
        %select_n3A_17 = arith.constant 7 : i32
        %select_n3A_18 = arith.select %eq3A_16, %select_n3A_17, %select_n3A_14 : i32
        %add3A_19 = arith.addi %select_n3A_18, %mul3A_7 : i32
        %select_n3A_20 = arith.constant true
        %select_n3A_21 = arith.constant 0 : i32
        %select_n3A_22 = arith.constant 1 : i32
        %select_n3A_23 = arith.select %select_n3A_20, %select_n3A_22, %select_n3A_21 : i32
        %eq3A_24 = arith.constant 8 : i32
        %eq3A_25 = arith.cmpi eq, %select_n3A_23, %eq3A_24 : i32
        %select_n3A_26 = arith.constant 0 : i32
        %select_n3A_27 = arith.select %eq3A_25, %select_n3A_26, %select_n3A_23 : i32
        %add3A_28 = arith.addi %select_n3A_27, %mul3A_7 : i32
        %add3A_29 = arith.constant 1 : i32
        %add3A_30 = arith.addi %select_n3A_27, %add3A_29 : i32
        %select_n3A_31 = arith.constant true
        %select_n3A_32 = arith.select %select_n3A_31, %add3A_30, %select_n3A_27 : i32
        %eq3A_33 = arith.constant 8 : i32
        %eq3A_34 = arith.cmpi eq, %select_n3A_32, %eq3A_33 : i32
        %select_n3A_35 = arith.constant 0 : i32
        %select_n3A_36 = arith.select %eq3A_34, %select_n3A_35, %select_n3A_32 : i32
        %add3A_37 = arith.addi %select_n3A_36, %mul3A_7 : i32
        "tpu.trace_start"() <{level = 10 : i32, message = "ep_initialize_0"}> : () -> ()
        %rem3A = arith.constant 0 : i32
        %rem3A_38 = arith.constant 2 : i32
        %rem3A_39 = arith.remui %rem3A, %rem3A_38 : i32
        %mul3A_40 = arith.constant 128 : i32
        %mul3A_41 = arith.muli %mul3A_40, %add3A_11 : i32
        %dma_start3A = arith.constant 0 : i32
        %dma_start3A_42 = arith.constant 0 : i32
        %dma_start3A_43 = tpu.memref_slice %run_scoped3A[%rem3A_39, %dma_start3A, %dma_start3A_42] : memref<2x128x128xf32, #tpu.memory_space<vmem>> -> memref<1x128x128xf32, #tpu.memory_space<vmem>>
        %dma_start3A_44 = tpu.memref_squeeze %dma_start3A_43 : memref<1x128x128xf32, #tpu.memory_space<vmem>> -> memref<128x128xf32, #tpu.memory_space<vmem>>
        %dma_start3A_45 = arith.constant 0 : i32
        %dma_start3A_46 = tpu.memref_slice %arg3[%mul3A_41, %dma_start3A_45] : memref<16384x128xf32, #tpu.memory_space<hbm>> -> memref<128x128xf32, #tpu.memory_space<hbm>>
        %dma_start3A_47 = tpu.memref_slice %run_scoped3A_8[%rem3A_39] : memref<2x!tpu.dma_semaphore, #tpu.memory_space<semaphore_mem>> -> memref<1x!tpu.dma_semaphore, #tpu.memory_space<semaphore_mem>>
        %dma_start3A_48 = tpu.memref_squeeze %dma_start3A_47 : memref<1x!tpu.dma_semaphore, #tpu.memory_space<semaphore_mem>> -> memref<!tpu.dma_semaphore, #tpu.memory_space<semaphore_mem>>
        %dma_start3A_49 = arith.constant 0 : i32
        %dma_start3A_50 = arith.constant 0 : i32
        %dma_start3A_51 = tpu.memref_slice %run_scoped3A[%rem3A_39, %dma_start3A_49, %dma_start3A_50] : memref<2x128x128xf32, #tpu.memory_space<vmem>> -> memref<1x128x128xf32, #tpu.memory_space<vmem>>
        %dma_start3A_52 = tpu.memref_squeeze %dma_start3A_51 : memref<1x128x128xf32, #tpu.memory_space<vmem>> -> memref<128x128xf32, #tpu.memory_space<vmem>>
        %dma_start3A_53 = arith.constant 0 : i32
        %dma_start3A_54 = tpu.memref_slice %arg3[%mul3A_41, %dma_start3A_53] : memref<16384x128xf32, #tpu.memory_space<hbm>> -> memref<128x128xf32, #tpu.memory_space<hbm>>
        tpu.enqueue_dma source(%dma_start3A_54 : memref<128x128xf32, #tpu.memory_space<hbm>>) target(%dma_start3A_52 : memref<128x128xf32, #tpu.memory_space<vmem>>) target_semaphore(%dma_start3A_48 : memref<!tpu.dma_semaphore, #tpu.memory_space<semaphore_mem>>)
        %add3A_55 = arith.constant 0 : i32
        %add3A_56 = arith.constant 1 : i32
        %add3A_57 = arith.addi %add3A_55, %add3A_56 : i32
        %select_n3A_58 = arith.constant true
        %select_n3A_59 = arith.constant 0 : i32
        %select_n3A_60 = arith.select %select_n3A_58, %add3A_57, %select_n3A_59 : i32
        %rem3A_61 = arith.constant 0 : i32
        %rem3A_62 = arith.constant 2 : i32
        %rem3A_63 = arith.remui %rem3A_61, %rem3A_62 : i32
        %mul3A_64 = arith.constant 128 : i32
        %mul3A_65 = arith.muli %mul3A_64, %add3A_11 : i32
        %dma_start3A_66 = arith.constant 0 : i32
        %dma_start3A_67 = arith.constant 0 : i32
        %dma_start3A_68 = tpu.memref_slice %run_scoped3A_9[%rem3A_63, %dma_start3A_66, %dma_start3A_67] : memref<2x1x128xi32, #tpu.memory_space<vmem>> -> memref<1x1x128xi32, #tpu.memory_space<vmem>>
        %dma_start3A_69 = tpu.memref_squeeze %dma_start3A_68 : memref<1x1x128xi32, #tpu.memory_space<vmem>> -> memref<1x128xi32, #tpu.memory_space<vmem>>
        %dma_start3A_70 = arith.constant 0 : i32
        %dma_start3A_71 = tpu.memref_slice %arg4[%dma_start3A_70, %mul3A_65] : memref<1x16384xi32, #tpu.memory_space<hbm>> -> memref<1x128xi32, #tpu.memory_space<hbm>>
        %dma_start3A_72 = tpu.memref_slice %run_scoped3A_10[%rem3A_63] : memref<2x!tpu.dma_semaphore, #tpu.memory_space<semaphore_mem>> -> memref<1x!tpu.dma_semaphore, #tpu.memory_space<semaphore_mem>>
        %dma_start3A_73 = tpu.memref_squeeze %dma_start3A_72 : memref<1x!tpu.dma_semaphore, #tpu.memory_space<semaphore_mem>> -> memref<!tpu.dma_semaphore, #tpu.memory_space<semaphore_mem>>
        %dma_start3A_74 = arith.constant 0 : i32
        %dma_start3A_75 = arith.constant 0 : i32
        %dma_start3A_76 = tpu.memref_slice %run_scoped3A_9[%rem3A_63, %dma_start3A_74, %dma_start3A_75] : memref<2x1x128xi32, #tpu.memory_space<vmem>> -> memref<1x1x128xi32, #tpu.memory_space<vmem>>
        %dma_start3A_77 = tpu.memref_squeeze %dma_start3A_76 : memref<1x1x128xi32, #tpu.memory_space<vmem>> -> memref<1x128xi32, #tpu.memory_space<vmem>>
        %dma_start3A_78 = arith.constant 0 : i32
        %dma_start3A_79 = tpu.memref_slice %arg4[%dma_start3A_78, %mul3A_65] : memref<1x16384xi32, #tpu.memory_space<hbm>> -> memref<1x128xi32, #tpu.memory_space<hbm>>
        tpu.enqueue_dma source(%dma_start3A_79 : memref<1x128xi32, #tpu.memory_space<hbm>>) target(%dma_start3A_77 : memref<1x128xi32, #tpu.memory_space<vmem>>) target_semaphore(%dma_start3A_73 : memref<!tpu.dma_semaphore, #tpu.memory_space<semaphore_mem>>)
        %add3A_80 = arith.constant 0 : i32
        %add3A_81 = arith.constant 1 : i32
        %add3A_82 = arith.addi %add3A_80, %add3A_81 : i32
        %select_n3A_83 = arith.constant true
        %select_n3A_84 = arith.constant 0 : i32
        %select_n3A_85 = arith.select %select_n3A_83, %add3A_82, %select_n3A_84 : i32
        "tpu.trace_stop"() : () -> ()
        %scan3A = arith.constant 0 : i32
        %scan3A_86 = arith.constant 0 : i32
        %scan3A_87 = arith.constant 0 : i32
        %scan3A_88 = arith.constant 0 : i32
        %scan3A_89 = arith.constant 8 : i32
        %scan3A_90 = arith.addi %scan3A_88, %scan3A_89 : i32
        %scan3A_91 = arith.constant 1 : i32
        %scan3A_92:5 = scf.for %scan3A_129 = %scan3A_88 to %scan3A_90 step %scan3A_91 iter_args(%scan3A_130 = %select_n3A_60, %scan3A_131 = %scan3A, %scan3A_132 = %select_n3A_85, %scan3A_133 = %scan3A_86, %scan3A_134 = %scan3A_87) -> (i32, i32, i32, i32, i32)  : i32 {
          %eq3A_135 = arith.constant 0 : i32
          %eq3A_136 = arith.cmpi eq, %scan3A_129, %eq3A_135 : i32
          %eq3A_137 = arith.constant 7 : i32
          %eq3A_138 = arith.cmpi eq, %scan3A_129, %eq3A_137 : i32
          %add3A_139 = arith.addi %scan3A_134, %mul3A_7 : i32
          %sub3A_140 = arith.constant 1 : i32
          %sub3A_141 = arith.subi %scan3A_134, %sub3A_140 : i32
          %select_n3A_142 = arith.constant true
          %select_n3A_143 = arith.select %select_n3A_142, %sub3A_141, %scan3A_134 : i32
          %eq3A_144 = arith.constant -1 : i32
          %eq3A_145 = arith.cmpi eq, %select_n3A_143, %eq3A_144 : i32
          %select_n3A_146 = arith.constant 7 : i32
          %select_n3A_147 = arith.select %eq3A_145, %select_n3A_146, %select_n3A_143 : i32
          %add3A_148 = arith.addi %select_n3A_147, %mul3A_7 : i32
          %add3A_149 = arith.constant 1 : i32
          %add3A_150 = arith.addi %scan3A_134, %add3A_149 : i32
          %select_n3A_151 = arith.constant true
          %select_n3A_152 = arith.select %select_n3A_151, %add3A_150, %scan3A_134 : i32
          %eq3A_153 = arith.constant 8 : i32
          %eq3A_154 = arith.cmpi eq, %select_n3A_152, %eq3A_153 : i32
          %select_n3A_155 = arith.constant 0 : i32
          %select_n3A_156 = arith.select %eq3A_154, %select_n3A_155, %select_n3A_152 : i32
          %add3A_157 = arith.addi %select_n3A_156, %mul3A_7 : i32
          %add3A_158 = arith.constant 1 : i32
          %add3A_159 = arith.addi %select_n3A_156, %add3A_158 : i32
          %select_n3A_160 = arith.constant true
          %select_n3A_161 = arith.select %select_n3A_160, %add3A_159, %select_n3A_156 : i32
          %eq3A_162 = arith.constant 8 : i32
          %eq3A_163 = arith.cmpi eq, %select_n3A_161, %eq3A_162 : i32
          %select_n3A_164 = arith.constant 0 : i32
          %select_n3A_165 = arith.select %eq3A_163, %select_n3A_164, %select_n3A_161 : i32
          %add3A_166 = arith.addi %select_n3A_165, %mul3A_7 : i32
          %ne3A = arith.cmpi ne, %add3A_139, %add3A_157 : i32
          %or3A = arith.constant false
          %or3A_167 = arith.ori %or3A, %ne3A : i1
          %or3A_168 = arith.constant false
          %or3A_169 = arith.ori %or3A_167, %or3A_168 : i1
          %ge3A = arith.constant 7 : i32
          %ge3A_170 = arith.cmpi sge, %scan3A_129, %ge3A : i32
          %not3A = arith.constant true
          %not3A_171 = arith.xori %ge3A_170, %not3A : i1
          %and3A = arith.andi %or3A_169, %not3A_171 : i1
          %convert_element_type3A_172 = arith.extui %and3A : i1 to i32
          %cond3A_173 = arith.constant 0 : i32
          %cond3A_174 = arith.cmpi ne, %convert_element_type3A_172, %cond3A_173 : i32
          scf.if %cond3A_174 {
            "tpu.trace_start"() <{level = 10 : i32, message = "ep_copy_in"}> : () -> ()
            %rem3A_285 = arith.constant 2 : i32
            %rem3A_286 = arith.remui %scan3A_130, %rem3A_285 : i32
            %mul3A_287 = arith.constant 128 : i32
            %mul3A_288 = arith.muli %mul3A_287, %add3A_157 : i32
            %dma_start3A_289 = arith.constant 0 : i32
            %dma_start3A_290 = arith.constant 0 : i32
            %dma_start3A_291 = tpu.memref_slice %run_scoped3A[%rem3A_286, %dma_start3A_289, %dma_start3A_290] : memref<2x128x128xf32, #tpu.memory_space<vmem>> -> memref<1x128x128xf32, #tpu.memory_space<vmem>>
            %dma_start3A_292 = tpu.memref_squeeze %dma_start3A_291 : memref<1x128x128xf32, #tpu.memory_space<vmem>> -> memref<128x128xf32, #tpu.memory_space<vmem>>
            %dma_start3A_293 = arith.constant 0 : i32
            %dma_start3A_294 = tpu.memref_slice %arg3[%mul3A_288, %dma_start3A_293] : memref<16384x128xf32, #tpu.memory_space<hbm>> -> memref<128x128xf32, #tpu.memory_space<hbm>>
            %dma_start3A_295 = tpu.memref_slice %run_scoped3A_8[%rem3A_286] : memref<2x!tpu.dma_semaphore, #tpu.memory_space<semaphore_mem>> -> memref<1x!tpu.dma_semaphore, #tpu.memory_space<semaphore_mem>>
            %dma_start3A_296 = tpu.memref_squeeze %dma_start3A_295 : memref<1x!tpu.dma_semaphore, #tpu.memory_space<semaphore_mem>> -> memref<!tpu.dma_semaphore, #tpu.memory_space<semaphore_mem>>
            %dma_start3A_297 = arith.constant 0 : i32
            %dma_start3A_298 = arith.constant 0 : i32
            %dma_start3A_299 = tpu.memref_slice %run_scoped3A[%rem3A_286, %dma_start3A_297, %dma_start3A_298] : memref<2x128x128xf32, #tpu.memory_space<vmem>> -> memref<1x128x128xf32, #tpu.memory_space<vmem>>
            %dma_start3A_300 = tpu.memref_squeeze %dma_start3A_299 : memref<1x128x128xf32, #tpu.memory_space<vmem>> -> memref<128x128xf32, #tpu.memory_space<vmem>>
            %dma_start3A_301 = arith.constant 0 : i32
            %dma_start3A_302 = tpu.memref_slice %arg3[%mul3A_288, %dma_start3A_301] : memref<16384x128xf32, #tpu.memory_space<hbm>> -> memref<128x128xf32, #tpu.memory_space<hbm>>
            tpu.enqueue_dma source(%dma_start3A_302 : memref<128x128xf32, #tpu.memory_space<hbm>>) target(%dma_start3A_300 : memref<128x128xf32, #tpu.memory_space<vmem>>) target_semaphore(%dma_start3A_296 : memref<!tpu.dma_semaphore, #tpu.memory_space<semaphore_mem>>)
            "tpu.trace_stop"() : () -> ()
          } else {
          }
          %and3A_175 = arith.constant true
          %and3A_176 = arith.andi %and3A, %and3A_175 : i1
          %add3A_177 = arith.constant 1 : i32
          %add3A_178 = arith.addi %scan3A_130, %add3A_177 : i32
          %select_n3A_179 = arith.select %and3A_176, %add3A_178, %scan3A_130 : i32
          %ne3A_180 = arith.cmpi ne, %add3A_139, %add3A_157 : i32
          %or3A_181 = arith.constant false
          %or3A_182 = arith.ori %or3A_181, %ne3A_180 : i1
          %ge3A_183 = arith.constant 7 : i32
          %ge3A_184 = arith.cmpi sge, %scan3A_129, %ge3A_183 : i32
          %not3A_185 = arith.constant true
          %not3A_186 = arith.xori %ge3A_184, %not3A_185 : i1
          %and3A_187 = arith.andi %or3A_182, %not3A_186 : i1
          %convert_element_type3A_188 = arith.extui %and3A_187 : i1 to i32
          %cond3A_189 = arith.constant 0 : i32
          %cond3A_190 = arith.cmpi ne, %convert_element_type3A_188, %cond3A_189 : i32
          scf.if %cond3A_190 {
            "tpu.trace_start"() <{level = 10 : i32, message = "ep_copy_in"}> : () -> ()
            %rem3A_285 = arith.constant 2 : i32
            %rem3A_286 = arith.remui %scan3A_132, %rem3A_285 : i32
            %mul3A_287 = arith.constant 128 : i32
            %mul3A_288 = arith.muli %mul3A_287, %add3A_157 : i32
            %dma_start3A_289 = arith.constant 0 : i32
            %dma_start3A_290 = arith.constant 0 : i32
            %dma_start3A_291 = tpu.memref_slice %run_scoped3A_9[%rem3A_286, %dma_start3A_289, %dma_start3A_290] : memref<2x1x128xi32, #tpu.memory_space<vmem>> -> memref<1x1x128xi32, #tpu.memory_space<vmem>>
            %dma_start3A_292 = tpu.memref_squeeze %dma_start3A_291 : memref<1x1x128xi32, #tpu.memory_space<vmem>> -> memref<1x128xi32, #tpu.memory_space<vmem>>
            %dma_start3A_293 = arith.constant 0 : i32
            %dma_start3A_294 = tpu.memref_slice %arg4[%dma_start3A_293, %mul3A_288] : memref<1x16384xi32, #tpu.memory_space<hbm>> -> memref<1x128xi32, #tpu.memory_space<hbm>>
            %dma_start3A_295 = tpu.memref_slice %run_scoped3A_10[%rem3A_286] : memref<2x!tpu.dma_semaphore, #tpu.memory_space<semaphore_mem>> -> memref<1x!tpu.dma_semaphore, #tpu.memory_space<semaphore_mem>>
            %dma_start3A_296 = tpu.memref_squeeze %dma_start3A_295 : memref<1x!tpu.dma_semaphore, #tpu.memory_space<semaphore_mem>> -> memref<!tpu.dma_semaphore, #tpu.memory_space<semaphore_mem>>
            %dma_start3A_297 = arith.constant 0 : i32
            %dma_start3A_298 = arith.constant 0 : i32
            %dma_start3A_299 = tpu.memref_slice %run_scoped3A_9[%rem3A_286, %dma_start3A_297, %dma_start3A_298] : memref<2x1x128xi32, #tpu.memory_space<vmem>> -> memref<1x1x128xi32, #tpu.memory_space<vmem>>
            %dma_start3A_300 = tpu.memref_squeeze %dma_start3A_299 : memref<1x1x128xi32, #tpu.memory_space<vmem>> -> memref<1x128xi32, #tpu.memory_space<vmem>>
            %dma_start3A_301 = arith.constant 0 : i32
            %dma_start3A_302 = tpu.memref_slice %arg4[%dma_start3A_301, %mul3A_288] : memref<1x16384xi32, #tpu.memory_space<hbm>> -> memref<1x128xi32, #tpu.memory_space<hbm>>
            tpu.enqueue_dma source(%dma_start3A_302 : memref<1x128xi32, #tpu.memory_space<hbm>>) target(%dma_start3A_300 : memref<1x128xi32, #tpu.memory_space<vmem>>) target_semaphore(%dma_start3A_296 : memref<!tpu.dma_semaphore, #tpu.memory_space<semaphore_mem>>)
            "tpu.trace_stop"() : () -> ()
          } else {
          }
          %and3A_191 = arith.constant true
          %and3A_192 = arith.andi %and3A_187, %and3A_191 : i1
          %add3A_193 = arith.constant 1 : i32
          %add3A_194 = arith.addi %scan3A_132, %add3A_193 : i32
          %select_n3A_195 = arith.select %and3A_192, %add3A_194, %scan3A_132 : i32
          %ne3A_196 = arith.cmpi ne, %add3A_139, %add3A_148 : i32
          %or3A_197 = arith.constant false
          %or3A_198 = arith.ori %or3A_197, %ne3A_196 : i1
          %or3A_199 = arith.constant false
          %or3A_200 = arith.ori %or3A_198, %or3A_199 : i1
          %or3A_201 = arith.ori %or3A_200, %eq3A_136 : i1
          %convert_element_type3A_202 = arith.extui %or3A_201 : i1 to i32
          %cond3A_203 = arith.constant 0 : i32
          %cond3A_204 = arith.cmpi ne, %convert_element_type3A_202, %cond3A_203 : i32
          scf.if %cond3A_204 {
            "tpu.trace_start"() <{level = 10 : i32, message = "ep_wait_in"}> : () -> ()
            %mul3A_285 = arith.constant 128 : i32
            %mul3A_286 = arith.muli %mul3A_285, %add3A_139 : i32
            %rem3A_287 = arith.constant 2 : i32
            %rem3A_288 = arith.remui %scan3A_131, %rem3A_287 : i32
            %dma_wait3A = arith.constant 0 : i32
            %dma_wait3A_289 = arith.constant 0 : i32
            %dma_wait3A_290 = tpu.memref_slice %run_scoped3A[%rem3A_288, %dma_wait3A, %dma_wait3A_289] : memref<2x128x128xf32, #tpu.memory_space<vmem>> -> memref<1x128x128xf32, #tpu.memory_space<vmem>>
            %dma_wait3A_291 = tpu.memref_squeeze %dma_wait3A_290 : memref<1x128x128xf32, #tpu.memory_space<vmem>> -> memref<128x128xf32, #tpu.memory_space<vmem>>
            %dma_wait3A_292 = arith.constant 0 : i32
            %dma_wait3A_293 = tpu.memref_slice %arg3[%mul3A_286, %dma_wait3A_292] : memref<16384x128xf32, #tpu.memory_space<hbm>> -> memref<128x128xf32, #tpu.memory_space<hbm>>
            %dma_wait3A_294 = tpu.memref_slice %run_scoped3A_8[%rem3A_288] : memref<2x!tpu.dma_semaphore, #tpu.memory_space<semaphore_mem>> -> memref<1x!tpu.dma_semaphore, #tpu.memory_space<semaphore_mem>>
            %dma_wait3A_295 = tpu.memref_squeeze %dma_wait3A_294 : memref<1x!tpu.dma_semaphore, #tpu.memory_space<semaphore_mem>> -> memref<!tpu.dma_semaphore, #tpu.memory_space<semaphore_mem>>
            %dma_wait3A_296 = arith.constant 0 : i32
            %dma_wait3A_297 = arith.constant 0 : i32
            %dma_wait3A_298 = tpu.memref_slice %run_scoped3A[%rem3A_288, %dma_wait3A_296, %dma_wait3A_297] : memref<2x128x128xf32, #tpu.memory_space<vmem>> -> memref<1x128x128xf32, #tpu.memory_space<vmem>>
            %dma_wait3A_299 = tpu.memref_squeeze %dma_wait3A_298 : memref<1x128x128xf32, #tpu.memory_space<vmem>> -> memref<128x128xf32, #tpu.memory_space<vmem>>
            %dma_wait3A_300 = arith.constant 0 : i32
            %dma_wait3A_301 = tpu.memref_slice %arg3[%mul3A_286, %dma_wait3A_300] : memref<16384x128xf32, #tpu.memory_space<hbm>> -> memref<128x128xf32, #tpu.memory_space<hbm>>
            tpu.wait_dma2 semaphore(%dma_wait3A_295 : memref<!tpu.dma_semaphore, #tpu.memory_space<semaphore_mem>>) src(%dma_wait3A_301 : memref<128x128xf32, #tpu.memory_space<hbm>>) dst(%dma_wait3A_299 : memref<128x128xf32, #tpu.memory_space<vmem>>)
            "tpu.trace_stop"() : () -> ()
          } else {
          }
          %ne3A_205 = arith.cmpi ne, %add3A_139, %add3A_148 : i32
          %or3A_206 = arith.constant false
          %or3A_207 = arith.ori %or3A_206, %ne3A_205 : i1
          %or3A_208 = arith.ori %or3A_207, %eq3A_136 : i1
          %convert_element_type3A_209 = arith.extui %or3A_208 : i1 to i32
          %cond3A_210 = arith.constant 0 : i32
          %cond3A_211 = arith.cmpi ne, %convert_element_type3A_209, %cond3A_210 : i32
          scf.if %cond3A_211 {
            "tpu.trace_start"() <{level = 10 : i32, message = "ep_wait_in"}> : () -> ()
            %mul3A_285 = arith.constant 128 : i32
            %mul3A_286 = arith.muli %mul3A_285, %add3A_139 : i32
            %rem3A_287 = arith.constant 2 : i32
            %rem3A_288 = arith.remui %scan3A_133, %rem3A_287 : i32
            %dma_wait3A = arith.constant 0 : i32
            %dma_wait3A_289 = arith.constant 0 : i32
            %dma_wait3A_290 = tpu.memref_slice %run_scoped3A_9[%rem3A_288, %dma_wait3A, %dma_wait3A_289] : memref<2x1x128xi32, #tpu.memory_space<vmem>> -> memref<1x1x128xi32, #tpu.memory_space<vmem>>
            %dma_wait3A_291 = tpu.memref_squeeze %dma_wait3A_290 : memref<1x1x128xi32, #tpu.memory_space<vmem>> -> memref<1x128xi32, #tpu.memory_space<vmem>>
            %dma_wait3A_292 = arith.constant 0 : i32
            %dma_wait3A_293 = tpu.memref_slice %arg4[%dma_wait3A_292, %mul3A_286] : memref<1x16384xi32, #tpu.memory_space<hbm>> -> memref<1x128xi32, #tpu.memory_space<hbm>>
            %dma_wait3A_294 = tpu.memref_slice %run_scoped3A_10[%rem3A_288] : memref<2x!tpu.dma_semaphore, #tpu.memory_space<semaphore_mem>> -> memref<1x!tpu.dma_semaphore, #tpu.memory_space<semaphore_mem>>
            %dma_wait3A_295 = tpu.memref_squeeze %dma_wait3A_294 : memref<1x!tpu.dma_semaphore, #tpu.memory_space<semaphore_mem>> -> memref<!tpu.dma_semaphore, #tpu.memory_space<semaphore_mem>>
            %dma_wait3A_296 = arith.constant 0 : i32
            %dma_wait3A_297 = arith.constant 0 : i32
            %dma_wait3A_298 = tpu.memref_slice %run_scoped3A_9[%rem3A_288, %dma_wait3A_296, %dma_wait3A_297] : memref<2x1x128xi32, #tpu.memory_space<vmem>> -> memref<1x1x128xi32, #tpu.memory_space<vmem>>
            %dma_wait3A_299 = tpu.memref_squeeze %dma_wait3A_298 : memref<1x1x128xi32, #tpu.memory_space<vmem>> -> memref<1x128xi32, #tpu.memory_space<vmem>>
            %dma_wait3A_300 = arith.constant 0 : i32
            %dma_wait3A_301 = tpu.memref_slice %arg4[%dma_wait3A_300, %mul3A_286] : memref<1x16384xi32, #tpu.memory_space<hbm>> -> memref<1x128xi32, #tpu.memory_space<hbm>>
            tpu.wait_dma2 semaphore(%dma_wait3A_295 : memref<!tpu.dma_semaphore, #tpu.memory_space<semaphore_mem>>) src(%dma_wait3A_301 : memref<1x128xi32, #tpu.memory_space<hbm>>) dst(%dma_wait3A_299 : memref<1x128xi32, #tpu.memory_space<vmem>>)
            "tpu.trace_stop"() : () -> ()
          } else {
          }
          %rem3A_212 = arith.constant 2 : i32
          %rem3A_213 = arith.remui %scan3A_131, %rem3A_212 : i32
          %rem3A_214 = arith.constant 2 : i32
          %rem3A_215 = arith.remui %scan3A_133, %rem3A_214 : i32
          %run_scoped3A_216 = arith.constant 0 : i32
          "tpu.trace_start"() <{level = 10 : i32, message = "ep_run_kernel"}> : () -> ()
          "tpu.region"() ({
            %run_scoped3A_285 = tpu.sem_alloc : memref<!tpu.dma_semaphore, #tpu.memory_space<semaphore_mem>>
            %dma_start3A_286 = arith.constant 0 : i32
            %dma_start3A_287 = arith.constant 0 : i32
            %dma_start3A_288 = tpu.memref_slice %run_scoped3A[%rem3A_213, %dma_start3A_286, %dma_start3A_287] : memref<2x128x128xf32, #tpu.memory_space<vmem>> -> memref<1x128x128xf32, #tpu.memory_space<vmem>>
            %dma_start3A_289 = tpu.memref_squeeze %dma_start3A_288 : memref<1x128x128xf32, #tpu.memory_space<vmem>> -> memref<128x128xf32, #tpu.memory_space<vmem>>
            %dma_start3A_290 = arith.constant 0 : i32
            %dma_start3A_291 = arith.constant 0 : i32
            %dma_start3A_292 = tpu.memref_slice %run_scoped3A_9[%rem3A_215, %dma_start3A_290, %dma_start3A_291] : memref<2x1x128xi32, #tpu.memory_space<vmem>> -> memref<1x1x128xi32, #tpu.memory_space<vmem>>
            %dma_start3A_293 = tpu.memref_squeeze %dma_start3A_292 : memref<1x1x128xi32, #tpu.memory_space<vmem>> -> memref<1x128xi32, #tpu.memory_space<vmem>>
            %dma_start3A_294 = arith.constant 0 : i32
            %dma_start3A_295 = tpu.memref_slice %dma_start3A_293[%run_scoped3A_216, %dma_start3A_294] : memref<1x128xi32, #tpu.memory_space<vmem>> -> memref<1x128xi32, #tpu.memory_space<vmem>>
            %dma_start3A_296 = tpu.memref_squeeze %dma_start3A_295 : memref<1x128xi32, #tpu.memory_space<vmem>> -> memref<128xi32, #tpu.memory_space<vmem>>
            %dma_start3A_297 = arith.constant 0 : i32
            %dma_start3A_298 = arith.constant 0 : i32
            %dma_start3A_299 = tpu.memref_slice %arg6[%dma_start3A_297, %dma_start3A_298] : memref<19456x128xf32, #tpu.memory_space<hbm>> -> memref<19456x128xf32, #tpu.memory_space<hbm>>
            tpu.enqueue_indirect_dma source(%dma_start3A_289 : memref<128x128xf32, #tpu.memory_space<vmem>>) target(%dma_start3A_299 : memref<19456x128xf32, #tpu.memory_space<hbm>>) offsets(%dma_start3A_296 : memref<128xi32, #tpu.memory_space<vmem>>) semaphore(%run_scoped3A_285 : memref<!tpu.dma_semaphore, #tpu.memory_space<semaphore_mem>>)
            %dma_wait3A = arith.constant 0 : i32
            %dma_wait3A_300 = arith.constant 0 : i32
            %dma_wait3A_301 = tpu.memref_slice %run_scoped3A[%rem3A_213, %dma_wait3A, %dma_wait3A_300] : memref<2x128x128xf32, #tpu.memory_space<vmem>> -> memref<1x128x128xf32, #tpu.memory_space<vmem>>
            %dma_wait3A_302 = tpu.memref_squeeze %dma_wait3A_301 : memref<1x128x128xf32, #tpu.memory_space<vmem>> -> memref<128x128xf32, #tpu.memory_space<vmem>>
            %dma_wait3A_303 = arith.constant 0 : i32
            %dma_wait3A_304 = arith.constant 0 : i32
            %dma_wait3A_305 = tpu.memref_slice %run_scoped3A_9[%rem3A_215, %dma_wait3A_303, %dma_wait3A_304] : memref<2x1x128xi32, #tpu.memory_space<vmem>> -> memref<1x1x128xi32, #tpu.memory_space<vmem>>
            %dma_wait3A_306 = tpu.memref_squeeze %dma_wait3A_305 : memref<1x1x128xi32, #tpu.memory_space<vmem>> -> memref<1x128xi32, #tpu.memory_space<vmem>>
            %dma_wait3A_307 = arith.constant 0 : i32
            %dma_wait3A_308 = tpu.memref_slice %dma_wait3A_306[%run_scoped3A_216, %dma_wait3A_307] : memref<1x128xi32, #tpu.memory_space<vmem>> -> memref<1x128xi32, #tpu.memory_space<vmem>>
            %dma_wait3A_309 = tpu.memref_squeeze %dma_wait3A_308 : memref<1x128xi32, #tpu.memory_space<vmem>> -> memref<128xi32, #tpu.memory_space<vmem>>
            %dma_wait3A_310 = arith.constant 0 : i32
            %dma_wait3A_311 = arith.constant 0 : i32
            %dma_wait3A_312 = tpu.memref_slice %arg6[%dma_wait3A_310, %dma_wait3A_311] : memref<19456x128xf32, #tpu.memory_space<hbm>> -> memref<19456x128xf32, #tpu.memory_space<hbm>>
            tpu.wait_indirect_dma semaphore(%run_scoped3A_285 : memref<!tpu.dma_semaphore, #tpu.memory_space<semaphore_mem>>) src(%dma_wait3A_302 : memref<128x128xf32, #tpu.memory_space<vmem>>) dst(%dma_wait3A_312 : memref<19456x128xf32, #tpu.memory_space<hbm>>)
            tpu.yield
          }) : () -> ()
          "tpu.trace_stop"() : () -> ()
          %ne3A_217 = arith.cmpi ne, %add3A_139, %add3A_157 : i32
          %or3A_218 = arith.constant false
          %or3A_219 = arith.ori %or3A_218, %ne3A_217 : i1
          %or3A_220 = arith.constant false
          %or3A_221 = arith.ori %or3A_219, %or3A_220 : i1
          %or3A_222 = arith.ori %or3A_221, %eq3A_138 : i1
          %convert_element_type3A_223 = arith.extui %or3A_222 : i1 to i32
          %cond3A_224 = arith.constant 0 : i32
          %cond3A_225 = arith.cmpi ne, %convert_element_type3A_223, %cond3A_224 : i32
          scf.if %cond3A_225 {
          } else {
          }
          %and3A_226 = arith.constant false
          %and3A_227 = arith.andi %or3A_222, %and3A_226 : i1
          %ne3A_228 = arith.cmpi ne, %add3A_139, %add3A_157 : i32
          %or3A_229 = arith.constant false
          %or3A_230 = arith.ori %or3A_229, %ne3A_228 : i1
          %or3A_231 = arith.ori %or3A_230, %eq3A_138 : i1
          %convert_element_type3A_232 = arith.extui %or3A_231 : i1 to i32
          %cond3A_233 = arith.constant 0 : i32
          %cond3A_234 = arith.cmpi ne, %convert_element_type3A_232, %cond3A_233 : i32
          scf.if %cond3A_234 {
          } else {
          }
          %and3A_235 = arith.constant false
          %and3A_236 = arith.andi %or3A_231, %and3A_235 : i1
          %ne3A_237 = arith.cmpi ne, %add3A_139, %add3A_148 : i32
          %or3A_238 = arith.constant false
          %or3A_239 = arith.ori %or3A_238, %ne3A_237 : i1
          %or3A_240 = arith.constant false
          %or3A_241 = arith.ori %or3A_239, %or3A_240 : i1
          %not3A_242 = arith.constant true
          %not3A_243 = arith.xori %eq3A_136, %not3A_242 : i1
          %and3A_244 = arith.andi %or3A_241, %not3A_243 : i1
          %convert_element_type3A_245 = arith.extui %and3A_244 : i1 to i32
          %cond3A_246 = arith.constant 0 : i32
          %cond3A_247 = arith.cmpi ne, %convert_element_type3A_245, %cond3A_246 : i32
          scf.if %cond3A_247 {
          } else {
          }
          %and3A_248 = arith.constant false
          %and3A_249 = arith.andi %and3A_244, %and3A_248 : i1
          %ne3A_250 = arith.cmpi ne, %add3A_139, %add3A_148 : i32
          %or3A_251 = arith.constant false
          %or3A_252 = arith.ori %or3A_251, %ne3A_250 : i1
          %not3A_253 = arith.constant true
          %not3A_254 = arith.xori %eq3A_136, %not3A_253 : i1
          %and3A_255 = arith.andi %or3A_252, %not3A_254 : i1
          %convert_element_type3A_256 = arith.extui %and3A_255 : i1 to i32
          %cond3A_257 = arith.constant 0 : i32
          %cond3A_258 = arith.cmpi ne, %convert_element_type3A_256, %cond3A_257 : i32
          scf.if %cond3A_258 {
          } else {
          }
          %and3A_259 = arith.constant false
          %and3A_260 = arith.andi %and3A_255, %and3A_259 : i1
          %ne3A_261 = arith.cmpi ne, %add3A_139, %add3A_157 : i32
          %or3A_262 = arith.constant false
          %or3A_263 = arith.ori %or3A_262, %ne3A_261 : i1
          %or3A_264 = arith.constant false
          %or3A_265 = arith.ori %or3A_263, %or3A_264 : i1
          %or3A_266 = arith.ori %or3A_265, %eq3A_138 : i1
          %add3A_267 = arith.constant 1 : i32
          %add3A_268 = arith.addi %scan3A_131, %add3A_267 : i32
          %select_n3A_269 = arith.select %or3A_266, %add3A_268, %scan3A_131 : i32
          %ne3A_270 = arith.cmpi ne, %add3A_139, %add3A_157 : i32
          %or3A_271 = arith.constant false
          %or3A_272 = arith.ori %or3A_271, %ne3A_270 : i1
          %or3A_273 = arith.ori %or3A_272, %eq3A_138 : i1
          %add3A_274 = arith.constant 1 : i32
          %add3A_275 = arith.addi %scan3A_133, %add3A_274 : i32
          %select_n3A_276 = arith.select %or3A_273, %add3A_275, %scan3A_133 : i32
          %add3A_277 = arith.constant 1 : i32
          %add3A_278 = arith.addi %scan3A_134, %add3A_277 : i32
          %select_n3A_279 = arith.constant true
          %select_n3A_280 = arith.select %select_n3A_279, %add3A_278, %scan3A_134 : i32
          %eq3A_281 = arith.constant 8 : i32
          %eq3A_282 = arith.cmpi eq, %select_n3A_280, %eq3A_281 : i32
          %select_n3A_283 = arith.constant 0 : i32
          %select_n3A_284 = arith.select %eq3A_282, %select_n3A_283, %select_n3A_280 : i32
          scf.yield %select_n3A_179, %select_n3A_269, %select_n3A_195, %select_n3A_276, %select_n3A_284 : i32, i32, i32, i32, i32
        }
        %scan3A_93 = arith.constant 8 : i32
        %sub3A = arith.constant 1 : i32
        %sub3A_94 = arith.subi %scan3A_92#4, %sub3A : i32
        %select_n3A_95 = arith.constant true
        %select_n3A_96 = arith.select %select_n3A_95, %sub3A_94, %scan3A_92#4 : i32
        %eq3A_97 = arith.constant -1 : i32
        %eq3A_98 = arith.cmpi eq, %select_n3A_96, %eq3A_97 : i32
        %select_n3A_99 = arith.constant 7 : i32
        %select_n3A_100 = arith.select %eq3A_98, %select_n3A_99, %select_n3A_96 : i32
        %add3A_101 = arith.addi %select_n3A_100, %mul3A_7 : i32
        %sub3A_102 = arith.constant 1 : i32
        %sub3A_103 = arith.subi %select_n3A_100, %sub3A_102 : i32
        %select_n3A_104 = arith.constant true
        %select_n3A_105 = arith.select %select_n3A_104, %sub3A_103, %select_n3A_100 : i32
        %eq3A_106 = arith.constant -1 : i32
        %eq3A_107 = arith.cmpi eq, %select_n3A_105, %eq3A_106 : i32
        %select_n3A_108 = arith.constant 7 : i32
        %select_n3A_109 = arith.select %eq3A_107, %select_n3A_108, %select_n3A_105 : i32
        %add3A_110 = arith.addi %select_n3A_109, %mul3A_7 : i32
        %add3A_111 = arith.constant 1 : i32
        %add3A_112 = arith.addi %select_n3A_100, %add3A_111 : i32
        %select_n3A_113 = arith.constant true
        %select_n3A_114 = arith.select %select_n3A_113, %add3A_112, %select_n3A_100 : i32
        %eq3A_115 = arith.constant 8 : i32
        %eq3A_116 = arith.cmpi eq, %select_n3A_114, %eq3A_115 : i32
        %select_n3A_117 = arith.constant 0 : i32
        %select_n3A_118 = arith.select %eq3A_116, %select_n3A_117, %select_n3A_114 : i32
        %add3A_119 = arith.addi %select_n3A_118, %mul3A_7 : i32
        %add3A_120 = arith.constant 1 : i32
        %add3A_121 = arith.addi %select_n3A_118, %add3A_120 : i32
        %select_n3A_122 = arith.constant true
        %select_n3A_123 = arith.select %select_n3A_122, %add3A_121, %select_n3A_118 : i32
        %eq3A_124 = arith.constant 8 : i32
        %eq3A_125 = arith.cmpi eq, %select_n3A_123, %eq3A_124 : i32
        %select_n3A_126 = arith.constant 0 : i32
        %select_n3A_127 = arith.select %eq3A_125, %select_n3A_126, %select_n3A_123 : i32
        %add3A_128 = arith.addi %select_n3A_127, %mul3A_7 : i32
        tpu.yield
      }) : () -> ()
    } else {
    }
    return
  }
}

module attributes {stable_mosaic.version = 14 : i64} {
  func.func @_gate_kernel(%arg0: i32, %arg1: memref<1024x384xf32, #tpu.memory_space<vmem>>, %arg2: memref<384x128xf32, #tpu.memory_space<vmem>>, %arg3: memref<1x128xf32, #tpu.memory_space<vmem>>, %arg4: memref<1024x1024xbf16, #tpu.memory_space<vmem>>, %arg5: memref<1024x128xf32, #tpu.memory_space<vmem>>, %arg6: memref<8x128xf32, #tpu.memory_space<vmem>>, %arg7: memref<8x128xf32, #tpu.memory_space<vmem>>, %arg8: memref<8x128xf32, #tpu.memory_space<vmem>>, %arg9: memref<8x128xf32, #tpu.memory_space<vmem>>, %arg10: memref<8x128xf32, #tpu.memory_space<vmem>>) attributes {dimension_semantics = [#tpu.dimension_semantics<arbitrary>], iteration_bounds = array<i64: 16>, scalar_prefetch = 0 : i64, scratch_operands = 1 : i64, tpu.core_type = #tpu.core_type<tc>, window_params = [{transform_indices = @transform_0, window_bounds = array<i64: 1024, 384>}, {pipeline_mode = #tpu.pipeline_mode<synchronous>, transform_indices = @transform_1, window_bounds = array<i64: 384, 128>}, {pipeline_mode = #tpu.pipeline_mode<synchronous>, transform_indices = @transform_2, window_bounds = array<i64: 1, 128>}, {pipeline_mode = #tpu.pipeline_mode<synchronous>, transform_indices = @transform_3, window_bounds = array<i64: 1024, 1024>}, {transform_indices = @transform_4, window_bounds = array<i64: 1024, 128>}, {transform_indices = @transform_5, window_bounds = array<i64: 8, 128>}, {transform_indices = @transform_6, window_bounds = array<i64: 8, 128>}, {pipeline_mode = #tpu.pipeline_mode<synchronous>, transform_indices = @transform_7, window_bounds = array<i64: 8, 128>}, {pipeline_mode = #tpu.pipeline_mode<synchronous>, transform_indices = @transform_8, window_bounds = array<i64: 8, 128>}]} {
    %get3A = arith.constant 0 : index
    %get3A_0 = arith.constant 0 : index
    %get3A_1 = vector.load %arg1[%get3A, %get3A_0] : memref<1024x384xf32, #tpu.memory_space<vmem>>, vector<1024x384xf32>
    %get3A_2 = arith.constant 0 : index
    %get3A_3 = arith.constant 0 : index
    %get3A_4 = vector.load %arg2[%get3A_2, %get3A_3] : memref<384x128xf32, #tpu.memory_space<vmem>>, vector<384x128xf32>
    %dot_general3A = arith.constant dense<0.000000e+00> : vector<1024x128xf32>
    %dot_general3A_5 = tpu.matmul %get3A_1, %get3A_4, %dot_general3A {dimension_numbers = #tpu.dot_dimension_numbers<[1], [0], [0], [1], [0, 0, 1, 1], [], []>, transpose_lhs_hint = false} : vector<1024x384xf32>, vector<384x128xf32>, vector<1024x128xf32> -> vector<1024x128xf32>
    %get3A_6 = arith.constant 0 : index
    %get3A_7 = arith.constant 0 : index
    %get3A_8 = vector.load %arg3[%get3A_6, %get3A_7] : memref<1x128xf32, #tpu.memory_space<vmem>>, vector<1x128xf32>
    %add3A = vector.broadcast %get3A_8 : vector<1x128xf32> to vector<1024x128xf32>
    %add3A_9 = arith.addf %dot_general3A_5, %add3A : vector<1024x128xf32>
    %jit3A = arith.constant 0.000000e+00 : f32
    %ne3A = arith.cmpf one, %add3A_9, %add3A_9 : vector<1024x128xf32>
    %broadcast_in_dim3A = vector.broadcast %jit3A : f32 to vector<1024x128xf32>
    %select_n3A = arith.select %ne3A, %broadcast_in_dim3A, %add3A_9 : vector<1024x128xi1>, vector<1024x128xf32>
    %eq3A = arith.constant 0x7F800000 : f32
    %eq3A_10 = vector.broadcast %eq3A : f32 to vector<1024x128xf32>
    %eq3A_11 = arith.cmpf oeq, %select_n3A, %eq3A_10 : vector<1024x128xf32>
    %jit3A_12 = arith.constant 3.40282347E+38 : f32
    %broadcast_in_dim3A_13 = vector.broadcast %jit3A_12 : f32 to vector<1024x128xf32>
    %select_n3A_14 = arith.select %eq3A_11, %broadcast_in_dim3A_13, %select_n3A : vector<1024x128xi1>, vector<1024x128xf32>
    %eq3A_15 = arith.constant 0xFF800000 : f32
    %eq3A_16 = vector.broadcast %eq3A_15 : f32 to vector<1024x128xf32>
    %eq3A_17 = arith.cmpf oeq, %select_n3A_14, %eq3A_16 : vector<1024x128xf32>
    %jit3A_18 = arith.constant -3.40282347E+38 : f32
    %broadcast_in_dim3A_19 = vector.broadcast %jit3A_18 : f32 to vector<1024x128xf32>
    %select_n3A_20 = arith.select %eq3A_17, %broadcast_in_dim3A_19, %select_n3A_14 : vector<1024x128xi1>, vector<1024x128xf32>
    %reduce_max3A = arith.constant dense<0xFF800000> : vector<1024xf32>
    %reduce_max3A_21 = vector.multi_reduction <maximumf>, %select_n3A_20, %reduce_max3A [1] : vector<1024x128xf32> to vector<1024xf32>
    %broadcast_in_dim3A_22 = vector.shape_cast %reduce_max3A_21 : vector<1024xf32> to vector<1024x1xf32>
    %sub3A = vector.broadcast %broadcast_in_dim3A_22 : vector<1024x1xf32> to vector<1024x128xf32>
    %sub3A_23 = arith.subf %select_n3A_20, %sub3A : vector<1024x128xf32>
    %exp3A = math.exp %sub3A_23 : vector<1024x128xf32>
    %reduce_sum3A = arith.constant dense<0.000000e+00> : vector<1024xf32>
    %reduce_sum3A_24 = vector.multi_reduction <add>, %exp3A, %reduce_sum3A [1] : vector<1024x128xf32> to vector<1024xf32>
    %broadcast_in_dim3A_25 = vector.shape_cast %reduce_sum3A_24 : vector<1024xf32> to vector<1024x1xf32>
    %div3A = vector.broadcast %broadcast_in_dim3A_25 : vector<1024x1xf32> to vector<1024x128xf32>
    %div3A_26 = arith.divf %exp3A, %div3A : vector<1024x128xf32>
    %eq3A_27 = arith.constant 0 : i32
    %eq3A_28 = arith.cmpi eq, %arg0, %eq3A_27 : i32
    %convert_element_type3A = arith.extui %eq3A_28 : i1 to i32
    %cond3A = arith.constant 0 : i32
    %cond3A_29 = arith.cmpi ne, %convert_element_type3A, %cond3A : i32
    scf.if %cond3A_29 {
      %broadcast_in_dim3A_267 = arith.constant 0.000000e+00 : f32
      %broadcast_in_dim3A_268 = vector.broadcast %broadcast_in_dim3A_267 : f32 to vector<8x128xf32>
      %swap3A_269 = arith.constant 0 : index
      %swap3A_270 = arith.constant 0 : index
      %swap3A_271 = vector.load %arg9[%swap3A_269, %swap3A_270] : memref<8x128xf32, #tpu.memory_space<vmem>>, vector<8x128xf32>
      tpu.vector_store %arg9[%swap3A_269, %swap3A_270], %broadcast_in_dim3A_268 {strides = array<i32>} : memref<8x128xf32, #tpu.memory_space<vmem>>, vector<8x128xf32>,
      %broadcast_in_dim3A_272 = arith.constant 0.000000e+00 : f32
      %broadcast_in_dim3A_273 = vector.broadcast %broadcast_in_dim3A_272 : f32 to vector<8x128xf32>
      %swap3A_274 = arith.constant 0 : index
      %swap3A_275 = arith.constant 0 : index
      %swap3A_276 = vector.load %arg10[%swap3A_274, %swap3A_275] : memref<8x128xf32, #tpu.memory_space<vmem>>, vector<8x128xf32>
      tpu.vector_store %arg10[%swap3A_274, %swap3A_275], %broadcast_in_dim3A_273 {strides = array<i32>} : memref<8x128xf32, #tpu.memory_space<vmem>>, vector<8x128xf32>,
    } else {
    }
    %reduce_sum3A_30 = arith.constant dense<0.000000e+00> : vector<128xf32>
    %reduce_sum3A_31 = vector.multi_reduction <add>, %div3A_26, %reduce_sum3A_30 [0] : vector<1024x128xf32> to vector<128xf32>
    %broadcast_in_dim3A_32 = vector.shape_cast %reduce_sum3A_31 : vector<128xf32> to vector<1x128xf32>
    %get3A_33 = arith.constant 0 : index
    %get3A_34 = arith.constant 0 : index
    %get3A_35 = vector.load %arg9[%get3A_33, %get3A_34] : memref<8x128xf32, #tpu.memory_space<vmem>>, vector<8x128xf32>
    %broadcast_in_dim3A_36 = vector.shape_cast %broadcast_in_dim3A_32 : vector<1x128xf32> to vector<1x128xf32>
    %broadcast_in_dim3A_37 = vector.broadcast %broadcast_in_dim3A_36 : vector<1x128xf32> to vector<8x128xf32>
    %add3A_38 = arith.addf %get3A_35, %broadcast_in_dim3A_37 : vector<8x128xf32>
    %swap3A = arith.constant 0 : index
    %swap3A_39 = arith.constant 0 : index
    %swap3A_40 = vector.load %arg9[%swap3A, %swap3A_39] : memref<8x128xf32, #tpu.memory_space<vmem>>, vector<8x128xf32>
    tpu.vector_store %arg9[%swap3A, %swap3A_39], %add3A_38 {strides = array<i32>} : memref<8x128xf32, #tpu.memory_space<vmem>>, vector<8x128xf32>,
    %iota3A = tpu.iota {dimensions = array<i32: 1>} : vector<1024x128xi32>
    %reduce_max3A_41 = arith.constant dense<0xFF800000> : vector<1024xf32>
    %reduce_max3A_42 = vector.multi_reduction <maximumf>, %div3A_26, %reduce_max3A_41 [1] : vector<1024x128xf32> to vector<1024xf32>
    %broadcast_in_dim3A_43 = vector.shape_cast %reduce_max3A_42 : vector<1024xf32> to vector<1024x1xf32>
    %eq3A_44 = vector.broadcast %broadcast_in_dim3A_43 : vector<1024x1xf32> to vector<1024x128xf32>
    %eq3A_45 = arith.cmpf oeq, %div3A_26, %eq3A_44 : vector<1024x128xf32>
    %jit3A_46 = arith.constant 128 : i32
    %broadcast_in_dim3A_47 = vector.broadcast %jit3A_46 : i32 to vector<1024x128xi32>
    %select_n3A_48 = arith.select %eq3A_45, %iota3A, %broadcast_in_dim3A_47 : vector<1024x128xi1>, vector<1024x128xi32>
    %reduce_min3A = arith.constant dense<2147483647> : vector<1024xi32>
    %reduce_min3A_49 = vector.multi_reduction <minsi>, %select_n3A_48, %reduce_min3A [1] : vector<1024x128xi32> to vector<1024xi32>
    %broadcast_in_dim3A_50 = vector.shape_cast %reduce_min3A_49 : vector<1024xi32> to vector<1024x1xi32>
    %eq3A_51 = vector.broadcast %broadcast_in_dim3A_50 : vector<1024x1xi32> to vector<1024x128xi32>
    %eq3A_52 = arith.cmpi eq, %iota3A, %eq3A_51 : vector<1024x128xi32>
    %jit3A_53 = arith.constant 0xFF800000 : f32
    %broadcast_in_dim3A_54 = vector.broadcast %jit3A_53 : f32 to vector<1024x128xf32>
    %select_n3A_55 = arith.select %eq3A_52, %broadcast_in_dim3A_54, %div3A_26 : vector<1024x128xi1>, vector<1024x128xf32>
    %reduce_max3A_56 = arith.constant dense<0xFF800000> : vector<1024xf32>
    %reduce_max3A_57 = vector.multi_reduction <maximumf>, %select_n3A_55, %reduce_max3A_56 [1] : vector<1024x128xf32> to vector<1024xf32>
    %broadcast_in_dim3A_58 = vector.shape_cast %reduce_max3A_57 : vector<1024xf32> to vector<1024x1xf32>
    %eq3A_59 = vector.broadcast %broadcast_in_dim3A_58 : vector<1024x1xf32> to vector<1024x128xf32>
    %eq3A_60 = arith.cmpf oeq, %select_n3A_55, %eq3A_59 : vector<1024x128xf32>
    %jit3A_61 = arith.constant 128 : i32
    %broadcast_in_dim3A_62 = vector.broadcast %jit3A_61 : i32 to vector<1024x128xi32>
    %select_n3A_63 = arith.select %eq3A_60, %iota3A, %broadcast_in_dim3A_62 : vector<1024x128xi1>, vector<1024x128xi32>
    %reduce_min3A_64 = arith.constant dense<2147483647> : vector<1024xi32>
    %reduce_min3A_65 = vector.multi_reduction <minsi>, %select_n3A_63, %reduce_min3A_64 [1] : vector<1024x128xi32> to vector<1024xi32>
    %broadcast_in_dim3A_66 = vector.shape_cast %reduce_min3A_65 : vector<1024xi32> to vector<1024x1xi32>
    %eq3A_67 = vector.broadcast %broadcast_in_dim3A_50 : vector<1024x1xi32> to vector<1024x128xi32>
    %eq3A_68 = arith.cmpi eq, %iota3A, %eq3A_67 : vector<1024x128xi32>
    %eq3A_69 = vector.broadcast %broadcast_in_dim3A_66 : vector<1024x1xi32> to vector<1024x128xi32>
    %eq3A_70 = arith.cmpi eq, %iota3A, %eq3A_69 : vector<1024x128xi32>
    %or3A = arith.ori %eq3A_68, %eq3A_70 : vector<1024x128xi1>
    %jit3A_71 = arith.constant 0.000000e+00 : f32
    %broadcast_in_dim3A_72 = vector.broadcast %jit3A_71 : f32 to vector<1024x128xf32>
    %select_n3A_73 = arith.select %or3A, %div3A_26, %broadcast_in_dim3A_72 : vector<1024x128xi1>, vector<1024x128xf32>
    %reduce_sum3A_74 = arith.constant dense<0.000000e+00> : vector<1024xf32>
    %reduce_sum3A_75 = vector.multi_reduction <add>, %select_n3A_73, %reduce_sum3A_74 [1] : vector<1024x128xf32> to vector<1024xf32>
    %broadcast_in_dim3A_76 = vector.shape_cast %reduce_sum3A_75 : vector<1024xf32> to vector<1024x1xf32>
    %add3A_77 = arith.constant 9.99999971E-10 : f32
    %add3A_78 = vector.broadcast %add3A_77 : f32 to vector<1024x1xf32>
    %add3A_79 = arith.addf %broadcast_in_dim3A_76, %add3A_78 : vector<1024x1xf32>
    %div3A_80 = vector.broadcast %add3A_79 : vector<1024x1xf32> to vector<1024x128xf32>
    %div3A_81 = arith.divf %select_n3A_73, %div3A_80 : vector<1024x128xf32>
    %lt3A = arith.constant 4 : i32
    %lt3A_82 = vector.broadcast %lt3A : i32 to vector<1024x128xi32>
    %lt3A_83 = arith.cmpi slt, %iota3A, %lt3A_82 : vector<1024x128xi32>
    %convert_element_type3A_84 = arith.extui %lt3A_83 : vector<1024x128xi1> to vector<1024x128xi32>
    %convert_element_type3A_85 = arith.sitofp %convert_element_type3A_84 : vector<1024x128xi32> to vector<1024x128xf32>
    %mul3A = arith.mulf %div3A_81, %convert_element_type3A_85 : vector<1024x128xf32>
    %swap3A_86 = arith.constant 0 : index
    %swap3A_87 = arith.constant 0 : index
    %swap3A_88 = vector.load %arg5[%swap3A_86, %swap3A_87] : memref<1024x128xf32, #tpu.memory_space<vmem>>, vector<1024x128xf32>
    tpu.vector_store %arg5[%swap3A_86, %swap3A_87], %mul3A {strides = array<i32>} : memref<1024x128xf32, #tpu.memory_space<vmem>>, vector<1024x128xf32>,
    %min3A = arith.minsi %broadcast_in_dim3A_50, %broadcast_in_dim3A_66 : vector<1024x1xi32>
    %max3A = arith.maxsi %broadcast_in_dim3A_50, %broadcast_in_dim3A_66 : vector<1024x1xi32>
    %eq3A_89 = arith.constant 0 : i32
    %eq3A_90 = vector.broadcast %eq3A_89 : i32 to vector<1024x1xi32>
    %eq3A_91 = arith.cmpi eq, %min3A, %eq3A_90 : vector<1024x1xi32>
    %jit3A_92 = arith.constant -1 : i32
    %broadcast_in_dim3A_93 = vector.broadcast %jit3A_92 : i32 to vector<1024x1xi32>
    %select_n3A_94 = arith.select %eq3A_91, %broadcast_in_dim3A_93, %min3A : vector<1024x1xi1>, vector<1024x1xi32>
    %add3A_95 = arith.addi %max3A, %select_n3A_94 : vector<1024x1xi32>
    %eq3A_96 = vector.broadcast %add3A_95 : vector<1024x1xi32> to vector<1024x128xi32>
    %eq3A_97 = arith.cmpi eq, %iota3A, %eq3A_96 : vector<1024x128xi32>
    %get3A_98 = arith.constant 0 : index
    %get3A_99 = arith.constant 0 : index
    %get3A_100 = vector.load %arg4[%get3A_98, %get3A_99] : memref<1024x1024xbf16, #tpu.memory_space<vmem>>, vector<1024x1024xbf16>
    %convert_element_type3A_101 = arith.extui %eq3A_97 : vector<1024x128xi1> to vector<1024x128xi32>
    %convert_element_type3A_102 = arith.sitofp %convert_element_type3A_101 : vector<1024x128xi32> to vector<1024x128xf32>
    %convert_element_type3A_103 = arith.truncf %convert_element_type3A_102 : vector<1024x128xf32> to vector<1024x128xbf16>
    %dot_general3A_104 = arith.constant dense<0.000000e+00> : vector<1024x128xf32>
    %dot_general3A_105 = tpu.matmul %get3A_100, %convert_element_type3A_103, %dot_general3A_104 {dimension_numbers = #tpu.dot_dimension_numbers<[1], [0], [0], [1], [0, 0, 1, 1], [], []>, transpose_lhs_hint = false} : vector<1024x1024xbf16>, vector<1024x128xbf16>, vector<1024x128xf32> -> vector<1024x128xf32>
    %jit3A_106 = arith.constant 0.000000e+00 : f32
    %broadcast_in_dim3A_107 = vector.broadcast %jit3A_106 : f32 to vector<1024x128xf32>
    %select_n3A_108 = arith.select %eq3A_97, %dot_general3A_105, %broadcast_in_dim3A_107 : vector<1024x128xi1>, vector<1024x128xf32>
    %reduce_sum3A_109 = arith.constant dense<0.000000e+00> : vector<1024xf32>
    %reduce_sum3A_110 = vector.multi_reduction <add>, %select_n3A_108, %reduce_sum3A_109 [1] : vector<1024x128xf32> to vector<1024xf32>
    %broadcast_in_dim3A_111 = vector.shape_cast %reduce_sum3A_110 : vector<1024xf32> to vector<1024x1xf32>
    %get3A_112 = arith.constant 0 : index
    %get3A_113 = arith.constant 0 : index
    %get3A_114 = vector.load %arg10[%get3A_112, %get3A_113] : memref<8x128xf32, #tpu.memory_space<vmem>>, vector<1x128xf32>
    %broadcast_in_dim3A_115 = vector.shape_cast %get3A_114 : vector<1x128xf32> to vector<1x128xf32>
    %broadcast_in_dim3A_116 = vector.broadcast %broadcast_in_dim3A_115 : vector<1x128xf32> to vector<1024x128xf32>
    %jit3A_117 = arith.constant 0.000000e+00 : f32
    %broadcast_in_dim3A_118 = vector.broadcast %jit3A_117 : f32 to vector<1024x128xf32>
    %select_n3A_119 = arith.select %eq3A_97, %broadcast_in_dim3A_116, %broadcast_in_dim3A_118 : vector<1024x128xi1>, vector<1024x128xf32>
    %reduce_sum3A_120 = arith.constant dense<0.000000e+00> : vector<1024xf32>
    %reduce_sum3A_121 = vector.multi_reduction <add>, %select_n3A_119, %reduce_sum3A_120 [1] : vector<1024x128xf32> to vector<1024xf32>
    %broadcast_in_dim3A_122 = vector.shape_cast %reduce_sum3A_121 : vector<1024xf32> to vector<1024x1xf32>
    %add3A_123 = arith.addf %broadcast_in_dim3A_111, %broadcast_in_dim3A_122 : vector<1024x1xf32>
    %get3A_124 = arith.constant 0 : index
    %get3A_125 = arith.constant 0 : index
    %get3A_126 = vector.load %arg10[%get3A_124, %get3A_125] : memref<8x128xf32, #tpu.memory_space<vmem>>, vector<8x128xf32>
    %convert_element_type3A_127 = arith.extui %eq3A_97 : vector<1024x128xi1> to vector<1024x128xi32>
    %convert_element_type3A_128 = arith.sitofp %convert_element_type3A_127 : vector<1024x128xi32> to vector<1024x128xf32>
    %reduce_sum3A_129 = arith.constant dense<0.000000e+00> : vector<128xf32>
    %reduce_sum3A_130 = vector.multi_reduction <add>, %convert_element_type3A_128, %reduce_sum3A_129 [0] : vector<1024x128xf32> to vector<128xf32>
    %broadcast_in_dim3A_131 = vector.shape_cast %reduce_sum3A_130 : vector<128xf32> to vector<1x128xf32>
    %broadcast_in_dim3A_132 = vector.shape_cast %broadcast_in_dim3A_131 : vector<1x128xf32> to vector<1x128xf32>
    %broadcast_in_dim3A_133 = vector.broadcast %broadcast_in_dim3A_132 : vector<1x128xf32> to vector<8x128xf32>
    %add3A_134 = arith.addf %get3A_126, %broadcast_in_dim3A_133 : vector<8x128xf32>
    %swap3A_135 = arith.constant 0 : index
    %swap3A_136 = arith.constant 0 : index
    %swap3A_137 = vector.load %arg10[%swap3A_135, %swap3A_136] : memref<8x128xf32, #tpu.memory_space<vmem>>, vector<8x128xf32>
    tpu.vector_store %arg10[%swap3A_135, %swap3A_136], %add3A_134 {strides = array<i32>} : memref<8x128xf32, #tpu.memory_space<vmem>>, vector<8x128xf32>,
    %iota3A_138 = tpu.iota {dimensions = array<i32: 0>} : vector<128x128xi32>
    %iota3A_139 = tpu.iota {dimensions = array<i32: 1>} : vector<128x128xi32>
    %eq3A_140 = arith.cmpi eq, %iota3A_138, %iota3A_139 : vector<128x128xi32>
    %convert_element_type3A_141 = arith.extui %eq3A_140 : vector<128x128xi1> to vector<128x128xi32>
    %convert_element_type3A_142 = arith.sitofp %convert_element_type3A_141 : vector<128x128xi32> to vector<128x128xf32>
    %slice3A = vector.extract_strided_slice %add3A_123 {offsets = [0, 0], sizes = [128, 1], strides = [1, 1]} : vector<1024x1xf32> to vector<128x1xf32>
    %broadcast_in_dim3A_143 = vector.shape_cast %slice3A : vector<128x1xf32> to vector<128x1xf32>
    %broadcast_in_dim3A_144 = vector.broadcast %broadcast_in_dim3A_143 : vector<128x1xf32> to vector<128x128xf32>
    %mul3A_145 = arith.mulf %broadcast_in_dim3A_144, %convert_element_type3A_142 : vector<128x128xf32>
    %reduce_sum3A_146 = arith.constant dense<0.000000e+00> : vector<128xf32>
    %reduce_sum3A_147 = vector.multi_reduction <add>, %mul3A_145, %reduce_sum3A_146 [0] : vector<128x128xf32> to vector<128xf32>
    %broadcast_in_dim3A_148 = vector.shape_cast %reduce_sum3A_147 : vector<128xf32> to vector<1x128xf32>
    %slice3A_149 = vector.extract_strided_slice %add3A_123 {offsets = [128, 0], sizes = [128, 1], strides = [1, 1]} : vector<1024x1xf32> to vector<128x1xf32>
    %broadcast_in_dim3A_150 = vector.shape_cast %slice3A_149 : vector<128x1xf32> to vector<128x1xf32>
    %broadcast_in_dim3A_151 = vector.broadcast %broadcast_in_dim3A_150 : vector<128x1xf32> to vector<128x128xf32>
    %mul3A_152 = arith.mulf %broadcast_in_dim3A_151, %convert_element_type3A_142 : vector<128x128xf32>
    %reduce_sum3A_153 = arith.constant dense<0.000000e+00> : vector<128xf32>
    %reduce_sum3A_154 = vector.multi_reduction <add>, %mul3A_152, %reduce_sum3A_153 [0] : vector<128x128xf32> to vector<128xf32>
    %broadcast_in_dim3A_155 = vector.shape_cast %reduce_sum3A_154 : vector<128xf32> to vector<1x128xf32>
    %slice3A_156 = vector.extract_strided_slice %add3A_123 {offsets = [256, 0], sizes = [128, 1], strides = [1, 1]} : vector<1024x1xf32> to vector<128x1xf32>
    %broadcast_in_dim3A_157 = vector.shape_cast %slice3A_156 : vector<128x1xf32> to vector<128x1xf32>
    %broadcast_in_dim3A_158 = vector.broadcast %broadcast_in_dim3A_157 : vector<128x1xf32> to vector<128x128xf32>
    %mul3A_159 = arith.mulf %broadcast_in_dim3A_158, %convert_element_type3A_142 : vector<128x128xf32>
    %reduce_sum3A_160 = arith.constant dense<0.000000e+00> : vector<128xf32>
    %reduce_sum3A_161 = vector.multi_reduction <add>, %mul3A_159, %reduce_sum3A_160 [0] : vector<128x128xf32> to vector<128xf32>
    %broadcast_in_dim3A_162 = vector.shape_cast %reduce_sum3A_161 : vector<128xf32> to vector<1x128xf32>
    %slice3A_163 = vector.extract_strided_slice %add3A_123 {offsets = [384, 0], sizes = [128, 1], strides = [1, 1]} : vector<1024x1xf32> to vector<128x1xf32>
    %broadcast_in_dim3A_164 = vector.shape_cast %slice3A_163 : vector<128x1xf32> to vector<128x1xf32>
    %broadcast_in_dim3A_165 = vector.broadcast %broadcast_in_dim3A_164 : vector<128x1xf32> to vector<128x128xf32>
    %mul3A_166 = arith.mulf %broadcast_in_dim3A_165, %convert_element_type3A_142 : vector<128x128xf32>
    %reduce_sum3A_167 = arith.constant dense<0.000000e+00> : vector<128xf32>
    %reduce_sum3A_168 = vector.multi_reduction <add>, %mul3A_166, %reduce_sum3A_167 [0] : vector<128x128xf32> to vector<128xf32>
    %broadcast_in_dim3A_169 = vector.shape_cast %reduce_sum3A_168 : vector<128xf32> to vector<1x128xf32>
    %slice3A_170 = vector.extract_strided_slice %add3A_123 {offsets = [512, 0], sizes = [128, 1], strides = [1, 1]} : vector<1024x1xf32> to vector<128x1xf32>
    %broadcast_in_dim3A_171 = vector.shape_cast %slice3A_170 : vector<128x1xf32> to vector<128x1xf32>
    %broadcast_in_dim3A_172 = vector.broadcast %broadcast_in_dim3A_171 : vector<128x1xf32> to vector<128x128xf32>
    %mul3A_173 = arith.mulf %broadcast_in_dim3A_172, %convert_element_type3A_142 : vector<128x128xf32>
    %reduce_sum3A_174 = arith.constant dense<0.000000e+00> : vector<128xf32>
    %reduce_sum3A_175 = vector.multi_reduction <add>, %mul3A_173, %reduce_sum3A_174 [0] : vector<128x128xf32> to vector<128xf32>
    %broadcast_in_dim3A_176 = vector.shape_cast %reduce_sum3A_175 : vector<128xf32> to vector<1x128xf32>
    %slice3A_177 = vector.extract_strided_slice %add3A_123 {offsets = [640, 0], sizes = [128, 1], strides = [1, 1]} : vector<1024x1xf32> to vector<128x1xf32>
    %broadcast_in_dim3A_178 = vector.shape_cast %slice3A_177 : vector<128x1xf32> to vector<128x1xf32>
    %broadcast_in_dim3A_179 = vector.broadcast %broadcast_in_dim3A_178 : vector<128x1xf32> to vector<128x128xf32>
    %mul3A_180 = arith.mulf %broadcast_in_dim3A_179, %convert_element_type3A_142 : vector<128x128xf32>
    %reduce_sum3A_181 = arith.constant dense<0.000000e+00> : vector<128xf32>
    %reduce_sum3A_182 = vector.multi_reduction <add>, %mul3A_180, %reduce_sum3A_181 [0] : vector<128x128xf32> to vector<128xf32>
    %broadcast_in_dim3A_183 = vector.shape_cast %reduce_sum3A_182 : vector<128xf32> to vector<1x128xf32>
    %slice3A_184 = vector.extract_strided_slice %add3A_123 {offsets = [768, 0], sizes = [128, 1], strides = [1, 1]} : vector<1024x1xf32> to vector<128x1xf32>
    %broadcast_in_dim3A_185 = vector.shape_cast %slice3A_184 : vector<128x1xf32> to vector<128x1xf32>
    %broadcast_in_dim3A_186 = vector.broadcast %broadcast_in_dim3A_185 : vector<128x1xf32> to vector<128x128xf32>
    %mul3A_187 = arith.mulf %broadcast_in_dim3A_186, %convert_element_type3A_142 : vector<128x128xf32>
    %reduce_sum3A_188 = arith.constant dense<0.000000e+00> : vector<128xf32>
    %reduce_sum3A_189 = vector.multi_reduction <add>, %mul3A_187, %reduce_sum3A_188 [0] : vector<128x128xf32> to vector<128xf32>
    %broadcast_in_dim3A_190 = vector.shape_cast %reduce_sum3A_189 : vector<128xf32> to vector<1x128xf32>
    %slice3A_191 = vector.extract_strided_slice %add3A_123 {offsets = [896, 0], sizes = [128, 1], strides = [1, 1]} : vector<1024x1xf32> to vector<128x1xf32>
    %broadcast_in_dim3A_192 = vector.shape_cast %slice3A_191 : vector<128x1xf32> to vector<128x1xf32>
    %broadcast_in_dim3A_193 = vector.broadcast %broadcast_in_dim3A_192 : vector<128x1xf32> to vector<128x128xf32>
    %mul3A_194 = arith.mulf %broadcast_in_dim3A_193, %convert_element_type3A_142 : vector<128x128xf32>
    %reduce_sum3A_195 = arith.constant dense<0.000000e+00> : vector<128xf32>
    %reduce_sum3A_196 = vector.multi_reduction <add>, %mul3A_194, %reduce_sum3A_195 [0] : vector<128x128xf32> to vector<128xf32>
    %broadcast_in_dim3A_197 = vector.shape_cast %reduce_sum3A_196 : vector<128xf32> to vector<1x128xf32>
    %concatenate3A = tpu.concatenate %broadcast_in_dim3A_148, %broadcast_in_dim3A_155, %broadcast_in_dim3A_162, %broadcast_in_dim3A_169, %broadcast_in_dim3A_176, %broadcast_in_dim3A_183, %broadcast_in_dim3A_190, %broadcast_in_dim3A_197 in 0 : vector<1x128xf32>, vector<1x128xf32>, vector<1x128xf32>, vector<1x128xf32>, vector<1x128xf32>, vector<1x128xf32>, vector<1x128xf32>, vector<1x128xf32> -> vector<8x128xf32>
    %swap3A_198 = arith.constant 0 : index
    %swap3A_199 = arith.constant 0 : index
    %swap3A_200 = vector.load %arg6[%swap3A_198, %swap3A_199] : memref<8x128xf32, #tpu.memory_space<vmem>>, vector<8x128xf32>
    tpu.vector_store %arg6[%swap3A_198, %swap3A_199], %concatenate3A {strides = array<i32>} : memref<8x128xf32, #tpu.memory_space<vmem>>, vector<8x128xf32>,
    %convert_element_type3A_201 = arith.sitofp %add3A_95 : vector<1024x1xi32> to vector<1024x1xf32>
    %slice3A_202 = vector.extract_strided_slice %convert_element_type3A_201 {offsets = [0, 0], sizes = [128, 1], strides = [1, 1]} : vector<1024x1xf32> to vector<128x1xf32>
    %broadcast_in_dim3A_203 = vector.shape_cast %slice3A_202 : vector<128x1xf32> to vector<128x1xf32>
    %broadcast_in_dim3A_204 = vector.broadcast %broadcast_in_dim3A_203 : vector<128x1xf32> to vector<128x128xf32>
    %mul3A_205 = arith.mulf %broadcast_in_dim3A_204, %convert_element_type3A_142 : vector<128x128xf32>
    %reduce_sum3A_206 = arith.constant dense<0.000000e+00> : vector<128xf32>
    %reduce_sum3A_207 = vector.multi_reduction <add>, %mul3A_205, %reduce_sum3A_206 [0] : vector<128x128xf32> to vector<128xf32>
    %broadcast_in_dim3A_208 = vector.shape_cast %reduce_sum3A_207 : vector<128xf32> to vector<1x128xf32>
    %slice3A_209 = vector.extract_strided_slice %convert_element_type3A_201 {offsets = [128, 0], sizes = [128, 1], strides = [1, 1]} : vector<1024x1xf32> to vector<128x1xf32>
    %broadcast_in_dim3A_210 = vector.shape_cast %slice3A_209 : vector<128x1xf32> to vector<128x1xf32>
    %broadcast_in_dim3A_211 = vector.broadcast %broadcast_in_dim3A_210 : vector<128x1xf32> to vector<128x128xf32>
    %mul3A_212 = arith.mulf %broadcast_in_dim3A_211, %convert_element_type3A_142 : vector<128x128xf32>
    %reduce_sum3A_213 = arith.constant dense<0.000000e+00> : vector<128xf32>
    %reduce_sum3A_214 = vector.multi_reduction <add>, %mul3A_212, %reduce_sum3A_213 [0] : vector<128x128xf32> to vector<128xf32>
    %broadcast_in_dim3A_215 = vector.shape_cast %reduce_sum3A_214 : vector<128xf32> to vector<1x128xf32>
    %slice3A_216 = vector.extract_strided_slice %convert_element_type3A_201 {offsets = [256, 0], sizes = [128, 1], strides = [1, 1]} : vector<1024x1xf32> to vector<128x1xf32>
    %broadcast_in_dim3A_217 = vector.shape_cast %slice3A_216 : vector<128x1xf32> to vector<128x1xf32>
    %broadcast_in_dim3A_218 = vector.broadcast %broadcast_in_dim3A_217 : vector<128x1xf32> to vector<128x128xf32>
    %mul3A_219 = arith.mulf %broadcast_in_dim3A_218, %convert_element_type3A_142 : vector<128x128xf32>
    %reduce_sum3A_220 = arith.constant dense<0.000000e+00> : vector<128xf32>
    %reduce_sum3A_221 = vector.multi_reduction <add>, %mul3A_219, %reduce_sum3A_220 [0] : vector<128x128xf32> to vector<128xf32>
    %broadcast_in_dim3A_222 = vector.shape_cast %reduce_sum3A_221 : vector<128xf32> to vector<1x128xf32>
    %slice3A_223 = vector.extract_strided_slice %convert_element_type3A_201 {offsets = [384, 0], sizes = [128, 1], strides = [1, 1]} : vector<1024x1xf32> to vector<128x1xf32>
    %broadcast_in_dim3A_224 = vector.shape_cast %slice3A_223 : vector<128x1xf32> to vector<128x1xf32>
    %broadcast_in_dim3A_225 = vector.broadcast %broadcast_in_dim3A_224 : vector<128x1xf32> to vector<128x128xf32>
    %mul3A_226 = arith.mulf %broadcast_in_dim3A_225, %convert_element_type3A_142 : vector<128x128xf32>
    %reduce_sum3A_227 = arith.constant dense<0.000000e+00> : vector<128xf32>
    %reduce_sum3A_228 = vector.multi_reduction <add>, %mul3A_226, %reduce_sum3A_227 [0] : vector<128x128xf32> to vector<128xf32>
    %broadcast_in_dim3A_229 = vector.shape_cast %reduce_sum3A_228 : vector<128xf32> to vector<1x128xf32>
    %slice3A_230 = vector.extract_strided_slice %convert_element_type3A_201 {offsets = [512, 0], sizes = [128, 1], strides = [1, 1]} : vector<1024x1xf32> to vector<128x1xf32>
    %broadcast_in_dim3A_231 = vector.shape_cast %slice3A_230 : vector<128x1xf32> to vector<128x1xf32>
    %broadcast_in_dim3A_232 = vector.broadcast %broadcast_in_dim3A_231 : vector<128x1xf32> to vector<128x128xf32>
    %mul3A_233 = arith.mulf %broadcast_in_dim3A_232, %convert_element_type3A_142 : vector<128x128xf32>
    %reduce_sum3A_234 = arith.constant dense<0.000000e+00> : vector<128xf32>
    %reduce_sum3A_235 = vector.multi_reduction <add>, %mul3A_233, %reduce_sum3A_234 [0] : vector<128x128xf32> to vector<128xf32>
    %broadcast_in_dim3A_236 = vector.shape_cast %reduce_sum3A_235 : vector<128xf32> to vector<1x128xf32>
    %slice3A_237 = vector.extract_strided_slice %convert_element_type3A_201 {offsets = [640, 0], sizes = [128, 1], strides = [1, 1]} : vector<1024x1xf32> to vector<128x1xf32>
    %broadcast_in_dim3A_238 = vector.shape_cast %slice3A_237 : vector<128x1xf32> to vector<128x1xf32>
    %broadcast_in_dim3A_239 = vector.broadcast %broadcast_in_dim3A_238 : vector<128x1xf32> to vector<128x128xf32>
    %mul3A_240 = arith.mulf %broadcast_in_dim3A_239, %convert_element_type3A_142 : vector<128x128xf32>
    %reduce_sum3A_241 = arith.constant dense<0.000000e+00> : vector<128xf32>
    %reduce_sum3A_242 = vector.multi_reduction <add>, %mul3A_240, %reduce_sum3A_241 [0] : vector<128x128xf32> to vector<128xf32>
    %broadcast_in_dim3A_243 = vector.shape_cast %reduce_sum3A_242 : vector<128xf32> to vector<1x128xf32>
    %slice3A_244 = vector.extract_strided_slice %convert_element_type3A_201 {offsets = [768, 0], sizes = [128, 1], strides = [1, 1]} : vector<1024x1xf32> to vector<128x1xf32>
    %broadcast_in_dim3A_245 = vector.shape_cast %slice3A_244 : vector<128x1xf32> to vector<128x1xf32>
    %broadcast_in_dim3A_246 = vector.broadcast %broadcast_in_dim3A_245 : vector<128x1xf32> to vector<128x128xf32>
    %mul3A_247 = arith.mulf %broadcast_in_dim3A_246, %convert_element_type3A_142 : vector<128x128xf32>
    %reduce_sum3A_248 = arith.constant dense<0.000000e+00> : vector<128xf32>
    %reduce_sum3A_249 = vector.multi_reduction <add>, %mul3A_247, %reduce_sum3A_248 [0] : vector<128x128xf32> to vector<128xf32>
    %broadcast_in_dim3A_250 = vector.shape_cast %reduce_sum3A_249 : vector<128xf32> to vector<1x128xf32>
    %slice3A_251 = vector.extract_strided_slice %convert_element_type3A_201 {offsets = [896, 0], sizes = [128, 1], strides = [1, 1]} : vector<1024x1xf32> to vector<128x1xf32>
    %broadcast_in_dim3A_252 = vector.shape_cast %slice3A_251 : vector<128x1xf32> to vector<128x1xf32>
    %broadcast_in_dim3A_253 = vector.broadcast %broadcast_in_dim3A_252 : vector<128x1xf32> to vector<128x128xf32>
    %mul3A_254 = arith.mulf %broadcast_in_dim3A_253, %convert_element_type3A_142 : vector<128x128xf32>
    %reduce_sum3A_255 = arith.constant dense<0.000000e+00> : vector<128xf32>
    %reduce_sum3A_256 = vector.multi_reduction <add>, %mul3A_254, %reduce_sum3A_255 [0] : vector<128x128xf32> to vector<128xf32>
    %broadcast_in_dim3A_257 = vector.shape_cast %reduce_sum3A_256 : vector<128xf32> to vector<1x128xf32>
    %concatenate3A_258 = tpu.concatenate %broadcast_in_dim3A_208, %broadcast_in_dim3A_215, %broadcast_in_dim3A_222, %broadcast_in_dim3A_229, %broadcast_in_dim3A_236, %broadcast_in_dim3A_243, %broadcast_in_dim3A_250, %broadcast_in_dim3A_257 in 0 : vector<1x128xf32>, vector<1x128xf32>, vector<1x128xf32>, vector<1x128xf32>, vector<1x128xf32>, vector<1x128xf32>, vector<1x128xf32>, vector<1x128xf32> -> vector<8x128xf32>
    %swap3A_259 = arith.constant 0 : index
    %swap3A_260 = arith.constant 0 : index
    %swap3A_261 = vector.load %arg7[%swap3A_259, %swap3A_260] : memref<8x128xf32, #tpu.memory_space<vmem>>, vector<8x128xf32>
    tpu.vector_store %arg7[%swap3A_259, %swap3A_260], %concatenate3A_258 {strides = array<i32>} : memref<8x128xf32, #tpu.memory_space<vmem>>, vector<8x128xf32>,
    %eq3A_262 = arith.constant 15 : i32
    %eq3A_263 = arith.cmpi eq, %arg0, %eq3A_262 : i32
    %convert_element_type3A_264 = arith.extui %eq3A_263 : i1 to i32
    %cond3A_265 = arith.constant 0 : i32
    %cond3A_266 = arith.cmpi ne, %convert_element_type3A_264, %cond3A_265 : i32
    scf.if %cond3A_266 {
      %get3A_267 = arith.constant 0 : index
      %get3A_268 = arith.constant 0 : index
      %get3A_269 = vector.load %arg10[%get3A_267, %get3A_268] : memref<8x128xf32, #tpu.memory_space<vmem>>, vector<8x128xf32>
      %swap3A_270 = arith.constant 0 : index
      %swap3A_271 = arith.constant 0 : index
      %swap3A_272 = vector.load %arg8[%swap3A_270, %swap3A_271] : memref<8x128xf32, #tpu.memory_space<vmem>>, vector<8x128xf32>
      tpu.vector_store %arg8[%swap3A_270, %swap3A_271], %get3A_269 {strides = array<i32>} : memref<8x128xf32, #tpu.memory_space<vmem>>, vector<8x128xf32>,
    } else {
    }
    return
  }
  func.func @transform_0(%arg0: i32) -> (i32, i32) {
    %c0_i32 = arith.constant 0 : i32
    %c0_i32_0 = arith.constant 0 : i32
    return %arg0, %c0_i32 : i32, i32
  }
  func.func @transform_1(%arg0: i32) -> (i32, i32) {
    %c0_i32 = arith.constant 0 : i32
    %c0_i32_0 = arith.constant 0 : i32
    %c0_i32_1 = arith.constant 0 : i32
    return %c0_i32, %c0_i32_0 : i32, i32
  }
  func.func @transform_2(%arg0: i32) -> (i32, i32) {
    %c0_i32 = arith.constant 0 : i32
    %c0_i32_0 = arith.constant 0 : i32
    %c0_i32_1 = arith.constant 0 : i32
    return %c0_i32, %c0_i32_0 : i32, i32
  }
  func.func @transform_3(%arg0: i32) -> (i32, i32) {
    %c0_i32 = arith.constant 0 : i32
    %c0_i32_0 = arith.constant 0 : i32
    %c0_i32_1 = arith.constant 0 : i32
    return %c0_i32, %c0_i32_0 : i32, i32
  }
  func.func @transform_4(%arg0: i32) -> (i32, i32) {
    %c0_i32 = arith.constant 0 : i32
    %c0_i32_0 = arith.constant 0 : i32
    return %arg0, %c0_i32 : i32, i32
  }
  func.func @transform_5(%arg0: i32) -> (i32, i32) {
    %c0_i32 = arith.constant 0 : i32
    %c0_i32_0 = arith.constant 0 : i32
    return %arg0, %c0_i32 : i32, i32
  }
  func.func @transform_6(%arg0: i32) -> (i32, i32) {
    %c0_i32 = arith.constant 0 : i32
    %c0_i32_0 = arith.constant 0 : i32
    return %arg0, %c0_i32 : i32, i32
  }
  func.func @transform_7(%arg0: i32) -> (i32, i32) {
    %c0_i32 = arith.constant 0 : i32
    %c0_i32_0 = arith.constant 0 : i32
    %c0_i32_1 = arith.constant 0 : i32
    return %c0_i32, %c0_i32_0 : i32, i32
  }
  func.func @transform_8(%arg0: i32) -> (i32, i32) {
    %c0_i32 = arith.constant 0 : i32
    %c0_i32_0 = arith.constant 0 : i32
    %c0_i32_1 = arith.constant 0 : i32
    return %c0_i32, %c0_i32_0 : i32, i32
  }
}

module attributes {stable_mosaic.version = 14 : i64} {
  func.func @_dest_kernel(%arg0: i32, %arg1: memref<8x128xf32, #tpu.memory_space<vmem>>, %arg2: memref<128x128xf32, #tpu.memory_space<vmem>>, %arg3: memref<128x128xf32, #tpu.memory_space<vmem>>, %arg4: memref<8x128xf32, #tpu.memory_space<vmem>>, %arg5: memref<128x128xi32, #tpu.memory_space<vmem>>, %arg6: memref<8x128xi32, #tpu.memory_space<vmem>>, %arg7: memref<8x128xi32, #tpu.memory_space<vmem>>, %arg8: memref<8x128xf32, #tpu.memory_space<vmem>>) attributes {dimension_semantics = [#tpu.dimension_semantics<arbitrary>], iteration_bounds = array<i64: 1>, scalar_prefetch = 0 : i64, scratch_operands = 0 : i64, tpu.core_type = #tpu.core_type<tc>, window_params = [{pipeline_mode = #tpu.pipeline_mode<synchronous>, transform_indices = @transform_0, window_bounds = array<i64: 8, 128>}, {pipeline_mode = #tpu.pipeline_mode<synchronous>, transform_indices = @transform_1, window_bounds = array<i64: 128, 128>}, {pipeline_mode = #tpu.pipeline_mode<synchronous>, transform_indices = @transform_2, window_bounds = array<i64: 128, 128>}, {pipeline_mode = #tpu.pipeline_mode<synchronous>, transform_indices = @transform_3, window_bounds = array<i64: 8, 128>}, {pipeline_mode = #tpu.pipeline_mode<synchronous>, transform_indices = @transform_4, window_bounds = array<i64: 128, 128>}, {pipeline_mode = #tpu.pipeline_mode<synchronous>, transform_indices = @transform_5, window_bounds = array<i64: 8, 128>}, {pipeline_mode = #tpu.pipeline_mode<synchronous>, transform_indices = @transform_6, window_bounds = array<i64: 8, 128>}, {pipeline_mode = #tpu.pipeline_mode<synchronous>, transform_indices = @transform_7, window_bounds = array<i64: 8, 128>}]} {
    %iota3A = tpu.iota {dimensions = array<i32: 0>} : vector<128x128xi32>
    %iota3A_0 = tpu.iota {dimensions = array<i32: 1>} : vector<128x128xi32>
    %eq3A = arith.cmpi eq, %iota3A, %iota3A_0 : vector<128x128xi32>
    %convert_element_type3A = arith.extui %eq3A : vector<128x128xi1> to vector<128x128xi32>
    %convert_element_type3A_1 = arith.sitofp %convert_element_type3A : vector<128x128xi32> to vector<128x128xf32>
    %iota3A_2 = tpu.iota {dimensions = array<i32: 1>} : vector<1x128xi32>
    %lt3A = arith.constant 6 : i32
    %lt3A_3 = vector.broadcast %lt3A : i32 to vector<1x128xi32>
    %lt3A_4 = arith.cmpi slt, %iota3A_2, %lt3A_3 : vector<1x128xi32>
    %get3A = arith.constant 0 : index
    %get3A_5 = arith.constant 0 : index
    %get3A_6 = vector.load %arg1[%get3A, %get3A_5] : memref<8x128xf32, #tpu.memory_space<vmem>>, vector<1x128xf32>
    %jit3A = arith.constant 0.000000e+00 : f32
    %broadcast_in_dim3A = vector.broadcast %jit3A : f32 to vector<1x128xf32>
    %select_n3A = arith.select %lt3A_4, %get3A_6, %broadcast_in_dim3A : vector<1x128xi1>, vector<1x128xf32>
    %div3A = arith.constant 5.120000e+02 : f32
    %div3A_7 = vector.broadcast %div3A : f32 to vector<1x128xf32>
    %div3A_8 = arith.divf %select_n3A, %div3A_7 : vector<1x128xf32>
    %ceil3A = math.ceil %div3A_8 : vector<1x128xf32>
    %mul3A = arith.constant 5.120000e+02 : f32
    %mul3A_9 = vector.broadcast %mul3A : f32 to vector<1x128xf32>
    %mul3A_10 = arith.mulf %ceil3A, %mul3A_9 : vector<1x128xf32>
    %le3A = arith.cmpi sle, %iota3A, %iota3A_0 : vector<128x128xi32>
    %convert_element_type3A_11 = arith.extui %le3A : vector<128x128xi1> to vector<128x128xi32>
    %convert_element_type3A_12 = arith.sitofp %convert_element_type3A_11 : vector<128x128xi32> to vector<128x128xf32>
    %dot_general3A = arith.constant dense<0.000000e+00> : vector<1x128xf32>
    %dot_general3A_13 = tpu.matmul %mul3A_10, %convert_element_type3A_12, %dot_general3A {dimension_numbers = #tpu.dot_dimension_numbers<[1], [0], [0], [1], [0, 0, 1, 1], [], []>, transpose_lhs_hint = false} : vector<1x128xf32>, vector<128x128xf32>, vector<1x128xf32> -> vector<1x128xf32>
    %sub3A = arith.subf %dot_general3A_13, %mul3A_10 : vector<1x128xf32>
    %get3A_14 = arith.constant 0 : index
    %get3A_15 = arith.constant 0 : index
    %get3A_16 = vector.load %arg2[%get3A_14, %get3A_15] : memref<128x128xf32, #tpu.memory_space<vmem>>, vector<128x128xf32>
    %get3A_17 = arith.constant 0 : index
    %get3A_18 = arith.constant 0 : index
    %get3A_19 = vector.load %arg3[%get3A_17, %get3A_18] : memref<128x128xf32, #tpu.memory_space<vmem>>, vector<128x128xf32>
    %eq3A_20 = arith.constant 0.000000e+00 : f32
    %eq3A_21 = vector.broadcast %eq3A_20 : f32 to vector<128x128xf32>
    %eq3A_22 = arith.cmpf oeq, %get3A_19, %eq3A_21 : vector<128x128xf32>
    %slice3A = vector.extract_strided_slice %sub3A {offsets = [0, 0], sizes = [1, 1], strides = [1, 1]} : vector<1x128xf32> to vector<1x1xf32>
    %broadcast_in_dim3A_23 = vector.shape_cast %slice3A : vector<1x1xf32> to vector<1x1xf32>
    %broadcast_in_dim3A_24 = vector.broadcast %broadcast_in_dim3A_23 : vector<1x1xf32> to vector<128x128xf32>
    %jit3A_25 = arith.constant 0.000000e+00 : f32
    %broadcast_in_dim3A_26 = vector.broadcast %jit3A_25 : f32 to vector<128x128xf32>
    %select_n3A_27 = arith.select %eq3A_22, %broadcast_in_dim3A_24, %broadcast_in_dim3A_26 : vector<128x128xi1>, vector<128x128xf32>
    %add3A = arith.addf %get3A_16, %select_n3A_27 : vector<128x128xf32>
    %eq3A_28 = arith.constant 1.000000e+00 : f32
    %eq3A_29 = vector.broadcast %eq3A_28 : f32 to vector<128x128xf32>
    %eq3A_30 = arith.cmpf oeq, %get3A_19, %eq3A_29 : vector<128x128xf32>
    %slice3A_31 = vector.extract_strided_slice %sub3A {offsets = [0, 1], sizes = [1, 1], strides = [1, 1]} : vector<1x128xf32> to vector<1x1xf32>
    %broadcast_in_dim3A_32 = vector.shape_cast %slice3A_31 : vector<1x1xf32> to vector<1x1xf32>
    %broadcast_in_dim3A_33 = vector.broadcast %broadcast_in_dim3A_32 : vector<1x1xf32> to vector<128x128xf32>
    %jit3A_34 = arith.constant 0.000000e+00 : f32
    %broadcast_in_dim3A_35 = vector.broadcast %jit3A_34 : f32 to vector<128x128xf32>
    %select_n3A_36 = arith.select %eq3A_30, %broadcast_in_dim3A_33, %broadcast_in_dim3A_35 : vector<128x128xi1>, vector<128x128xf32>
    %add3A_37 = arith.addf %add3A, %select_n3A_36 : vector<128x128xf32>
    %eq3A_38 = arith.constant 2.000000e+00 : f32
    %eq3A_39 = vector.broadcast %eq3A_38 : f32 to vector<128x128xf32>
    %eq3A_40 = arith.cmpf oeq, %get3A_19, %eq3A_39 : vector<128x128xf32>
    %slice3A_41 = vector.extract_strided_slice %sub3A {offsets = [0, 2], sizes = [1, 1], strides = [1, 1]} : vector<1x128xf32> to vector<1x1xf32>
    %broadcast_in_dim3A_42 = vector.shape_cast %slice3A_41 : vector<1x1xf32> to vector<1x1xf32>
    %broadcast_in_dim3A_43 = vector.broadcast %broadcast_in_dim3A_42 : vector<1x1xf32> to vector<128x128xf32>
    %jit3A_44 = arith.constant 0.000000e+00 : f32
    %broadcast_in_dim3A_45 = vector.broadcast %jit3A_44 : f32 to vector<128x128xf32>
    %select_n3A_46 = arith.select %eq3A_40, %broadcast_in_dim3A_43, %broadcast_in_dim3A_45 : vector<128x128xi1>, vector<128x128xf32>
    %add3A_47 = arith.addf %add3A_37, %select_n3A_46 : vector<128x128xf32>
    %eq3A_48 = arith.constant 3.000000e+00 : f32
    %eq3A_49 = vector.broadcast %eq3A_48 : f32 to vector<128x128xf32>
    %eq3A_50 = arith.cmpf oeq, %get3A_19, %eq3A_49 : vector<128x128xf32>
    %slice3A_51 = vector.extract_strided_slice %sub3A {offsets = [0, 3], sizes = [1, 1], strides = [1, 1]} : vector<1x128xf32> to vector<1x1xf32>
    %broadcast_in_dim3A_52 = vector.shape_cast %slice3A_51 : vector<1x1xf32> to vector<1x1xf32>
    %broadcast_in_dim3A_53 = vector.broadcast %broadcast_in_dim3A_52 : vector<1x1xf32> to vector<128x128xf32>
    %jit3A_54 = arith.constant 0.000000e+00 : f32
    %broadcast_in_dim3A_55 = vector.broadcast %jit3A_54 : f32 to vector<128x128xf32>
    %select_n3A_56 = arith.select %eq3A_50, %broadcast_in_dim3A_53, %broadcast_in_dim3A_55 : vector<128x128xi1>, vector<128x128xf32>
    %add3A_57 = arith.addf %add3A_47, %select_n3A_56 : vector<128x128xf32>
    %eq3A_58 = arith.constant 4.000000e+00 : f32
    %eq3A_59 = vector.broadcast %eq3A_58 : f32 to vector<128x128xf32>
    %eq3A_60 = arith.cmpf oeq, %get3A_19, %eq3A_59 : vector<128x128xf32>
    %slice3A_61 = vector.extract_strided_slice %sub3A {offsets = [0, 4], sizes = [1, 1], strides = [1, 1]} : vector<1x128xf32> to vector<1x1xf32>
    %broadcast_in_dim3A_62 = vector.shape_cast %slice3A_61 : vector<1x1xf32> to vector<1x1xf32>
    %broadcast_in_dim3A_63 = vector.broadcast %broadcast_in_dim3A_62 : vector<1x1xf32> to vector<128x128xf32>
    %jit3A_64 = arith.constant 0.000000e+00 : f32
    %broadcast_in_dim3A_65 = vector.broadcast %jit3A_64 : f32 to vector<128x128xf32>
    %select_n3A_66 = arith.select %eq3A_60, %broadcast_in_dim3A_63, %broadcast_in_dim3A_65 : vector<128x128xi1>, vector<128x128xf32>
    %add3A_67 = arith.addf %add3A_57, %select_n3A_66 : vector<128x128xf32>
    %eq3A_68 = arith.constant 5.000000e+00 : f32
    %eq3A_69 = vector.broadcast %eq3A_68 : f32 to vector<128x128xf32>
    %eq3A_70 = arith.cmpf oeq, %get3A_19, %eq3A_69 : vector<128x128xf32>
    %slice3A_71 = vector.extract_strided_slice %sub3A {offsets = [0, 5], sizes = [1, 1], strides = [1, 1]} : vector<1x128xf32> to vector<1x1xf32>
    %broadcast_in_dim3A_72 = vector.shape_cast %slice3A_71 : vector<1x1xf32> to vector<1x1xf32>
    %broadcast_in_dim3A_73 = vector.broadcast %broadcast_in_dim3A_72 : vector<1x1xf32> to vector<128x128xf32>
    %jit3A_74 = arith.constant 0.000000e+00 : f32
    %broadcast_in_dim3A_75 = vector.broadcast %jit3A_74 : f32 to vector<128x128xf32>
    %select_n3A_76 = arith.select %eq3A_70, %broadcast_in_dim3A_73, %broadcast_in_dim3A_75 : vector<128x128xi1>, vector<128x128xf32>
    %add3A_77 = arith.addf %add3A_67, %select_n3A_76 : vector<128x128xf32>
    %convert_element_type3A_78 = arith.fptosi %add3A_77 : vector<128x128xf32> to vector<128x128xi32>
    %swap3A = arith.constant 0 : index
    %swap3A_79 = arith.constant 0 : index
    %swap3A_80 = vector.load %arg5[%swap3A, %swap3A_79] : memref<128x128xi32, #tpu.memory_space<vmem>>, vector<128x128xi32>
    tpu.vector_store %arg5[%swap3A, %swap3A_79], %convert_element_type3A_78 {strides = array<i32>} : memref<128x128xi32, #tpu.memory_space<vmem>>, vector<128x128xi32>,
    %lt3A_81 = arith.constant 6 : i32
    %lt3A_82 = vector.broadcast %lt3A_81 : i32 to vector<1x128xi32>
    %lt3A_83 = arith.cmpi slt, %iota3A_2, %lt3A_82 : vector<1x128xi32>
    %jit3A_84 = arith.constant 3.000000e+07 : f32
    %broadcast_in_dim3A_85 = vector.broadcast %jit3A_84 : f32 to vector<1x128xf32>
    %select_n3A_86 = arith.select %lt3A_83, %dot_general3A_13, %broadcast_in_dim3A_85 : vector<1x128xi1>, vector<1x128xf32>
    %broadcast_in_dim3A_87 = vector.shape_cast %select_n3A_86 : vector<1x128xf32> to vector<1x128xf32>
    %broadcast_in_dim3A_88 = vector.broadcast %broadcast_in_dim3A_87 : vector<1x128xf32> to vector<128x128xf32>
    %mul3A_89 = arith.mulf %broadcast_in_dim3A_88, %convert_element_type3A_1 : vector<128x128xf32>
    %reduce_sum3A = arith.constant dense<0.000000e+00> : vector<128xf32>
    %reduce_sum3A_90 = vector.multi_reduction <add>, %mul3A_89, %reduce_sum3A [1] : vector<128x128xf32> to vector<128xf32>
    %broadcast_in_dim3A_91 = vector.shape_cast %reduce_sum3A_90 : vector<128xf32> to vector<128x1xf32>
    %mul3A_92 = arith.constant 512 : i32
    %mul3A_93 = vector.broadcast %mul3A_92 : i32 to vector<128x128xi32>
    %mul3A_94 = arith.muli %iota3A_0, %mul3A_93 : vector<128x128xi32>
    %convert_element_type3A_95 = arith.sitofp %mul3A_94 : vector<128x128xi32> to vector<128x128xf32>
    %ge3A = vector.broadcast %broadcast_in_dim3A_91 : vector<128x1xf32> to vector<128x128xf32>
    %ge3A_96 = arith.cmpf oge, %convert_element_type3A_95, %ge3A : vector<128x128xf32>
    %convert_element_type3A_97 = arith.extui %ge3A_96 : vector<128x128xi1> to vector<128x128xi32>
    %convert_element_type3A_98 = arith.sitofp %convert_element_type3A_97 : vector<128x128xi32> to vector<128x128xf32>
    %reduce_sum3A_99 = arith.constant dense<0.000000e+00> : vector<128xf32>
    %reduce_sum3A_100 = vector.multi_reduction <add>, %convert_element_type3A_98, %reduce_sum3A_99 [0] : vector<128x128xf32> to vector<128xf32>
    %broadcast_in_dim3A_101 = vector.shape_cast %reduce_sum3A_100 : vector<128xf32> to vector<1x128xf32>
    %min3A = arith.constant 5.000000e+00 : f32
    %min3A_102 = vector.broadcast %min3A : f32 to vector<1x128xf32>
    %min3A_103 = arith.minimumf %broadcast_in_dim3A_101, %min3A_102 : vector<1x128xf32>
    %broadcast_in_dim3A_104 = arith.constant 0.000000e+00 : f32
    %broadcast_in_dim3A_105 = vector.broadcast %broadcast_in_dim3A_104 : f32 to vector<1x128xf32>
    %broadcast_in_dim3A_106 = arith.constant 0.000000e+00 : f32
    %broadcast_in_dim3A_107 = vector.broadcast %broadcast_in_dim3A_106 : f32 to vector<1x128xf32>
    %eq3A_108 = arith.constant 0.000000e+00 : f32
    %eq3A_109 = vector.broadcast %eq3A_108 : f32 to vector<1x128xf32>
    %eq3A_110 = arith.cmpf oeq, %min3A_103, %eq3A_109 : vector<1x128xf32>
    %jit3A_111 = arith.constant 0.000000e+00 : f32
    %jit3A_112 = arith.constant 0.000000e+00 : f32
    %broadcast_in_dim3A_113 = vector.broadcast %jit3A_111 : f32 to vector<1x128xf32>
    %broadcast_in_dim3A_114 = vector.broadcast %jit3A_112 : f32 to vector<1x128xf32>
    %select_n3A_115 = arith.select %eq3A_110, %broadcast_in_dim3A_113, %broadcast_in_dim3A_114 : vector<1x128xi1>, vector<1x128xf32>
    %add3A_116 = arith.addf %broadcast_in_dim3A_105, %select_n3A_115 : vector<1x128xf32>
    %eq3A_117 = arith.constant 0.000000e+00 : f32
    %eq3A_118 = vector.broadcast %eq3A_117 : f32 to vector<1x128xf32>
    %eq3A_119 = arith.cmpf oeq, %min3A_103, %eq3A_118 : vector<1x128xf32>
    %jit3A_120 = arith.constant 1.000000e+00 : f32
    %jit3A_121 = arith.constant 0.000000e+00 : f32
    %broadcast_in_dim3A_122 = vector.broadcast %jit3A_120 : f32 to vector<1x128xf32>
    %broadcast_in_dim3A_123 = vector.broadcast %jit3A_121 : f32 to vector<1x128xf32>
    %select_n3A_124 = arith.select %eq3A_119, %broadcast_in_dim3A_122, %broadcast_in_dim3A_123 : vector<1x128xi1>, vector<1x128xf32>
    %add3A_125 = arith.addf %broadcast_in_dim3A_107, %select_n3A_124 : vector<1x128xf32>
    %eq3A_126 = arith.constant 1.000000e+00 : f32
    %eq3A_127 = vector.broadcast %eq3A_126 : f32 to vector<1x128xf32>
    %eq3A_128 = arith.cmpf oeq, %min3A_103, %eq3A_127 : vector<1x128xf32>
    %jit3A_129 = arith.constant 0.000000e+00 : f32
    %jit3A_130 = arith.constant 0.000000e+00 : f32
    %broadcast_in_dim3A_131 = vector.broadcast %jit3A_129 : f32 to vector<1x128xf32>
    %broadcast_in_dim3A_132 = vector.broadcast %jit3A_130 : f32 to vector<1x128xf32>
    %select_n3A_133 = arith.select %eq3A_128, %broadcast_in_dim3A_131, %broadcast_in_dim3A_132 : vector<1x128xi1>, vector<1x128xf32>
    %add3A_134 = arith.addf %add3A_116, %select_n3A_133 : vector<1x128xf32>
    %eq3A_135 = arith.constant 1.000000e+00 : f32
    %eq3A_136 = vector.broadcast %eq3A_135 : f32 to vector<1x128xf32>
    %eq3A_137 = arith.cmpf oeq, %min3A_103, %eq3A_136 : vector<1x128xf32>
    %jit3A_138 = arith.constant 2.000000e+00 : f32
    %jit3A_139 = arith.constant 0.000000e+00 : f32
    %broadcast_in_dim3A_140 = vector.broadcast %jit3A_138 : f32 to vector<1x128xf32>
    %broadcast_in_dim3A_141 = vector.broadcast %jit3A_139 : f32 to vector<1x128xf32>
    %select_n3A_142 = arith.select %eq3A_137, %broadcast_in_dim3A_140, %broadcast_in_dim3A_141 : vector<1x128xi1>, vector<1x128xf32>
    %add3A_143 = arith.addf %add3A_125, %select_n3A_142 : vector<1x128xf32>
    %eq3A_144 = arith.constant 2.000000e+00 : f32
    %eq3A_145 = vector.broadcast %eq3A_144 : f32 to vector<1x128xf32>
    %eq3A_146 = arith.cmpf oeq, %min3A_103, %eq3A_145 : vector<1x128xf32>
    %jit3A_147 = arith.constant 0.000000e+00 : f32
    %jit3A_148 = arith.constant 0.000000e+00 : f32
    %broadcast_in_dim3A_149 = vector.broadcast %jit3A_147 : f32 to vector<1x128xf32>
    %broadcast_in_dim3A_150 = vector.broadcast %jit3A_148 : f32 to vector<1x128xf32>
    %select_n3A_151 = arith.select %eq3A_146, %broadcast_in_dim3A_149, %broadcast_in_dim3A_150 : vector<1x128xi1>, vector<1x128xf32>
    %add3A_152 = arith.addf %add3A_134, %select_n3A_151 : vector<1x128xf32>
    %eq3A_153 = arith.constant 2.000000e+00 : f32
    %eq3A_154 = vector.broadcast %eq3A_153 : f32 to vector<1x128xf32>
    %eq3A_155 = arith.cmpf oeq, %min3A_103, %eq3A_154 : vector<1x128xf32>
    %jit3A_156 = arith.constant 3.000000e+00 : f32
    %jit3A_157 = arith.constant 0.000000e+00 : f32
    %broadcast_in_dim3A_158 = vector.broadcast %jit3A_156 : f32 to vector<1x128xf32>
    %broadcast_in_dim3A_159 = vector.broadcast %jit3A_157 : f32 to vector<1x128xf32>
    %select_n3A_160 = arith.select %eq3A_155, %broadcast_in_dim3A_158, %broadcast_in_dim3A_159 : vector<1x128xi1>, vector<1x128xf32>
    %add3A_161 = arith.addf %add3A_143, %select_n3A_160 : vector<1x128xf32>
    %eq3A_162 = arith.constant 3.000000e+00 : f32
    %eq3A_163 = vector.broadcast %eq3A_162 : f32 to vector<1x128xf32>
    %eq3A_164 = arith.cmpf oeq, %min3A_103, %eq3A_163 : vector<1x128xf32>
    %jit3A_165 = arith.constant 1.000000e+00 : f32
    %jit3A_166 = arith.constant 0.000000e+00 : f32
    %broadcast_in_dim3A_167 = vector.broadcast %jit3A_165 : f32 to vector<1x128xf32>
    %broadcast_in_dim3A_168 = vector.broadcast %jit3A_166 : f32 to vector<1x128xf32>
    %select_n3A_169 = arith.select %eq3A_164, %broadcast_in_dim3A_167, %broadcast_in_dim3A_168 : vector<1x128xi1>, vector<1x128xf32>
    %add3A_170 = arith.addf %add3A_152, %select_n3A_169 : vector<1x128xf32>
    %eq3A_171 = arith.constant 3.000000e+00 : f32
    %eq3A_172 = vector.broadcast %eq3A_171 : f32 to vector<1x128xf32>
    %eq3A_173 = arith.cmpf oeq, %min3A_103, %eq3A_172 : vector<1x128xf32>
    %jit3A_174 = arith.constant 2.000000e+00 : f32
    %jit3A_175 = arith.constant 0.000000e+00 : f32
    %broadcast_in_dim3A_176 = vector.broadcast %jit3A_174 : f32 to vector<1x128xf32>
    %broadcast_in_dim3A_177 = vector.broadcast %jit3A_175 : f32 to vector<1x128xf32>
    %select_n3A_178 = arith.select %eq3A_173, %broadcast_in_dim3A_176, %broadcast_in_dim3A_177 : vector<1x128xi1>, vector<1x128xf32>
    %add3A_179 = arith.addf %add3A_161, %select_n3A_178 : vector<1x128xf32>
    %eq3A_180 = arith.constant 4.000000e+00 : f32
    %eq3A_181 = vector.broadcast %eq3A_180 : f32 to vector<1x128xf32>
    %eq3A_182 = arith.cmpf oeq, %min3A_103, %eq3A_181 : vector<1x128xf32>
    %jit3A_183 = arith.constant 1.000000e+00 : f32
    %jit3A_184 = arith.constant 0.000000e+00 : f32
    %broadcast_in_dim3A_185 = vector.broadcast %jit3A_183 : f32 to vector<1x128xf32>
    %broadcast_in_dim3A_186 = vector.broadcast %jit3A_184 : f32 to vector<1x128xf32>
    %select_n3A_187 = arith.select %eq3A_182, %broadcast_in_dim3A_185, %broadcast_in_dim3A_186 : vector<1x128xi1>, vector<1x128xf32>
    %add3A_188 = arith.addf %add3A_170, %select_n3A_187 : vector<1x128xf32>
    %eq3A_189 = arith.constant 4.000000e+00 : f32
    %eq3A_190 = vector.broadcast %eq3A_189 : f32 to vector<1x128xf32>
    %eq3A_191 = arith.cmpf oeq, %min3A_103, %eq3A_190 : vector<1x128xf32>
    %jit3A_192 = arith.constant 3.000000e+00 : f32
    %jit3A_193 = arith.constant 0.000000e+00 : f32
    %broadcast_in_dim3A_194 = vector.broadcast %jit3A_192 : f32 to vector<1x128xf32>
    %broadcast_in_dim3A_195 = vector.broadcast %jit3A_193 : f32 to vector<1x128xf32>
    %select_n3A_196 = arith.select %eq3A_191, %broadcast_in_dim3A_194, %broadcast_in_dim3A_195 : vector<1x128xi1>, vector<1x128xf32>
    %add3A_197 = arith.addf %add3A_179, %select_n3A_196 : vector<1x128xf32>
    %eq3A_198 = arith.constant 5.000000e+00 : f32
    %eq3A_199 = vector.broadcast %eq3A_198 : f32 to vector<1x128xf32>
    %eq3A_200 = arith.cmpf oeq, %min3A_103, %eq3A_199 : vector<1x128xf32>
    %jit3A_201 = arith.constant 2.000000e+00 : f32
    %jit3A_202 = arith.constant 0.000000e+00 : f32
    %broadcast_in_dim3A_203 = vector.broadcast %jit3A_201 : f32 to vector<1x128xf32>
    %broadcast_in_dim3A_204 = vector.broadcast %jit3A_202 : f32 to vector<1x128xf32>
    %select_n3A_205 = arith.select %eq3A_200, %broadcast_in_dim3A_203, %broadcast_in_dim3A_204 : vector<1x128xi1>, vector<1x128xf32>
    %add3A_206 = arith.addf %add3A_188, %select_n3A_205 : vector<1x128xf32>
    %eq3A_207 = arith.constant 5.000000e+00 : f32
    %eq3A_208 = vector.broadcast %eq3A_207 : f32 to vector<1x128xf32>
    %eq3A_209 = arith.cmpf oeq, %min3A_103, %eq3A_208 : vector<1x128xf32>
    %jit3A_210 = arith.constant 3.000000e+00 : f32
    %jit3A_211 = arith.constant 0.000000e+00 : f32
    %broadcast_in_dim3A_212 = vector.broadcast %jit3A_210 : f32 to vector<1x128xf32>
    %broadcast_in_dim3A_213 = vector.broadcast %jit3A_211 : f32 to vector<1x128xf32>
    %select_n3A_214 = arith.select %eq3A_209, %broadcast_in_dim3A_212, %broadcast_in_dim3A_213 : vector<1x128xi1>, vector<1x128xf32>
    %add3A_215 = arith.addf %add3A_197, %select_n3A_214 : vector<1x128xf32>
    %broadcast_in_dim3A_216 = vector.shape_cast %add3A_206 : vector<1x128xf32> to vector<1x128xf32>
    %broadcast_in_dim3A_217 = vector.broadcast %broadcast_in_dim3A_216 : vector<1x128xf32> to vector<8x128xf32>
    %convert_element_type3A_218 = arith.fptosi %broadcast_in_dim3A_217 : vector<8x128xf32> to vector<8x128xi32>
    %swap3A_219 = arith.constant 0 : index
    %swap3A_220 = arith.constant 0 : index
    %swap3A_221 = vector.load %arg6[%swap3A_219, %swap3A_220] : memref<8x128xi32, #tpu.memory_space<vmem>>, vector<8x128xi32>
    tpu.vector_store %arg6[%swap3A_219, %swap3A_220], %convert_element_type3A_218 {strides = array<i32>} : memref<8x128xi32, #tpu.memory_space<vmem>>, vector<8x128xi32>,
    %broadcast_in_dim3A_222 = vector.shape_cast %add3A_215 : vector<1x128xf32> to vector<1x128xf32>
    %broadcast_in_dim3A_223 = vector.broadcast %broadcast_in_dim3A_222 : vector<1x128xf32> to vector<8x128xf32>
    %convert_element_type3A_224 = arith.fptosi %broadcast_in_dim3A_223 : vector<8x128xf32> to vector<8x128xi32>
    %swap3A_225 = arith.constant 0 : index
    %swap3A_226 = arith.constant 0 : index
    %swap3A_227 = vector.load %arg7[%swap3A_225, %swap3A_226] : memref<8x128xi32, #tpu.memory_space<vmem>>, vector<8x128xi32>
    tpu.vector_store %arg7[%swap3A_225, %swap3A_226], %convert_element_type3A_224 {strides = array<i32>} : memref<8x128xi32, #tpu.memory_space<vmem>>, vector<8x128xi32>,
    %lt3A_228 = arith.constant 4 : i32
    %lt3A_229 = vector.broadcast %lt3A_228 : i32 to vector<1x128xi32>
    %lt3A_230 = arith.cmpi slt, %iota3A_2, %lt3A_229 : vector<1x128xi32>
    %get3A_231 = arith.constant 0 : index
    %get3A_232 = arith.constant 0 : index
    %get3A_233 = vector.load %arg4[%get3A_231, %get3A_232] : memref<8x128xf32, #tpu.memory_space<vmem>>, vector<1x128xf32>
    %jit3A_234 = arith.constant 0.000000e+00 : f32
    %broadcast_in_dim3A_235 = vector.broadcast %jit3A_234 : f32 to vector<1x128xf32>
    %select_n3A_236 = arith.select %lt3A_230, %get3A_233, %broadcast_in_dim3A_235 : vector<1x128xi1>, vector<1x128xf32>
    %mul3A_237 = arith.constant 6.10351563E-5 : f32
    %mul3A_238 = vector.broadcast %mul3A_237 : f32 to vector<1x128xf32>
    %mul3A_239 = arith.mulf %select_n3A_236, %mul3A_238 : vector<1x128xf32>
    %mul3A_240 = arith.mulf %mul3A_239, %mul3A_239 : vector<1x128xf32>
    %reduce_sum3A_241 = vector.shape_cast %mul3A_240 : vector<1x128xf32> to vector<1x1x128xf32>
    %reduce_sum3A_242 = arith.constant dense<0.000000e+00> : vector<1xf32>
    %reduce_sum3A_243 = vector.multi_reduction <add>, %reduce_sum3A_241, %reduce_sum3A_242 [1, 2] : vector<1x1x128xf32> to vector<1xf32>
    %reduce_sum3A_244 = vector.shape_cast %reduce_sum3A_243 : vector<1xf32> to vector<1x1x1xf32>
    %reduce_sum3A_245 = vector.extract %reduce_sum3A_244[0, 0, 0] : f32 from vector<1x1x1xf32>
    %mul3A_246 = arith.constant 4.000000e+00 : f32
    %mul3A_247 = arith.mulf %reduce_sum3A_245, %mul3A_246 : f32
    %jit3A_248 = arith.constant 0.000000e+00 : f32
    %jit3A_249 = arith.constant 5.000000e+00 : f32
    %max3A = arith.maximumf %jit3A_248, %mul3A_247 : f32
    %min3A_250 = arith.minimumf %jit3A_249, %max3A : f32
    %broadcast_in_dim3A_251 = vector.broadcast %min3A_250 : f32 to vector<8x128xf32>
    %swap3A_252 = arith.constant 0 : index
    %swap3A_253 = arith.constant 0 : index
    %swap3A_254 = vector.load %arg8[%swap3A_252, %swap3A_253] : memref<8x128xf32, #tpu.memory_space<vmem>>, vector<8x128xf32>
    tpu.vector_store %arg8[%swap3A_252, %swap3A_253], %broadcast_in_dim3A_251 {strides = array<i32>} : memref<8x128xf32, #tpu.memory_space<vmem>>, vector<8x128xf32>,
    return
  }
  func.func @transform_0(%arg0: i32) -> (i32, i32) {
    %c0_i32 = arith.constant 0 : i32
    %c0_i32_0 = arith.constant 0 : i32
    %c0_i32_1 = arith.constant 0 : i32
    return %c0_i32, %c0_i32_0 : i32, i32
  }
  func.func @transform_1(%arg0: i32) -> (i32, i32) {
    %c0_i32 = arith.constant 0 : i32
    %c0_i32_0 = arith.constant 0 : i32
    %c0_i32_1 = arith.constant 0 : i32
    return %c0_i32, %c0_i32_0 : i32, i32
  }
  func.func @transform_2(%arg0: i32) -> (i32, i32) {
    %c0_i32 = arith.constant 0 : i32
    %c0_i32_0 = arith.constant 0 : i32
    %c0_i32_1 = arith.constant 0 : i32
    return %c0_i32, %c0_i32_0 : i32, i32
  }
  func.func @transform_3(%arg0: i32) -> (i32, i32) {
    %c0_i32 = arith.constant 0 : i32
    %c0_i32_0 = arith.constant 0 : i32
    %c0_i32_1 = arith.constant 0 : i32
    return %c0_i32, %c0_i32_0 : i32, i32
  }
  func.func @transform_4(%arg0: i32) -> (i32, i32) {
    %c0_i32 = arith.constant 0 : i32
    %c0_i32_0 = arith.constant 0 : i32
    %c0_i32_1 = arith.constant 0 : i32
    return %c0_i32, %c0_i32_0 : i32, i32
  }
  func.func @transform_5(%arg0: i32) -> (i32, i32) {
    %c0_i32 = arith.constant 0 : i32
    %c0_i32_0 = arith.constant 0 : i32
    %c0_i32_1 = arith.constant 0 : i32
    return %c0_i32, %c0_i32_0 : i32, i32
  }
  func.func @transform_6(%arg0: i32) -> (i32, i32) {
    %c0_i32 = arith.constant 0 : i32
    %c0_i32_0 = arith.constant 0 : i32
    %c0_i32_1 = arith.constant 0 : i32
    return %c0_i32, %c0_i32_0 : i32, i32
  }
  func.func @transform_7(%arg0: i32) -> (i32, i32) {
    %c0_i32 = arith.constant 0 : i32
    %c0_i32_0 = arith.constant 0 : i32
    %c0_i32_1 = arith.constant 0 : i32
    return %c0_i32, %c0_i32_0 : i32, i32
  }
}

module attributes {stable_mosaic.version = 14 : i64} {
  func.func @_ffn_kernel(%arg0: i32, %arg1: memref<8x128xi32, #tpu.memory_space<smem>>, %arg2: memref<8x128xi32, #tpu.memory_space<smem>>, %arg3: memref<512x384xf32, #tpu.memory_space<vmem>>, %arg4: memref<512x128xf32, #tpu.memory_space<vmem>>, %arg5: memref<4x384x1536xf32, #tpu.memory_space<vmem>>, %arg6: memref<4x1x1536xf32, #tpu.memory_space<vmem>>, %arg7: memref<4x1536x384xf32, #tpu.memory_space<vmem>>, %arg8: memref<4x1x384xf32, #tpu.memory_space<vmem>>, %arg9: memref<512x384xf32, #tpu.memory_space<vmem>>) attributes {dimension_semantics = [#tpu.dimension_semantics<arbitrary>], iteration_bounds = array<i64: 38>, scalar_prefetch = 2 : i64, scratch_operands = 0 : i64, tpu.core_type = #tpu.core_type<tc>, window_params = [{transform_indices = @transform_0, window_bounds = array<i64: 512, 384>}, {transform_indices = @transform_1, window_bounds = array<i64: 512, 128>}, {pipeline_mode = #tpu.pipeline_mode<synchronous>, transform_indices = @transform_2, window_bounds = array<i64: 4, 384, 1536>}, {pipeline_mode = #tpu.pipeline_mode<synchronous>, transform_indices = @transform_3, window_bounds = array<i64: 4, 1, 1536>}, {pipeline_mode = #tpu.pipeline_mode<synchronous>, transform_indices = @transform_4, window_bounds = array<i64: 4, 1536, 384>}, {pipeline_mode = #tpu.pipeline_mode<synchronous>, transform_indices = @transform_5, window_bounds = array<i64: 4, 1, 384>}, {transform_indices = @transform_6, window_bounds = array<i64: 512, 384>}]} {
    %get3A = arith.constant 0 : index
    %get3A_0 = arith.index_cast %arg0 : i32 to index
    %get3A_1 = memref.load %arg1[%get3A, %get3A_0] : memref<8x128xi32, #tpu.memory_space<smem>>
    %get3A_2 = arith.constant 0 : index
    %get3A_3 = arith.index_cast %arg0 : i32 to index
    %get3A_4 = memref.load %arg2[%get3A_2, %get3A_3] : memref<8x128xi32, #tpu.memory_space<smem>>
    %get3A_5 = arith.constant 0 : index
    %get3A_6 = arith.constant 0 : index
    %get3A_7 = vector.load %arg3[%get3A_5, %get3A_6] : memref<512x384xf32, #tpu.memory_space<vmem>>, vector<512x384xf32>
    %get3A_8 = arith.constant 0 : index
    %get3A_9 = arith.constant 0 : index
    %get3A_10 = vector.load %arg4[%get3A_8, %get3A_9] : memref<512x128xf32, #tpu.memory_space<vmem>>, vector<512x128xf32>
    %iota3A = tpu.iota {dimensions = array<i32: 1>} : vector<512x128xi32>
    %eq3A = vector.broadcast %get3A_1 : i32 to vector<512x128xi32>
    %eq3A_11 = arith.cmpi eq, %iota3A, %eq3A : vector<512x128xi32>
    %jit3A = arith.constant 0.000000e+00 : f32
    %broadcast_in_dim3A = vector.broadcast %jit3A : f32 to vector<512x128xf32>
    %select_n3A = arith.select %eq3A_11, %get3A_10, %broadcast_in_dim3A : vector<512x128xi1>, vector<512x128xf32>
    %reduce_sum3A = arith.constant dense<0.000000e+00> : vector<512xf32>
    %reduce_sum3A_12 = vector.multi_reduction <add>, %select_n3A, %reduce_sum3A [1] : vector<512x128xf32> to vector<512xf32>
    %broadcast_in_dim3A_13 = vector.shape_cast %reduce_sum3A_12 : vector<512xf32> to vector<512x1xf32>
    %eq3A_14 = vector.broadcast %get3A_4 : i32 to vector<512x128xi32>
    %eq3A_15 = arith.cmpi eq, %iota3A, %eq3A_14 : vector<512x128xi32>
    %jit3A_16 = arith.constant 0.000000e+00 : f32
    %broadcast_in_dim3A_17 = vector.broadcast %jit3A_16 : f32 to vector<512x128xf32>
    %select_n3A_18 = arith.select %eq3A_15, %get3A_10, %broadcast_in_dim3A_17 : vector<512x128xi1>, vector<512x128xf32>
    %reduce_sum3A_19 = arith.constant dense<0.000000e+00> : vector<512xf32>
    %reduce_sum3A_20 = vector.multi_reduction <add>, %select_n3A_18, %reduce_sum3A_19 [1] : vector<512x128xf32> to vector<512xf32>
    %broadcast_in_dim3A_21 = vector.shape_cast %reduce_sum3A_20 : vector<512xf32> to vector<512x1xf32>
    %broadcast_in_dim3A_22 = arith.constant 0.000000e+00 : f32
    %broadcast_in_dim3A_23 = vector.broadcast %broadcast_in_dim3A_22 : f32 to vector<512x384xf32>
    %get3A_24 = arith.index_cast %get3A_1 : i32 to index
    %get3A_25 = arith.constant 0 : index
    %get3A_26 = arith.constant 0 : index
    %get3A_27 = vector.load %arg5[%get3A_24, %get3A_25, %get3A_26] : memref<4x384x1536xf32, #tpu.memory_space<vmem>>, vector<1x384x1536xf32>
    %get3A_28 = vector.shape_cast %get3A_27 : vector<1x384x1536xf32> to vector<384x1536xf32>
    %dot_general3A = arith.constant dense<0.000000e+00> : vector<512x1536xf32>
    %dot_general3A_29 = tpu.matmul %get3A_7, %get3A_28, %dot_general3A {dimension_numbers = #tpu.dot_dimension_numbers<[1], [0], [0], [1], [0, 0, 1, 1], [], []>, transpose_lhs_hint = false} : vector<512x384xf32>, vector<384x1536xf32>, vector<512x1536xf32> -> vector<512x1536xf32>
    %get3A_30 = arith.index_cast %get3A_1 : i32 to index
    %get3A_31 = arith.constant 0 : index
    %get3A_32 = arith.constant 0 : index
    %get3A_33 = vector.load %arg6[%get3A_30, %get3A_31, %get3A_32] : memref<4x1x1536xf32, #tpu.memory_space<vmem>>, vector<1x1x1536xf32>
    %get3A_34 = vector.shape_cast %get3A_33 : vector<1x1x1536xf32> to vector<1x1536xf32>
    %add3A = vector.broadcast %get3A_34 : vector<1x1536xf32> to vector<512x1536xf32>
    %add3A_35 = arith.addf %dot_general3A_29, %add3A : vector<512x1536xf32>
    %mul3A = arith.constant 5.000000e-01 : f32
    %mul3A_36 = vector.broadcast %mul3A : f32 to vector<512x1536xf32>
    %mul3A_37 = arith.mulf %mul3A_36, %add3A_35 : vector<512x1536xf32>
    %mul3A_38 = arith.constant 0.707106769 : f32
    %mul3A_39 = vector.broadcast %mul3A_38 : f32 to vector<512x1536xf32>
    %mul3A_40 = arith.mulf %add3A_35, %mul3A_39 : vector<512x1536xf32>
    %erf3A = math.erf %mul3A_40 : vector<512x1536xf32>
    %add3A_41 = arith.constant 1.000000e+00 : f32
    %add3A_42 = vector.broadcast %add3A_41 : f32 to vector<512x1536xf32>
    %add3A_43 = arith.addf %add3A_42, %erf3A : vector<512x1536xf32>
    %mul3A_44 = arith.mulf %mul3A_37, %add3A_43 : vector<512x1536xf32>
    %get3A_45 = arith.index_cast %get3A_1 : i32 to index
    %get3A_46 = arith.constant 0 : index
    %get3A_47 = arith.constant 0 : index
    %get3A_48 = vector.load %arg7[%get3A_45, %get3A_46, %get3A_47] : memref<4x1536x384xf32, #tpu.memory_space<vmem>>, vector<1x1536x384xf32>
    %get3A_49 = vector.shape_cast %get3A_48 : vector<1x1536x384xf32> to vector<1536x384xf32>
    %dot_general3A_50 = arith.constant dense<0.000000e+00> : vector<512x384xf32>
    %dot_general3A_51 = tpu.matmul %mul3A_44, %get3A_49, %dot_general3A_50 {dimension_numbers = #tpu.dot_dimension_numbers<[1], [0], [0], [1], [0, 0, 1, 1], [], []>, transpose_lhs_hint = false} : vector<512x1536xf32>, vector<1536x384xf32>, vector<512x384xf32> -> vector<512x384xf32>
    %get3A_52 = arith.index_cast %get3A_1 : i32 to index
    %get3A_53 = arith.constant 0 : index
    %get3A_54 = arith.constant 0 : index
    %get3A_55 = vector.load %arg8[%get3A_52, %get3A_53, %get3A_54] : memref<4x1x384xf32, #tpu.memory_space<vmem>>, vector<1x1x384xf32>
    %get3A_56 = vector.shape_cast %get3A_55 : vector<1x1x384xf32> to vector<1x384xf32>
    %add3A_57 = vector.broadcast %get3A_56 : vector<1x384xf32> to vector<512x384xf32>
    %add3A_58 = arith.addf %dot_general3A_51, %add3A_57 : vector<512x384xf32>
    %mul3A_59 = vector.broadcast %broadcast_in_dim3A_13 : vector<512x1xf32> to vector<512x384xf32>
    %mul3A_60 = arith.mulf %mul3A_59, %add3A_58 : vector<512x384xf32>
    %add3A_61 = arith.addf %broadcast_in_dim3A_23, %mul3A_60 : vector<512x384xf32>
    %get3A_62 = arith.index_cast %get3A_4 : i32 to index
    %get3A_63 = arith.constant 0 : index
    %get3A_64 = arith.constant 0 : index
    %get3A_65 = vector.load %arg5[%get3A_62, %get3A_63, %get3A_64] : memref<4x384x1536xf32, #tpu.memory_space<vmem>>, vector<1x384x1536xf32>
    %get3A_66 = vector.shape_cast %get3A_65 : vector<1x384x1536xf32> to vector<384x1536xf32>
    %dot_general3A_67 = arith.constant dense<0.000000e+00> : vector<512x1536xf32>
    %dot_general3A_68 = tpu.matmul %get3A_7, %get3A_66, %dot_general3A_67 {dimension_numbers = #tpu.dot_dimension_numbers<[1], [0], [0], [1], [0, 0, 1, 1], [], []>, transpose_lhs_hint = false} : vector<512x384xf32>, vector<384x1536xf32>, vector<512x1536xf32> -> vector<512x1536xf32>
    %get3A_69 = arith.index_cast %get3A_4 : i32 to index
    %get3A_70 = arith.constant 0 : index
    %get3A_71 = arith.constant 0 : index
    %get3A_72 = vector.load %arg6[%get3A_69, %get3A_70, %get3A_71] : memref<4x1x1536xf32, #tpu.memory_space<vmem>>, vector<1x1x1536xf32>
    %get3A_73 = vector.shape_cast %get3A_72 : vector<1x1x1536xf32> to vector<1x1536xf32>
    %add3A_74 = vector.broadcast %get3A_73 : vector<1x1536xf32> to vector<512x1536xf32>
    %add3A_75 = arith.addf %dot_general3A_68, %add3A_74 : vector<512x1536xf32>
    %mul3A_76 = arith.constant 5.000000e-01 : f32
    %mul3A_77 = vector.broadcast %mul3A_76 : f32 to vector<512x1536xf32>
    %mul3A_78 = arith.mulf %mul3A_77, %add3A_75 : vector<512x1536xf32>
    %mul3A_79 = arith.constant 0.707106769 : f32
    %mul3A_80 = vector.broadcast %mul3A_79 : f32 to vector<512x1536xf32>
    %mul3A_81 = arith.mulf %add3A_75, %mul3A_80 : vector<512x1536xf32>
    %erf3A_82 = math.erf %mul3A_81 : vector<512x1536xf32>
    %add3A_83 = arith.constant 1.000000e+00 : f32
    %add3A_84 = vector.broadcast %add3A_83 : f32 to vector<512x1536xf32>
    %add3A_85 = arith.addf %add3A_84, %erf3A_82 : vector<512x1536xf32>
    %mul3A_86 = arith.mulf %mul3A_78, %add3A_85 : vector<512x1536xf32>
    %get3A_87 = arith.index_cast %get3A_4 : i32 to index
    %get3A_88 = arith.constant 0 : index
    %get3A_89 = arith.constant 0 : index
    %get3A_90 = vector.load %arg7[%get3A_87, %get3A_88, %get3A_89] : memref<4x1536x384xf32, #tpu.memory_space<vmem>>, vector<1x1536x384xf32>
    %get3A_91 = vector.shape_cast %get3A_90 : vector<1x1536x384xf32> to vector<1536x384xf32>
    %dot_general3A_92 = arith.constant dense<0.000000e+00> : vector<512x384xf32>
    %dot_general3A_93 = tpu.matmul %mul3A_86, %get3A_91, %dot_general3A_92 {dimension_numbers = #tpu.dot_dimension_numbers<[1], [0], [0], [1], [0, 0, 1, 1], [], []>, transpose_lhs_hint = false} : vector<512x1536xf32>, vector<1536x384xf32>, vector<512x384xf32> -> vector<512x384xf32>
    %get3A_94 = arith.index_cast %get3A_4 : i32 to index
    %get3A_95 = arith.constant 0 : index
    %get3A_96 = arith.constant 0 : index
    %get3A_97 = vector.load %arg8[%get3A_94, %get3A_95, %get3A_96] : memref<4x1x384xf32, #tpu.memory_space<vmem>>, vector<1x1x384xf32>
    %get3A_98 = vector.shape_cast %get3A_97 : vector<1x1x384xf32> to vector<1x384xf32>
    %add3A_99 = vector.broadcast %get3A_98 : vector<1x384xf32> to vector<512x384xf32>
    %add3A_100 = arith.addf %dot_general3A_93, %add3A_99 : vector<512x384xf32>
    %mul3A_101 = vector.broadcast %broadcast_in_dim3A_21 : vector<512x1xf32> to vector<512x384xf32>
    %mul3A_102 = arith.mulf %mul3A_101, %add3A_100 : vector<512x384xf32>
    %add3A_103 = arith.addf %add3A_61, %mul3A_102 : vector<512x384xf32>
    %swap3A = arith.constant 0 : index
    %swap3A_104 = arith.constant 0 : index
    %swap3A_105 = vector.load %arg9[%swap3A, %swap3A_104] : memref<512x384xf32, #tpu.memory_space<vmem>>, vector<512x384xf32>
    tpu.vector_store %arg9[%swap3A, %swap3A_104], %add3A_103 {strides = array<i32>} : memref<512x384xf32, #tpu.memory_space<vmem>>, vector<512x384xf32>,
    return
  }
  func.func @transform_0(%arg0: i32, %arg1: memref<8x128xi32, #tpu.memory_space<smem>>, %arg2: memref<8x128xi32, #tpu.memory_space<smem>>) -> (i32, i32) {
    %c0_i32 = arith.constant 0 : i32
    %c0_i32_0 = arith.constant 0 : i32
    return %arg0, %c0_i32 : i32, i32
  }
  func.func @transform_1(%arg0: i32, %arg1: memref<8x128xi32, #tpu.memory_space<smem>>, %arg2: memref<8x128xi32, #tpu.memory_space<smem>>) -> (i32, i32) {
    %c0_i32 = arith.constant 0 : i32
    %c0_i32_0 = arith.constant 0 : i32
    return %arg0, %c0_i32 : i32, i32
  }
  func.func @transform_2(%arg0: i32, %arg1: memref<8x128xi32, #tpu.memory_space<smem>>, %arg2: memref<8x128xi32, #tpu.memory_space<smem>>) -> (i32, i32, i32) {
    %c0_i32 = arith.constant 0 : i32
    %c0_i32_0 = arith.constant 0 : i32
    %c0_i32_1 = arith.constant 0 : i32
    %c0_i32_2 = arith.constant 0 : i32
    return %c0_i32, %c0_i32_0, %c0_i32_1 : i32, i32, i32
  }
  func.func @transform_3(%arg0: i32, %arg1: memref<8x128xi32, #tpu.memory_space<smem>>, %arg2: memref<8x128xi32, #tpu.memory_space<smem>>) -> (i32, i32, i32) {
    %c0_i32 = arith.constant 0 : i32
    %c0_i32_0 = arith.constant 0 : i32
    %c0_i32_1 = arith.constant 0 : i32
    %c0_i32_2 = arith.constant 0 : i32
    return %c0_i32, %c0_i32_0, %c0_i32_1 : i32, i32, i32
  }
  func.func @transform_4(%arg0: i32, %arg1: memref<8x128xi32, #tpu.memory_space<smem>>, %arg2: memref<8x128xi32, #tpu.memory_space<smem>>) -> (i32, i32, i32) {
    %c0_i32 = arith.constant 0 : i32
    %c0_i32_0 = arith.constant 0 : i32
    %c0_i32_1 = arith.constant 0 : i32
    %c0_i32_2 = arith.constant 0 : i32
    return %c0_i32, %c0_i32_0, %c0_i32_1 : i32, i32, i32
  }
  func.func @transform_5(%arg0: i32, %arg1: memref<8x128xi32, #tpu.memory_space<smem>>, %arg2: memref<8x128xi32, #tpu.memory_space<smem>>) -> (i32, i32, i32) {
    %c0_i32 = arith.constant 0 : i32
    %c0_i32_0 = arith.constant 0 : i32
    %c0_i32_1 = arith.constant 0 : i32
    %c0_i32_2 = arith.constant 0 : i32
    return %c0_i32, %c0_i32_0, %c0_i32_1 : i32, i32, i32
  }
  func.func @transform_6(%arg0: i32, %arg1: memref<8x128xi32, #tpu.memory_space<smem>>, %arg2: memref<8x128xi32, #tpu.memory_space<smem>>) -> (i32, i32) {
    %c0_i32 = arith.constant 0 : i32
    %c0_i32_0 = arith.constant 0 : i32
    return %arg0, %c0_i32 : i32, i32
  }
}

</mosaic_0001>

<sc_bundles>
// kernel: kernel.10.cloned.1.call-start
scs
__scs_entry_jumppad:
0x0: {  	(pc) =	sbr.rel $0x88, $3  }
0x1: {  	(tag) =	ssettag $0x0;
	lr =	simm.s32 $0x1  }
0x2: {  	[smem:$0x3F9A] =	sst lr;
	_ =	strace $0xD0000000  }
0x3: {  	_ = 	snop  }
0x4: {  	_ = 	snop  }
0x5: {  	_ = 	snop  }
0x6: {  	_ = 	snop  }
0x7: {  	_ = 	snop  }
__scs_overlays_trampoline_lowered:
0x8: {  	[smem:$0x3FA9] =	sst s0  }
0x9: {  	[smem:$0x3FAA] =	sst s1  }
0xa: {  	[smem:$0x3FAB] =	sst s2  }
0xb: {  	[smem:$0x3FAC] =	sst s3  }
0xc: {  	[smem:$0x3FAD] =	sst s4  }
0xd: {  	[smem:$0x3FAE] =	sst s5  }
0xe: {  	[smem:$0x3FAF] =	sst s6  }
0xf: {  	[smem:$0x3FB0] =	sst s7  }
0x10: {  	[smem:$0x3FB1] =	sst s8  }
0x11: {  	[smem:$0x3FB2] =	sst s9;
	s0 =	simm.s32 @!p0 $0x0  }
0x12: {  	s1 =	sld [smem:$0x3F98];
	s0 =	simm.s32 @p0 $0x1  }
0x13: {  	[smem:$0x3FB3] =	sst s0;
	s0 =	simm.s32 @!p1 $0x0  }
0x14: {  	s2 =	sld [smem:$0x3F97];
	s0 =	simm.s32 @p1 $0x1  }
0x15: {  	[smem:$0x3FB4] =	sst s0;
	s0 =	simm.s32 @!p2 $0x0  }
0x16: {  	s3 =	sld [smem:$0x3FDB];
	s0 =	simm.s32 @p2 $0x1  }
0x17: {  	s4 =	simm.s32 $0x1BF5;
	[smem:$0x3FB6] =	sst s0  }
0x18: {  	s0 =	sld [smem:$0x3F99];
	_ =	swait.ge [sflag:s4], $0x0  }
0x19: {  	s7 =	sld [smem:$0x3F9A]  }
0x1a: {  	s8 =	sadd.s32 $0xFFFFE003, lr  }
0x1b: {  	s9 =	sadd.s32 $0xFFFFFEF7, lr;
	s5 =	simm.s32 $0xFFFFFFFF;
	p2 =	slt.u32 s8, $0xFFFFF086  }
0x1c: {  	p1 =	slt.u32 s9, $0xF7A;
	s5 =	simm.s32 @!p2 $0x0  }
0x1d: {  	s5 =	simm.s32 @p1 $0x1;
	p0 =	seq.s32 s7, s2  }
0x1e: {  	s7 =	smul.u32 @!p0 $0xF7A, s2;
	p2 =	seq.s32 @!p0 s5, $0x0  }
0x1f: {  	s9 =	smul.u32 $0xF7A, s1;
	s8 =	simm.s32 @!p0 $0x1BF5;
	p2 =	por !p2, p0  }
0x20: {  	[sflag:s8] =	ssyncset.s32 @!p0 $0xFFFFF086;
	s6 =	sadd.s32 @!p0 s3, s7;
	s7 =	simm.s32 @!p0 $0x108  }
0x21: {  	s3 =	sadd.s32 s3, s9;
	s6 =	sadd.s32 @!p0 $0x88, s6;
	s7 =	simm.s32 @p2 $0x1082  }
0x22: {  	[simem:s7], [sflag:s8] =	dma.local @!p0 [hbm:s6], $0xF7A  }
0x23: {  	s9 =	sor.u32 $0xD0000000, s2;
	s6 =	simm.s32 $0x108;
	_ =	swait.ge @!p0 [sflag:s8], $0x0  }
0x24: {  	s3 =	sadd.s32 $0x88, s3;
	s6 =	simm.s32 @!p1 $0x1082;
	[sflag:s4] =	ssyncset.s32 $0xFFFFF086  }
0x25: {  	[simem:s6], [sflag:s4] =	dma.local [hbm:s3], $0xF7A  }
0x26: {  	[smem:$0x3F9A] =	sst s1;
	(tag) =	ssettag s2;
	_ =	strace s9  }
0x27: {  	s1 =	sld [smem:$0x3FAA]  }
0x28: {  	s2 =	sld [smem:$0x3FAB]  }
0x29: {  	s4 =	sld [smem:$0x3FAD]  }
0x2a: {  	p0 =	seq.s32 s5, $0x0;
	s5 =	sld [smem:$0x3FAE]  }
0x2b: {  	s6 =	sld [smem:$0x3FAF]  }
0x2c: {  	s7 =	sld [smem:$0x3FB0]  }
0x2d: {  	s3 =	simm.s32 $0x108;
	s8 =	sld [smem:$0x3FB1]  }
0x2e: {  	s3 =	simm.s32 @!p0 $0x1082;
	s9 =	sld [smem:$0x3FB2]  }
0x2f: {  	lr =	sadd.s32 s0, s3;
	s0 =	sld [smem:$0x3FA9]  }
0x30: {  	s3 =	sld [smem:$0x3FAC]  }
0x31: {  	[smem:$0x3FB5] =	sst s10  }
0x32: {  	s10 =	sld [smem:$0x3FB3];
	_ =	sdelay $0x3  }
0x33: {  	p0 =	seq.s32 s10, $0x1;
	s10 =	sld [smem:$0x3FB5];
	_ =	sdelay $0x3  }
0x34: {  	[smem:$0x3FB5] =	sst s10  }
0x35: {  	s10 =	sld [smem:$0x3FB4];
	_ =	sdelay $0x3  }
0x36: {  	p1 =	seq.s32 s10, $0x1;
	s10 =	sld [smem:$0x3FB5];
	_ =	sdelay $0x3  }
0x37: {  	[smem:$0x3FB5] =	sst s10  }
0x38: {  	s10 =	sld [smem:$0x3FB6]  }
0x39: {  	_ = 	snop;
	(pc) =	sbr.ind lr, $3  }
0x3a: {  	_ = 	snop  }
0x3b: {  	_ = 	snop  }
0x3c: {  	p2 =	seq.s32 s10, $0x1;
	s10 =	sld [smem:$0x3FB5]  }
0x3d: {  	_ =	shalt  }
0x3e: {  	_ =	shalt  }
0x3f: {  	_ =	shalt  }
0x40: {  	_ =	shalt  }
0x41: {  	_ =	shalt  }
0x42: {  	_ =	shalt  }
0x43: {  	_ =	shalt  }
0x44: {  	_ =	shalt  }
0x45: {  	_ =	shalt  }
0x46: {  	_ =	shalt  }
0x47: {  	_ =	shalt  }
0x48: {  	_ =	shalt  }
0x49: {  	_ =	shalt  }
0x4a: {  	_ =	shalt  }
0x4b: {  	_ =	shalt  }
0x4c: {  	_ =	shalt  }
0x4d: {  	_ =	shalt  }
0x4e: {  	_ =	shalt  }
0x4f: {  	_ =	shalt  }
0x50: {  	_ =	shalt  }
0x51: {  	_ =	shalt  }
0x52: {  	_ =	shalt  }
0x53: {  	_ =	shalt  }
0x54: {  	_ =	shalt  }
0x55: {  	_ =	shalt  }
0x56: {  	_ =	shalt  }
0x57: {  	_ =	shalt  }
0x58: {  	_ =	shalt  }
0x59: {  	_ =	shalt  }
0x5a: {  	_ =	shalt  }
0x5b: {  	_ =	shalt  }
0x5c: {  	_ =	shalt  }
0x5d: {  	_ =	shalt  }
0x5e: {  	_ =	shalt  }
0x5f: {  	_ =	shalt  }
0x60: {  	_ =	shalt  }
0x61: {  	_ =	shalt  }
0x62: {  	_ =	shalt  }
0x63: {  	_ =	shalt  }
0x64: {  	_ =	shalt  }
0x65: {  	_ =	shalt  }
0x66: {  	_ =	shalt  }
0x67: {  	_ =	shalt  }
0x68: {  	_ =	shalt  }
0x69: {  	_ =	shalt  }
0x6a: {  	_ =	shalt  }
0x6b: {  	_ =	shalt  }
0x6c: {  	_ =	shalt  }
0x6d: {  	_ =	shalt  }
0x6e: {  	_ =	shalt  }
0x6f: {  	_ =	shalt  }
0x70: {  	_ =	shalt  }
0x71: {  	_ =	shalt  }
0x72: {  	_ =	shalt  }
0x73: {  	_ =	shalt  }
0x74: {  	_ =	shalt  }
0x75: {  	_ =	shalt  }
0x76: {  	_ =	shalt  }
0x77: {  	_ =	shalt  }
0x78: {  	_ =	shalt  }
0x79: {  	_ =	shalt  }
0x7a: {  	_ =	shalt  }
0x7b: {  	_ =	shalt  }
0x7c: {  	_ =	shalt  }
0x7d: {  	_ =	shalt  }
0x7e: {  	_ =	shalt  }
0x7f: {  	_ =	shalt  }
0x80: {  	_ =	shalt  }
0x81: {  	_ =	shalt  }
0x82: {  	_ =	shalt  }
0x83: {  	_ =	shalt  }
0x84: {  	_ =	shalt  }
0x85: {  	_ =	shalt  }
0x86: {  	_ =	shalt  }
0x87: {  	_ =	shalt  }
.Lfunc_end0:
.L_simem_size_0:
called_computation.1_lowered:
.L_overlay_start_0:
0x88: {  	s2 =	sld [smem:$0x3FD9]  }
0x89: {  	s3 =	sld [smem:$0x3FFE];
	_ =	sdelay $0x1  }
0x8a: {  	s1 =	srdreg.scid  }
0x8b: {  	s0 =	sand.u32 $0x1, s1  }
0x8c: {  	s14 =	sshll.u32 s0, $0xA;
	s2 =	sadd.s32 s3, s2  }
0x8d: {  	s2 =	sadd.s32 s2, s14  }
0x8e: {  	[smem:$0x3FC1] =	sst s2  }
0x8f: {  	_ = 	snop  }
0x90: {  	s2 =	sld [smem:$0x3FD0];
	_ =	sdelay $0x2  }
0x91: {  	s15 =	simm.s32 $0xA;
	s4 =	simm.s32 $0x10  }
0x92: {  	[smem:s4], [sflag:s15] =	dma.local [hbm:s2], $0x1  }
0x93: {  	_ =	swait.eq [sflag:s15], $0x1  }
0x94: {  	[sflag:s15] =	ssyncset.done $0x0  }
0x95: {  	[sflag:s15] =	ssyncadd.s32 $0xFFFFFFFF  }
0x96: {  	s16 =	sld [smem:$0x10];
	(tm) =	ssettm $0x1  }
0x97: {  	s17 =	sld [smem:$0x3FFB];
	_ =	sdelay $0x3  }
0x98: {  	_ =	strace s17  }
0x99: {  	s3 =	sld [smem:$0x3FFC];
	_ =	sdelay $0x3  }
0x9a: {  	_ =	strace s3  }
0x9b: {  	s3 =	sld [smem:$0x3FFD];
	_ =	sdelay $0x3  }
0x9c: {  	_ =	strace s3  }
0x9d: {  	_ =	strace $0x8FFFFFFF  }
0x9e: {  	s18 =	sld [smem:$0x3FDB];
	_ =	sdelay $0x1  }
0x9f: {  	s19 =	simm.s32 $_scs_section_size  }
0xa0: {  	s5 =	simm.s32 $_size__tile_overlayer_lowered;
	s6 =	simm.s32 $_tile_overlayer_lowered  }
0xa1: {  	s22 =	simm.s32 $0x1BFF;
	s21 =	sshll.u32 s6, $0x1;
	s3 =	sadd.s32 s19, s18  }
0xa2: {  	s7 =	simm.s32 $0x0;
	s20 =	sshll.u32 s5, $0x1;
	s5 =	sadd.s32 s21, s3  }
0xa3: {  	[timem:s7], [sflag:s22] =	dma.local [hbm:s5], s20  }
0xa4: {  	_ =	swait.ge [sflag:s22], s20  }
0xa5: {  	s4 =	ssub.s32 $0x0, s20;
	[sflag:s22] =	ssyncset.done $0x0  }
0xa6: {  	[sflag:s22] =	ssyncadd.s32 s4;
	_ =	sdelay $0x1  }
0xa7: {  	s23 =	simm.s32 $0x1B8B  }
0xa8: {  	_ =	swait.ge [sflag:s23], $0x1  }
0xa9: {  	[sflag:s23] =	ssyncset.done $0x0  }
0xaa: {  	s25 =	simm.s32 $0x1B8E;
	s24 =	sld [smem:$0x3FFE];
	[sflag:s23] =	ssyncadd.s32 $0xFFFFFFFF  }
0xab: {  	s26 =	simm.s32 $execute0_lowered;
	[smem:$0x3FD2] =	sst s25  }
0xac: {  	s5 =	sshll.u32 s26, $0x1;
	_ =	strace $0x80000055;
	[dreg:$0x1] =	wrdreg $0xFFFFFFFF  }
0xad: {  	s28 =	simm.s32 $_size_execute0_lowered;
	s3 =	sadd.s32 s3, s5;
	[dreg:$0x0] =	wrdreg $0x0  }
0xae: {  	s5 =	sshll.u32 s28, $0x1;
	[dreg:$0x2] =	wrdreg s3  }
0xaf: {  	[dreg:$0x3] =	wrdreg s5  }
0xb0: {  	[dreg:$0x4] =	wrdreg $0xC0  }
0xb1: {  	_ =	task [dreg:s7], $0x5FFFF  }
0xb2: {  	[dreg:$0x1] =	wrdreg $0xFFFFFFFF  }
0xb3: {  	[dreg:$0x0] =	wrdreg $0x60  }
0xb4: {  	[dreg:$0x2] =	wrdreg s24  }
0xb5: {  	[dreg:$0x3] =	wrdreg s16  }
0xb6: {  	[dreg:$0x4] =	wrdreg $0x9  }
0xb7: {  	_ =	task.clear_ibuf [dreg:s7], $0x5FFFF;
	_ =	strace $0x90000055  }
0xb8: {  	s29 =	simm.s32 $0x9;
	_ =	strace $0x8000005E  }
0xb9: {  	_ =	swait.ge [sflag:s29], $0x1  }
0xba: {  	[sflag:s29] =	ssyncadd.s32 $0xFFFFFFFF  }
0xbb: {  	_ =	strace $0x9000005E  }
0xbc: {  	_ =	sfence  }
0xbd: {  	s30 =	sld [smem:$0x0];
	_ =	sdelay $0x2  }
0xbe: {  	s31 =	sshll.u32 s1, $0xD;
	s1 =	sshrl.u32 s1, $0x2  }
0xbf: {  	s3 =	sand.u32 $0x4000, s31;
	s1 =	sadd.s32 s1, s30  }
0xc0: {  	s0 =	sor.u32 s3, s0;
	s1 =	sshll.u32 s1, $0x11  }
0xc1: {  	s0 =	sor.u32 s1, s0  }
0xc2: {  	s0 =	sadd.s32 $0x8F2B, s0  }
0xc3: {  	[sflag:s0] =	ssyncadd.remote.s32 $0x1  }
0xc4: {  	_ =	sfence.sel $0xFFFF  }
0xc5: {  	[dreg:$0x0] =	wrdreg $0xFFFFFFFF;
	(pc) =	sbr.abs _section_cstart, $3  }
0xc6: {  	[dreg:$0x1] =	wrdreg $0xFFFFFFFF  }
0xc7: {  	_ =	task.clear_ibuf [dreg:s7], $0x2FFFF;
	_ =	strace $0x9FFFFFFF  }
0xc8: {  	(tm) =	ssettm $0x7FFFFFFF  }
0xc9: {  	_ =	shalt  }
tec
execute0_lowered:
.L_overlay_start_1:
0x0: {  	(tag) =	ssettag $0x1  }
0x1: {  	s7 =	rddreg [dreg:$0x0]  }
0x2: {  	s0 =	rddreg [dreg:$0x1]  }
0x3: {  	s1 =	simm.s32 $0x0;
	[dreg:$0x3] =	wrdreg s0  }
0x4: {  	s2 =	srdreg.scid;
	s9 =	simm.s32 $0x5;
	s0 =	rddreg [dreg:$0x2]  }
0x5: {  	s10 =	simm.s32 $0x4;
	s11 =	simm.s32 $0x0;
	[smem:$0x7FF] =	sst s1  }
0x6: {  	s3 =	sadd.s32 $0x127400, s7;
	s4 =	sand.u32 $0x1, s2;
	s2 =	stileid.u32  }
0x7: {  	_ =	strace $0x80000056;
	s5 =	ssub.s32 $0x2, s4;
	s6 =	sshll.u32 s4, $0x4  }
0x8: {  	v2 =	vlaneseq.u32;
	s4 =	sadd.s32 $0x42C00, s7;
	s8 =	sshrl.u32 s5, $0x1;
	s6 =	sor.u32 s2, s6  }
0x9: {  	vm0 =	vmmov $0xffff;
	vm1 =	vmmov $0xff;
	v1 =	vshrl.u32 v2, $0x3;
	s8 =	ssub.s32 s5, s8;
	s5 =	sshll.u32 s6, $0x2;
	s6 =	sshll.u32 s6, $0x6  }
0xa: {  	v0 =	vand.u32 $0x7, v2;
	v2 =	vor.u32 $0x8, v2;
	s7 =	sadd.s32 $0x127500, s7;
	v1 =	vmul.u32 $0x8, v1;
	s6 =	sadd.s32 s4, s6;
	s8 =	smax.u32 s8, $0x1  }
.LBB2_1:
0xb: {  	_ =	strace $0x80000057;
	s12 =	simm.s32 $0x4  }
0xc: {  	s13 =	simm.s32 $0x0;
	s14 =	simm.s32 $0x0;
	s15 =	simm.s32 $0x0  }
0xd: {  	[tilespmem:s1], [sflag:$0x1] =	stream.linear.gather [hbm4b:s6+s1], $0x80, $0x200038;
	[tilespmem:$0x18100] =	vst v63  }
0xe: {  	s16 =	simm.s32 $0x0;
	s17 =	simm.s32 $0x1;
	_ =	strace $0x90000057  }
.LBB2_2:
0xf: {  	s18 =	smov.u32 s13;
	s13 =	sadd.s32 $0x1, s13  }
0x10: {  	p0 =	seq.s32 s13, $0x4  }
0x11: {  	s13 =	simm.s32 @p0 $0x0  }
0x12: {  	p6 =	sne.s32 s12, $0x1;
	p1 =	sne.s32 s18, s13  }
0x13: {  	p0 =	por !p6, !p1  }
0x14: {  	p0 =	por !p0, !p0  }
0x15: {  	s19 =	sadd.s32 @p0 s5, s13  }
0x16: {  	s20 =	sand.u32 @p0 $0x1, s17;
	s19 =	sshll.u32 @p0 s19, $0x4  }
0x17: {  	_ =	strace @p0 $0x80000058;
	s22 =	simm.s32 @p0 $0x0;
	s19 =	sand.u32 @p0 $0x1FFFFFF0, s19  }
0x18: {  	s21 =	sshll.u32 @p0 s20, $0x7;
	s20 =	sadd.s32 @p0 $0x1, s20;
	s19 =	sadd.s32 @p0 s4, s19  }
0x19: {  	[tilespmem:s21], [sflag:s20] =	stream.linear.gather @p0 [hbm4b:s19+s22], $0x80, $0x200038;
	[tilespmem:$0x18100] =	vst v63  }
0x1a: {  	s28 =	sand.u32 $0x1, s16;
	_ =	strace @p0 $0x90000058  }
0x1b: {  	s19 =	sadd.s32 $0x1, s28;
	_ =	strace $0x80000059  }
0x1c: {  	_ =	swait.ge [sflag:s19], $0x80  }
0x1d: {  	[sflag:s19] =	ssyncset.done $0x0  }
0x1e: {  	[sflag:s19] =	ssyncadd.s32 $0xFFFFFF80  }
0x1f: {  	s29 =	sshll.u32 s16, $0x7;
	_ =	strace $0x90000059  }
0x20: {  	s22 =	sand.u32 $0x80, s29;
	_ =	strace $0x8000005A  }
0x21: {  	v3 =	vld [tilespmem:s22+$0x0];
	_ =	sdelay $0x4  }
0x22: {  	v4 =	vshrl.u32 v3, $0x3  }
0x23: {  	v4 =	vmul.u32 $0x18, v4  }
0x24: {  	v3 =	vand.u32 $0x7, v3  }
0x25: {  	v3 =	vor.u32 v3, v4  }
0x26: {  	v4 =	vperm.xlane v3, v0;
	_ =	sdelay $0x1  }
0x27: {  	s19 =	sand.u32 $0x1, s15;
	v4 =	vadd.s32 v1, v4  }
0x28: {  	s30 =	smul.u32 $0x30000, s19  }
0x29: {  	v3 =	vperm.xlane v3, v2  }
0x2a: {  	s21 =	sshrl.u32 s30, $0x2  }
0x2b: {  	s20 =	sor.u32 $0x100, s21;
	v3 =	vadd.s32 v1, v3  }
0x2c: {  	[tilespmem:s20], [sflag:$0x5] =	stream.indirect_vreg.gather [hbm4b:s3+s1], $0x80, v4, vm0, $0x2000b8;
	[tilespmem:$0x18100] =	vst v63  }
0x2d: {  	s23 =	sor.u32 $0x900, s21  }
0x2e: {  	[tilespmem:s23], [sflag:$0x5] =	stream.indirect_vreg.gather [hbm4b:s7+s1], $0x80, v4, vm1, $0x2000b8;
	[tilespmem:$0x18100] =	vst v63  }
0x2f: {  	s31 =	sor.u32 $0xD00, s21  }
0x30: {  	[tilespmem:s31], [sflag:$0x5] =	stream.indirect_vreg.gather [hbm4b:s3+s1], $0x80, v3, vm0, $0x2000b8;
	[tilespmem:$0x18100] =	vst v63  }
0x31: {  	s24 =	sor.u32 $0x1500, s21  }
0x32: {  	[tilespmem:s24], [sflag:$0x5] =	stream.indirect_vreg.gather [hbm4b:s7+s1], $0x80, v3, vm1, $0x2000b8;
	[tilespmem:$0x18100] =	vst v63  }
0x33: {  	v3 =	vld [tilespmem:s22+$0x10];
	_ =	sdelay $0x4  }
0x34: {  	v57 =	vshrl.u32 v3, $0x3  }
0x35: {  	v4 =	vmul.u32 $0x18, v57  }
0x36: {  	v3 =	vand.u32 $0x7, v3  }
0x37: {  	v3 =	vor.u32 v3, v4  }
0x38: {  	v4 =	vperm.xlane v3, v0;
	_ =	sdelay $0x1  }
0x39: {  	v4 =	vadd.s32 v1, v4;
	_ =	sdelay $0x1  }
0x3a: {  	v3 =	vperm.xlane v3, v2;
	_ =	sdelay $0x1  }
0x3b: {  	s25 =	sor.u32 $0x1900, s21;
	v3 =	vadd.s32 v1, v3  }
0x3c: {  	[tilespmem:s25], [sflag:$0x5] =	stream.indirect_vreg.gather [hbm4b:s3+s1], $0x80, v4, vm0, $0x2000b8;
	[tilespmem:$0x18100] =	vst v63  }
0x3d: {  	s26 =	sor.u32 $0x2100, s21  }
0x3e: {  	[tilespmem:s26], [sflag:$0x5] =	stream.indirect_vreg.gather [hbm4b:s7+s1], $0x80, v4, vm1, $0x2000b8;
	[tilespmem:$0x18100] =	vst v63  }
0x3f: {  	s28 =	sor.u32 $0x2500, s21  }
0x40: {  	[tilespmem:s28], [sflag:$0x5] =	stream.indirect_vreg.gather [hbm4b:s3+s1], $0x80, v3, vm0, $0x2000b8;
	[tilespmem:$0x18100] =	vst v63  }
0x41: {  	s29 =	sor.u32 $0x2D00, s21  }
0x42: {  	[tilespmem:s29], [sflag:$0x5] =	stream.indirect_vreg.gather [hbm4b:s7+s1], $0x80, v3, vm1, $0x2000b8;
	[tilespmem:$0x18100] =	vst v63  }
0x43: {  	v3 =	vld [tilespmem:s22+$0x20];
	_ =	sdelay $0x4  }
0x44: {  	v58 =	vshrl.u32 v3, $0x3  }
0x45: {  	v4 =	vmul.u32 $0x18, v58  }
0x46: {  	v3 =	vand.u32 $0x7, v3  }
0x47: {  	v3 =	vor.u32 v3, v4  }
0x48: {  	v4 =	vperm.xlane v3, v0;
	_ =	sdelay $0x1  }
0x49: {  	v4 =	vadd.s32 v1, v4;
	_ =	sdelay $0x1  }
0x4a: {  	v3 =	vperm.xlane v3, v2;
	_ =	sdelay $0x1  }
0x4b: {  	s30 =	sor.u32 $0x3100, s21;
	v3 =	vadd.s32 v1, v3  }
0x4c: {  	[tilespmem:s30], [sflag:$0x5] =	stream.indirect_vreg.gather [hbm4b:s3+s1], $0x80, v4, vm0, $0x2000b8;
	[tilespmem:$0x18100] =	vst v63  }
0x4d: {  	s31 =	sor.u32 $0x3900, s21  }
0x4e: {  	[tilespmem:s31], [sflag:$0x5] =	stream.indirect_vreg.gather [hbm4b:s7+s1], $0x80, v4, vm1, $0x2000b8;
	[tilespmem:$0x18100] =	vst v63  }
0x4f: {  	s24 =	sor.u32 $0x3D00, s21  }
0x50: {  	[tilespmem:s24], [sflag:$0x5] =	stream.indirect_vreg.gather [hbm4b:s3+s1], $0x80, v3, vm0, $0x2000b8;
	[tilespmem:$0x18100] =	vst v63  }
0x51: {  	s25 =	sadd.s32 $0x4500, s21  }
0x52: {  	[tilespmem:s25], [sflag:$0x5] =	stream.indirect_vreg.gather [hbm4b:s7+s1], $0x80, v3, vm1, $0x2000b8;
	[tilespmem:$0x18100] =	vst v63  }
0x53: {  	v3 =	vld [tilespmem:s22+$0x30];
	_ =	sdelay $0x4  }
0x54: {  	v59 =	vshrl.u32 v3, $0x3  }
0x55: {  	v4 =	vmul.u32 $0x18, v59  }
0x56: {  	v3 =	vand.u32 $0x7, v3  }
0x57: {  	v3 =	vor.u32 v3, v4  }
0x58: {  	v4 =	vperm.xlane v3, v0;
	_ =	sdelay $0x1  }
0x59: {  	v4 =	vadd.s32 v1, v4;
	_ =	sdelay $0x1  }
0x5a: {  	v3 =	vperm.xlane v3, v2;
	_ =	sdelay $0x1  }
0x5b: {  	s26 =	sadd.s32 $0x4900, s21;
	v3 =	vadd.s32 v1, v3  }
0x5c: {  	[tilespmem:s26], [sflag:$0x5] =	stream.indirect_vreg.gather [hbm4b:s3+s1], $0x80, v4, vm0, $0x2000b8;
	[tilespmem:$0x18100] =	vst v63  }
0x5d: {  	s28 =	sadd.s32 $0x5100, s21  }
0x5e: {  	[tilespmem:s28], [sflag:$0x5] =	stream.indirect_vreg.gather [hbm4b:s7+s1], $0x80, v4, vm1, $0x2000b8;
	[tilespmem:$0x18100] =	vst v63  }
0x5f: {  	s29 =	sadd.s32 $0x5500, s21  }
0x60: {  	[tilespmem:s29], [sflag:$0x5] =	stream.indirect_vreg.gather [hbm4b:s3+s1], $0x80, v3, vm0, $0x2000b8;
	[tilespmem:$0x18100] =	vst v63  }
0x61: {  	s30 =	sadd.s32 $0x5D00, s21  }
0x62: {  	[tilespmem:s30], [sflag:$0x5] =	stream.indirect_vreg.gather [hbm4b:s7+s1], $0x80, v3, vm1, $0x2000b8;
	[tilespmem:$0x18100] =	vst v63  }
0x63: {  	v3 =	vld [tilespmem:s22+$0x40];
	_ =	sdelay $0x4  }
0x64: {  	v60 =	vshrl.u32 v3, $0x3  }
0x65: {  	v4 =	vmul.u32 $0x18, v60  }
0x66: {  	v3 =	vand.u32 $0x7, v3  }
0x67: {  	v3 =	vor.u32 v3, v4  }
0x68: {  	v4 =	vperm.xlane v3, v0;
	_ =	sdelay $0x1  }
0x69: {  	v4 =	vadd.s32 v1, v4;
	_ =	sdelay $0x1  }
0x6a: {  	v3 =	vperm.xlane v3, v2;
	_ =	sdelay $0x1  }
0x6b: {  	s31 =	sadd.s32 $0x6100, s21;
	v3 =	vadd.s32 v1, v3  }
0x6c: {  	[tilespmem:s31], [sflag:$0x5] =	stream.indirect_vreg.gather [hbm4b:s3+s1], $0x80, v4, vm0, $0x2000b8;
	[tilespmem:$0x18100] =	vst v63  }
0x6d: {  	s24 =	sadd.s32 $0x6900, s21  }
0x6e: {  	[tilespmem:s24], [sflag:$0x5] =	stream.indirect_vreg.gather [hbm4b:s7+s1], $0x80, v4, vm1, $0x2000b8;
	[tilespmem:$0x18100] =	vst v63  }
0x6f: {  	s25 =	sadd.s32 $0x6D00, s21  }
0x70: {  	[tilespmem:s25], [sflag:$0x5] =	stream.indirect_vreg.gather [hbm4b:s3+s1], $0x80, v3, vm0, $0x2000b8;
	[tilespmem:$0x18100] =	vst v63  }
0x71: {  	s26 =	sadd.s32 $0x7500, s21  }
0x72: {  	[tilespmem:s26], [sflag:$0x5] =	stream.indirect_vreg.gather [hbm4b:s7+s1], $0x80, v3, vm1, $0x2000b8;
	[tilespmem:$0x18100] =	vst v63  }
0x73: {  	v3 =	vld [tilespmem:s22+$0x50];
	_ =	sdelay $0x4  }
0x74: {  	v61 =	vshrl.u32 v3, $0x3  }
0x75: {  	v4 =	vmul.u32 $0x18, v61  }
0x76: {  	v3 =	vand.u32 $0x7, v3  }
0x77: {  	v3 =	vor.u32 v3, v4  }
0x78: {  	v4 =	vperm.xlane v3, v0;
	_ =	sdelay $0x1  }
0x79: {  	v4 =	vadd.s32 v1, v4;
	_ =	sdelay $0x1  }
0x7a: {  	v3 =	vperm.xlane v3, v2;
	_ =	sdelay $0x1  }
0x7b: {  	s28 =	sadd.s32 $0x7900, s21;
	v3 =	vadd.s32 v1, v3  }
0x7c: {  	[tilespmem:s28], [sflag:$0x5] =	stream.indirect_vreg.gather [hbm4b:s3+s1], $0x80, v4, vm0, $0x2000b8;
	[tilespmem:$0x18100] =	vst v63  }
0x7d: {  	s29 =	sadd.s32 $0x8100, s21  }
0x7e: {  	[tilespmem:s29], [sflag:$0x5] =	stream.indirect_vreg.gather [hbm4b:s7+s1], $0x80, v4, vm1, $0x2000b8;
	[tilespmem:$0x18100] =	vst v63  }
0x7f: {  	s30 =	sadd.s32 $0x8500, s21  }
0x80: {  	[tilespmem:s30], [sflag:$0x5] =	stream.indirect_vreg.gather [hbm4b:s3+s1], $0x80, v3, vm0, $0x2000b8;
	[tilespmem:$0x18100] =	vst v63  }
0x81: {  	s31 =	sadd.s32 $0x8D00, s21  }
0x82: {  	[tilespmem:s31], [sflag:$0x5] =	stream.indirect_vreg.gather [hbm4b:s7+s1], $0x80, v3, vm1, $0x2000b8;
	[tilespmem:$0x18100] =	vst v63  }
0x83: {  	v3 =	vld [tilespmem:s22+$0x60];
	_ =	sdelay $0x4  }
0x84: {  	v62 =	vshrl.u32 v3, $0x3  }
0x85: {  	v4 =	vmul.u32 $0x18, v62  }
0x86: {  	v3 =	vand.u32 $0x7, v3  }
0x87: {  	v3 =	vor.u32 v3, v4  }
0x88: {  	v4 =	vperm.xlane v3, v0;
	_ =	sdelay $0x1  }
0x89: {  	v4 =	vadd.s32 v1, v4;
	_ =	sdelay $0x1  }
0x8a: {  	v3 =	vperm.xlane v3, v2;
	_ =	sdelay $0x1  }
0x8b: {  	s24 =	sadd.s32 $0x9100, s21;
	v3 =	vadd.s32 v1, v3  }
0x8c: {  	[tilespmem:s24], [sflag:$0x5] =	stream.indirect_vreg.gather [hbm4b:s3+s1], $0x80, v4, vm0, $0x2000b8;
	[tilespmem:$0x18100] =	vst v63  }
0x8d: {  	s25 =	sadd.s32 $0x9900, s21  }
0x8e: {  	[tilespmem:s25], [sflag:$0x5] =	stream.indirect_vreg.gather [hbm4b:s7+s1], $0x80, v4, vm1, $0x2000b8;
	[tilespmem:$0x18100] =	vst v63  }
0x8f: {  	s26 =	sadd.s32 $0x9D00, s21  }
0x90: {  	[tilespmem:s26], [sflag:$0x5] =	stream.indirect_vreg.gather [hbm4b:s3+s1], $0x80, v3, vm0, $0x2000b8;
	[tilespmem:$0x18100] =	vst v63  }
0x91: {  	s28 =	sadd.s32 $0xA500, s21  }
0x92: {  	[tilespmem:s28], [sflag:$0x5] =	stream.indirect_vreg.gather [hbm4b:s7+s1], $0x80, v3, vm1, $0x2000b8;
	[tilespmem:$0x18100] =	vst v63  }
0x93: {  	v3 =	vld [tilespmem:s22+$0x70];
	_ =	sdelay $0x4  }
0x94: {  	v63 =	vshrl.u32 v3, $0x3  }
0x95: {  	v4 =	vmul.u32 $0x18, v63  }
0x96: {  	v3 =	vand.u32 $0x7, v3  }
0x97: {  	v3 =	vor.u32 v3, v4  }
0x98: {  	v4 =	vperm.xlane v3, v0;
	_ =	sdelay $0x1  }
0x99: {  	v4 =	vadd.s32 v1, v4;
	_ =	sdelay $0x1  }
0x9a: {  	v3 =	vperm.xlane v3, v2;
	_ =	sdelay $0x1  }
0x9b: {  	s29 =	sadd.s32 $0xA900, s21;
	v3 =	vadd.s32 v1, v3  }
0x9c: {  	[tilespmem:s29], [sflag:$0x5] =	stream.indirect_vreg.gather [hbm4b:s3+s1], $0x80, v4, vm0, $0x2000b8;
	[tilespmem:$0x18100] =	vst v63  }
0x9d: {  	s30 =	sadd.s32 $0xB100, s21  }
0x9e: {  	[tilespmem:s30], [sflag:$0x5] =	stream.indirect_vreg.gather [hbm4b:s7+s1], $0x80, v4, vm1, $0x2000b8;
	[tilespmem:$0x18100] =	vst v63  }
0x9f: {  	s31 =	sadd.s32 $0xB500, s21  }
0xa0: {  	[tilespmem:s31], [sflag:$0x5] =	stream.indirect_vreg.gather [hbm4b:s3+s1], $0x80, v3, vm0, $0x2000b8;
	[tilespmem:$0x18100] =	vst v63  }
0xa1: {  	s21 =	sadd.s32 $0xBD00, s21  }
0xa2: {  	[tilespmem:s21], [sflag:$0x5] =	stream.indirect_vreg.gather [hbm4b:s7+s1], $0x80, v3, vm1, $0x2000b8;
	[tilespmem:$0x18100] =	vst v63  }
0xa3: {  	_ =	swait.ge [sflag:s9], $0xC000  }
0xa4: {  	[sflag:s9] =	ssyncset.done $0x0  }
0xa5: {  	p2 =	seq.s32 s12, $0x1;
	[sflag:s9] =	ssyncadd.s32 $0xFFFF4000  }
0xa6: {  	s18 =	sadd.s32 s5, s18;
	p1 =	por p2, p1;
	_ =	strace $0x9000005A  }
0xa7: {  	s18 =	smul.u32 @p1 $0x1800, s18;
	s22 =	simm.s32 $0x1;
	_ =	strace @p1 $0x8000005B  }
0xa8: {  	s19 =	sadd.s32 @p1 $0x3, s19;
	s22 =	simm.s32 @!p0 $0x0;
	s21 =	rddreg [dreg:$0x3]  }
0xa9: {  	p0 =	seq.s32 s12, $0x4;
	s18 =	sadd.s32 @p1 s21, s18;
	s21 =	simm.s32 @p1 $0x0  }
0xaa: {  	[hbm4b:s18+s21] =	stream.linear.scatter @p1 [tilespmem:s20], [sflag:s19], $0xC000, $0x200038;
	[tilespmem:$0x18100] =	vst v63  }
0xab: {  	s18 =	simm.s32 $0x1;
	s20 =	simm.s32 $0x1;
	_ =	strace @p1 $0x9000005B  }
0xac: {  	s18 =	simm.s32 @!p1 $0x0;
	p1 =	sne.s32 s12, $0x4;
	s12 =	sadd.s32 $0xFFFFFFFF, s12  }
0xad: {  	s19 =	sand.u32 @!p0 $0x1, s14;
	s20 =	simm.s32 @!p1 $0x0;
	p1 =	sne.s32 s12, $0x0  }
.Ltmp0:
0xae: {  	s19 =	sadd.s32 @!p0 $0x3, s19;
	_ =	strace @!p0 $0x8000005C;
	(pc) =	sbr.rel @p1 .LBB2_2-.Ltmp0, $4  }
0xaf: {  	_ =	swait.ge @!p0 [sflag:s19], $0xC000  }
0xb0: {  	[sflag:s19] =	ssyncset.done @!p0 $0x0  }
0xb1: {  	s17 =	sadd.s32 s22, s17;
	s15 =	sadd.s32 s18, s15;
	[sflag:s19] =	ssyncadd.s32 @!p0 $0xFFFF4000  }
0xb2: {  	s16 =	sadd.s32 s18, s16;
	s14 =	sadd.s32 s20, s14;
	_ =	strace @!p0 $0x9000005C  }
0xb3: {  	s11 =	sadd.s32 $0x1, s11  }
0xb4: {  	p0 =	sne.s32 s11, s8  }
.Ltmp1:
0xb5: {  	_ =	strace $0x8000005D;
	(pc) =	sbr.rel @p0 .LBB2_1-.Ltmp1, $4  }
0xb6: {  	_ =	swait.ge [sflag:s10], $0xC000  }
0xb7: {  	[sflag:s10] =	ssyncset.done $0x0  }
0xb8: {  	[sflag:s10] =	ssyncadd.s32 $0xFFFF4000  }
0xb9: {  	_ =	strace $0x9000005D  }
0xba: {  	_ =	sfence.sel $0x180000  }
0xbb: {  	[bflag:$0x0] =	sbarrier.arrive $0xFFFF  }
0xbc: {  	p0 =	sne.s32 s2, $0x0;
	_ =	strace $0x90000056  }
0xbd: {  	s0 =	sadd.s32 @!p0 $0x100000, s0;
	[bflag:$0x2] =	sbarrier.arrive $0xFFFF  }
0xbe: {  	[sflag:s0] =	ssyncadd.tile.s32 @!p0 $0x1;
	_ =	shalt  }
.Lfunc_end2:
_tile_overlayer_lowered:
.L_overlay_start_2:
0xbf: {  	(tag) =	ssettag $0x2  }
0xc0: {  	s0 =	rddreg [dreg:$0x0];
	s2 =	stileid.u32  }
0xc1: {  	s1 =	rddreg [dreg:$0x1];
	p0 =	sne.s32 s2, $0x0  }
0xc2: {  	s3 =	rddreg [dreg:$0x2];
	[bflag:$0x3] =	sbarrier.arrive $0xFFFF;
	s2 =	simm.s32 @!p0 $0x1C01  }
0xc3: {  	[timem:s3], [sflag:s2] =	dma.local @!p0 [hbm:s0], s1  }
0xc4: {  	s0 =	simm.s32 @!p0 $0x1  }
0xc5: {  	_ =	swait.ge @!p0 [sflag:s0], s1  }
0xc6: {  	s1 =	ssub.s32 @!p0 $0x0, s1;
	[sflag:s0] =	ssyncset.done @!p0 $0x0  }
0xc7: {  	[sflag:s0] =	ssyncadd.s32 @!p0 s1  }
0xc8: {  	[bflag:$0x3] =	sbarrier.arrive $0xFFFF  }
0xc9: {  	_ =	shalt  }

// kernel: kernel.7.cloned.1.call-start
scs
__scs_entry_jumppad:
0x0: {  	(pc) =	sbr.rel $0x88, $3  }
0x1: {  	(tag) =	ssettag $0x0;
	lr =	simm.s32 $0x1  }
0x2: {  	[smem:$0x3F9A] =	sst lr;
	_ =	strace $0xD0000000  }
0x3: {  	_ = 	snop  }
0x4: {  	_ = 	snop  }
0x5: {  	_ = 	snop  }
0x6: {  	_ = 	snop  }
0x7: {  	_ = 	snop  }
__scs_overlays_trampoline_lowered:
0x8: {  	[smem:$0x3FA9] =	sst s0  }
0x9: {  	[smem:$0x3FAA] =	sst s1  }
0xa: {  	[smem:$0x3FAB] =	sst s2  }
0xb: {  	[smem:$0x3FAC] =	sst s3  }
0xc: {  	[smem:$0x3FAD] =	sst s4  }
0xd: {  	[smem:$0x3FAE] =	sst s5  }
0xe: {  	[smem:$0x3FAF] =	sst s6  }
0xf: {  	[smem:$0x3FB0] =	sst s7  }
0x10: {  	[smem:$0x3FB1] =	sst s8  }
0x11: {  	[smem:$0x3FB2] =	sst s9;
	s0 =	simm.s32 @!p0 $0x0  }
0x12: {  	s1 =	sld [smem:$0x3F98];
	s0 =	simm.s32 @p0 $0x1  }
0x13: {  	[smem:$0x3FB3] =	sst s0;
	s0 =	simm.s32 @!p1 $0x0  }
0x14: {  	s2 =	sld [smem:$0x3F97];
	s0 =	simm.s32 @p1 $0x1  }
0x15: {  	[smem:$0x3FB4] =	sst s0;
	s0 =	simm.s32 @!p2 $0x0  }
0x16: {  	s3 =	sld [smem:$0x3FDB];
	s0 =	simm.s32 @p2 $0x1  }
0x17: {  	s4 =	simm.s32 $0x1BF5;
	[smem:$0x3FB6] =	sst s0  }
0x18: {  	s0 =	sld [smem:$0x3F99];
	_ =	swait.ge [sflag:s4], $0x0  }
0x19: {  	s7 =	sld [smem:$0x3F9A]  }
0x1a: {  	s8 =	sadd.s32 $0xFFFFE003, lr  }
0x1b: {  	s9 =	sadd.s32 $0xFFFFFEF7, lr;
	s5 =	simm.s32 $0xFFFFFFFF;
	p2 =	slt.u32 s8, $0xFFFFF086  }
0x1c: {  	p1 =	slt.u32 s9, $0xF7A;
	s5 =	simm.s32 @!p2 $0x0  }
0x1d: {  	s5 =	simm.s32 @p1 $0x1;
	p0 =	seq.s32 s7, s2  }
0x1e: {  	s7 =	smul.u32 @!p0 $0xF7A, s2;
	p2 =	seq.s32 @!p0 s5, $0x0  }
0x1f: {  	s9 =	smul.u32 $0xF7A, s1;
	s8 =	simm.s32 @!p0 $0x1BF5;
	p2 =	por !p2, p0  }
0x20: {  	[sflag:s8] =	ssyncset.s32 @!p0 $0xFFFFF086;
	s6 =	sadd.s32 @!p0 s3, s7;
	s7 =	simm.s32 @!p0 $0x108  }
0x21: {  	s3 =	sadd.s32 s3, s9;
	s6 =	sadd.s32 @!p0 $0x88, s6;
	s7 =	simm.s32 @p2 $0x1082  }
0x22: {  	[simem:s7], [sflag:s8] =	dma.local @!p0 [hbm:s6], $0xF7A  }
0x23: {  	s9 =	sor.u32 $0xD0000000, s2;
	s6 =	simm.s32 $0x108;
	_ =	swait.ge @!p0 [sflag:s8], $0x0  }
0x24: {  	s3 =	sadd.s32 $0x88, s3;
	s6 =	simm.s32 @!p1 $0x1082;
	[sflag:s4] =	ssyncset.s32 $0xFFFFF086  }
0x25: {  	[simem:s6], [sflag:s4] =	dma.local [hbm:s3], $0xF7A  }
0x26: {  	[smem:$0x3F9A] =	sst s1;
	(tag) =	ssettag s2;
	_ =	strace s9  }
0x27: {  	s1 =	sld [smem:$0x3FAA]  }
0x28: {  	s2 =	sld [smem:$0x3FAB]  }
0x29: {  	s4 =	sld [smem:$0x3FAD]  }
0x2a: {  	p0 =	seq.s32 s5, $0x0;
	s5 =	sld [smem:$0x3FAE]  }
0x2b: {  	s6 =	sld [smem:$0x3FAF]  }
0x2c: {  	s7 =	sld [smem:$0x3FB0]  }
0x2d: {  	s3 =	simm.s32 $0x108;
	s8 =	sld [smem:$0x3FB1]  }
0x2e: {  	s3 =	simm.s32 @!p0 $0x1082;
	s9 =	sld [smem:$0x3FB2]  }
0x2f: {  	lr =	sadd.s32 s0, s3;
	s0 =	sld [smem:$0x3FA9]  }
0x30: {  	s3 =	sld [smem:$0x3FAC]  }
0x31: {  	[smem:$0x3FB5] =	sst s10  }
0x32: {  	s10 =	sld [smem:$0x3FB3];
	_ =	sdelay $0x3  }
0x33: {  	p0 =	seq.s32 s10, $0x1;
	s10 =	sld [smem:$0x3FB5];
	_ =	sdelay $0x3  }
0x34: {  	[smem:$0x3FB5] =	sst s10  }
0x35: {  	s10 =	sld [smem:$0x3FB4];
	_ =	sdelay $0x3  }
0x36: {  	p1 =	seq.s32 s10, $0x1;
	s10 =	sld [smem:$0x3FB5];
	_ =	sdelay $0x3  }
0x37: {  	[smem:$0x3FB5] =	sst s10  }
0x38: {  	s10 =	sld [smem:$0x3FB6]  }
0x39: {  	_ = 	snop;
	(pc) =	sbr.ind lr, $3  }
0x3a: {  	_ = 	snop  }
0x3b: {  	_ = 	snop  }
0x3c: {  	p2 =	seq.s32 s10, $0x1;
	s10 =	sld [smem:$0x3FB5]  }
0x3d: {  	_ =	shalt  }
0x3e: {  	_ =	shalt  }
0x3f: {  	_ =	shalt  }
0x40: {  	_ =	shalt  }
0x41: {  	_ =	shalt  }
0x42: {  	_ =	shalt  }
0x43: {  	_ =	shalt  }
0x44: {  	_ =	shalt  }
0x45: {  	_ =	shalt  }
0x46: {  	_ =	shalt  }
0x47: {  	_ =	shalt  }
0x48: {  	_ =	shalt  }
0x49: {  	_ =	shalt  }
0x4a: {  	_ =	shalt  }
0x4b: {  	_ =	shalt  }
0x4c: {  	_ =	shalt  }
0x4d: {  	_ =	shalt  }
0x4e: {  	_ =	shalt  }
0x4f: {  	_ =	shalt  }
0x50: {  	_ =	shalt  }
0x51: {  	_ =	shalt  }
0x52: {  	_ =	shalt  }
0x53: {  	_ =	shalt  }
0x54: {  	_ =	shalt  }
0x55: {  	_ =	shalt  }
0x56: {  	_ =	shalt  }
0x57: {  	_ =	shalt  }
0x58: {  	_ =	shalt  }
0x59: {  	_ =	shalt  }
0x5a: {  	_ =	shalt  }
0x5b: {  	_ =	shalt  }
0x5c: {  	_ =	shalt  }
0x5d: {  	_ =	shalt  }
0x5e: {  	_ =	shalt  }
0x5f: {  	_ =	shalt  }
0x60: {  	_ =	shalt  }
0x61: {  	_ =	shalt  }
0x62: {  	_ =	shalt  }
0x63: {  	_ =	shalt  }
0x64: {  	_ =	shalt  }
0x65: {  	_ =	shalt  }
0x66: {  	_ =	shalt  }
0x67: {  	_ =	shalt  }
0x68: {  	_ =	shalt  }
0x69: {  	_ =	shalt  }
0x6a: {  	_ =	shalt  }
0x6b: {  	_ =	shalt  }
0x6c: {  	_ =	shalt  }
0x6d: {  	_ =	shalt  }
0x6e: {  	_ =	shalt  }
0x6f: {  	_ =	shalt  }
0x70: {  	_ =	shalt  }
0x71: {  	_ =	shalt  }
0x72: {  	_ =	shalt  }
0x73: {  	_ =	shalt  }
0x74: {  	_ =	shalt  }
0x75: {  	_ =	shalt  }
0x76: {  	_ =	shalt  }
0x77: {  	_ =	shalt  }
0x78: {  	_ =	shalt  }
0x79: {  	_ =	shalt  }
0x7a: {  	_ =	shalt  }
0x7b: {  	_ =	shalt  }
0x7c: {  	_ =	shalt  }
0x7d: {  	_ =	shalt  }
0x7e: {  	_ =	shalt  }
0x7f: {  	_ =	shalt  }
0x80: {  	_ =	shalt  }
0x81: {  	_ =	shalt  }
0x82: {  	_ =	shalt  }
0x83: {  	_ =	shalt  }
0x84: {  	_ =	shalt  }
0x85: {  	_ =	shalt  }
0x86: {  	_ =	shalt  }
0x87: {  	_ =	shalt  }
.Lfunc_end0:
.L_simem_size_0:
called_computation_lowered:
.L_overlay_start_0:
0x88: {  	s2 =	sld [smem:$0x3FD9]  }
0x89: {  	s3 =	sld [smem:$0x3FFE];
	_ =	sdelay $0x1  }
0x8a: {  	s1 =	srdreg.scid  }
0x8b: {  	s0 =	sand.u32 $0x1, s1  }
0x8c: {  	s14 =	sshll.u32 s0, $0xA;
	s2 =	sadd.s32 s3, s2  }
0x8d: {  	s2 =	sadd.s32 s2, s14  }
0x8e: {  	[smem:$0x3FC1] =	sst s2  }
0x8f: {  	_ = 	snop  }
0x90: {  	s2 =	sld [smem:$0x3FD0];
	_ =	sdelay $0x2  }
0x91: {  	s4 =	simm.s32 $0xA;
	s5 =	simm.s32 $0x10;
	s15 =	sld [smem:$0x3FC9]  }
0x92: {  	[smem:s5], [sflag:s4] =	dma.local [hbm:s2], $0x1  }
0x93: {  	_ =	swait.eq [sflag:s4], $0x1  }
0x94: {  	[sflag:s4] =	ssyncset.done $0x0  }
0x95: {  	[sflag:s4] =	ssyncadd.s32 $0xFFFFFFFF  }
0x96: {  	s16 =	sld [smem:$0x10];
	(tm) =	ssettm $0x1  }
0x97: {  	s17 =	sld [smem:$0x3FFB];
	_ =	sdelay $0x3  }
0x98: {  	_ =	strace s17  }
0x99: {  	s4 =	sld [smem:$0x3FFC];
	_ =	sdelay $0x3  }
0x9a: {  	_ =	strace s4  }
0x9b: {  	s4 =	sld [smem:$0x3FFD];
	_ =	sdelay $0x3  }
0x9c: {  	_ =	strace s4  }
0x9d: {  	_ =	strace $0x8FFFFFFF  }
0x9e: {  	s18 =	sld [smem:$0x3FDB];
	_ =	sdelay $0x1  }
0x9f: {  	s19 =	simm.s32 $_scs_section_size  }
0xa0: {  	s6 =	simm.s32 $_size__tile_overlayer_lowered;
	s7 =	simm.s32 $_tile_overlayer_lowered  }
0xa1: {  	s22 =	simm.s32 $0x1BFF;
	s21 =	sshll.u32 s7, $0x1;
	s4 =	sadd.s32 s19, s18  }
0xa2: {  	s8 =	simm.s32 $0x0;
	s20 =	sshll.u32 s6, $0x1;
	s6 =	sadd.s32 s21, s4  }
0xa3: {  	[timem:s8], [sflag:s22] =	dma.local [hbm:s6], s20  }
0xa4: {  	_ =	swait.ge [sflag:s22], s20  }
0xa5: {  	s5 =	ssub.s32 $0x0, s20;
	[sflag:s22] =	ssyncset.done $0x0  }
0xa6: {  	[sflag:s22] =	ssyncadd.s32 s5;
	_ =	sdelay $0x1  }
0xa7: {  	s23 =	simm.s32 $0x1B8B  }
0xa8: {  	_ =	swait.ge [sflag:s23], $0x1  }
0xa9: {  	[sflag:s23] =	ssyncset.done $0x0  }
0xaa: {  	s25 =	simm.s32 $0x1B8E;
	s24 =	sld [smem:$0x3FFE];
	[sflag:s23] =	ssyncadd.s32 $0xFFFFFFFF  }
0xab: {  	s26 =	simm.s32 $execute0_lowered;
	[smem:$0x3FD2] =	sst s25  }
0xac: {  	s6 =	sshll.u32 s26, $0x1;
	_ =	strace $0x80000046;
	[dreg:$0x1] =	wrdreg $0xFFFFFFFF  }
0xad: {  	s28 =	simm.s32 $_size_execute0_lowered;
	s4 =	sadd.s32 s4, s6;
	[dreg:$0x0] =	wrdreg $0x0  }
0xae: {  	s6 =	sshll.u32 s28, $0x1;
	[dreg:$0x2] =	wrdreg s4  }
0xaf: {  	[dreg:$0x3] =	wrdreg s6  }
0xb0: {  	[dreg:$0x4] =	wrdreg $0xC0  }
0xb1: {  	_ =	task [dreg:s8], $0x5FFFF  }
0xb2: {  	[dreg:$0x1] =	wrdreg $0xFFFFFFFF  }
0xb3: {  	[dreg:$0x0] =	wrdreg $0x60  }
0xb4: {  	[dreg:$0x2] =	wrdreg s15  }
0xb5: {  	[dreg:$0x3] =	wrdreg s24  }
0xb6: {  	[dreg:$0x4] =	wrdreg s16  }
0xb7: {  	[dreg:$0x5] =	wrdreg $0x9  }
0xb8: {  	_ =	task.clear_ibuf [dreg:s8], $0x6FFFF;
	_ =	strace $0x90000046  }
0xb9: {  	s29 =	simm.s32 $0x9;
	_ =	strace $0x80000054  }
0xba: {  	_ =	swait.ge [sflag:s29], $0x1  }
0xbb: {  	[sflag:s29] =	ssyncadd.s32 $0xFFFFFFFF  }
0xbc: {  	_ =	strace $0x90000054  }
0xbd: {  	_ =	sfence  }
0xbe: {  	s30 =	sld [smem:$0x0];
	_ =	sdelay $0x2  }
0xbf: {  	s31 =	sshll.u32 s1, $0xD;
	s1 =	sshrl.u32 s1, $0x2  }
0xc0: {  	s3 =	sand.u32 $0x4000, s31;
	s1 =	sadd.s32 s1, s30  }
0xc1: {  	s0 =	sor.u32 s3, s0;
	s1 =	sshll.u32 s1, $0x11  }
0xc2: {  	s0 =	sor.u32 s1, s0  }
0xc3: {  	s0 =	sadd.s32 $0x8F2B, s0  }
0xc4: {  	[sflag:s0] =	ssyncadd.remote.s32 $0x1  }
0xc5: {  	_ =	sfence.sel $0xFFFF  }
0xc6: {  	[dreg:$0x0] =	wrdreg $0xFFFFFFFF;
	(pc) =	sbr.abs _section_cstart, $3  }
0xc7: {  	[dreg:$0x1] =	wrdreg $0xFFFFFFFF  }
0xc8: {  	_ =	task.clear_ibuf [dreg:s8], $0x2FFFF;
	_ =	strace $0x9FFFFFFF  }
0xc9: {  	(tm) =	ssettm $0x7FFFFFFF  }
tec
execute0_lowered:
.L_overlay_start_1:
0x0: {  	(tag) =	ssettag $0x1  }
0x1: {  	s1 =	rddreg [dreg:$0x0]  }
0x2: {  	s0 =	rddreg [dreg:$0x1]  }
0x3: {  	s2 =	rddreg [dreg:$0x2];
	s3 =	simm.s32 $0x0  }
0x4: {  	s4 =	srdreg.scid;
	s12 =	stileid.u32;
	s15 =	simm.s32 $0x80  }
0x5: {  	s16 =	simm.s32 $0x5;
	s31 =	simm.s32 $0xC000;
	s18 =	simm.s32 $0x0  }
0x6: {  	[smem:$0x7FF] =	sst s3;
	s4 =	sand.u32 $0x1, s4;
	s5 =	sadd.s32 $0x2C00, s0  }
0x7: {  	s6 =	sadd.s32 $0x42C00, s0;
	s10 =	smul.u32 $0xC000, s12;
	s7 =	sadd.s32 $0x43400, s0  }
0x8: {  	s29 =	sshll.u32 s12, $0x7;
	s11 =	sadd.s32 $0x43500, s0;
	s30 =	sshll.u32 s12, $0xE  }
.Ltmp0:
0x9: {  	_ =	strace $0x80000047;
	s8 =	ssub.s32 $0x2, s4;
	(pc) =	sbr.rel .LBB2_1-.Ltmp0, $4  }
0xa: {  	s0 =	sadd.s32 s5, s30;
	[dreg:$0x4] =	wrdreg s31;
	s9 =	sshrl.u32 s8, $0x1  }
0xb: {  	v2 =	vlaneseq.u32;
	s28 =	sadd.s32 s1, s10;
	[dreg:$0x6] =	wrdreg s0;
	s9 =	ssub.s32 s8, s9  }
0xc: {  	vm0 =	vmmov $0xffff;
	vm1 =	vmmov $0xff;
	v1 =	vshrl.u32 v2, $0x3;
	s8 =	sshll.u32 s12, $0x3;
	[dreg:$0x5] =	wrdreg s28;
	s12 =	smax.u32 s9, $0x1  }
0xd: {  	v0 =	vand.u32 $0x7, v2;
	v2 =	vor.u32 $0x8, v2;
	p0 =	seq.s32 s4, $0x1;
	v1 =	vmul.u32 $0x8, v1;
	s10 =	sadd.s32 s6, s29;
	[dreg:$0x7] =	wrdreg s12  }
.LBB2_6:
0xe: {  	[sflag:s4] =	ssyncadd.s32 $0xFFFFFF80  }
0xf: {  	_ =	strace $0x90000052  }
0x10: {  	s4 =	sadd.s32 @!p1 s8, s22;
	s10 =	sand.u32 @!p1 $0x1, s30;
	_ =	strace $0x80000053  }
0x11: {  	[hbm4b:s2+s15] =	stream.indirect.scatter [tilespmem:s0], [sflag:$0x5], $0x80, s17, s15, $0x2000b8;
	[tilespmem:$0x18100] =	vst v63  }
0x12: {  	s9 =	smov.u32 @p2 s23;
	s12 =	sshll.u32 @!p1 s4, $0xB;
	_ =	swait.ge [sflag:s16], $0x4000  }
0x13: {  	s9 =	sand.u32 @!p1 $0x1, s9;
	s0 =	sshll.u32 @!p1 s4, $0x4;
	[sflag:s16] =	ssyncset.done $0x0  }
0x14: {  	s4 =	sand.u32 @!p1 $0x1FFFF800, s12;
	s12 =	sshll.u32 @!p1 s9, $0xE;
	[sflag:s16] =	ssyncadd.s32 $0xFFFFC000  }
0x15: {  	s17 =	simm.s32 @!p1 $0x0;
	s9 =	sadd.s32 @!p1 $0x1, s9;
	_ =	strace $0x90000053  }
0x16: {  	s0 =	sand.u32 @!p1 $0x1FFFFFF0, s0;
	s4 =	sadd.s32 @!p1 s5, s4;
	_ =	strace @!p1 $0x8000004F  }
0x17: {  	[tilespmem:s12], [sflag:s9] =	stream.linear.gather @!p1 [hbm4b:s4+s17], $0x4000, $0x200038;
	[tilespmem:$0x18100] =	vst v63  }
0x18: {  	s14 =	sshll.u32 @!p1 s10, $0x7;
	s0 =	sadd.s32 @!p1 s6, s0;
	_ =	strace @!p1 $0x9000004F  }
0x19: {  	s4 =	sor.u32 @!p1 $0x8000, s14;
	s9 =	sadd.s32 @!p1 $0x3, s10;
	_ =	strace @!p1 $0x80000050  }
0x1a: {  	[tilespmem:s4], [sflag:s9] =	stream.linear.gather @!p1 [hbm4b:s0+s17], $0x80, $0x200038;
	[tilespmem:$0x18100] =	vst v63  }
0x1b: {  	_ =	strace @!p1 $0x90000050  }
0x1c: {  	s24 =	sadd.s32 $0x1, s24;
	_ =	strace $0x80000051  }
0x1d: {  	_ =	swait.ge [sflag:s24], $0x4000  }
0x1e: {  	[sflag:s24] =	ssyncset.done $0x0  }
0x1f: {  	[sflag:s24] =	ssyncadd.s32 $0xFFFFC000  }
0x20: {  	_ =	strace $0x90000051  }
0x21: {  	s25 =	sadd.s32 $0x3, s26;
	_ =	strace $0x80000052  }
0x22: {  	_ =	swait.ge [sflag:s25], $0x80  }
0x23: {  	[sflag:s25] =	ssyncset.done $0x0  }
0x24: {  	[sflag:s25] =	ssyncadd.s32 $0xFFFFFF80  }
0x25: {  	s26 =	sand.u32 $0x80, s29;
	_ =	strace $0x90000052  }
0x26: {  	s28 =	sand.u32 $0x4000, s28;
	s0 =	sor.u32 $0x8000, s26;
	_ =	strace $0x80000053  }
0x27: {  	[hbm4b:s2+s15] =	stream.indirect.scatter [tilespmem:s28], [sflag:$0x5], $0x80, s0, s15, $0x2000b8;
	[tilespmem:$0x18100] =	vst v63  }
0x28: {  	p1 =	sne.s32 s20, s22;
	s0 =	simm.s32 $0x1;
	_ =	swait.ge [sflag:s16], $0x4000  }
0x29: {  	s0 =	simm.s32 @!p1 $0x0;
	[sflag:s16] =	ssyncset.done $0x0  }
0x2a: {  	s29 =	sadd.s32 s0, s19;
	[sflag:s16] =	ssyncadd.s32 $0xFFFFC000  }
0x2b: {  	s30 =	sand.u32 $0x1, s29;
	_ =	strace $0x90000053  }
0x2c: {  	s9 =	sadd.s32 $0x1, s30;
	_ =	strace $0x80000051  }
0x2d: {  	_ =	swait.ge [sflag:s9], $0x4000  }
0x2e: {  	[sflag:s9] =	ssyncset.done $0x0  }
0x2f: {  	s0 =	sadd.s32 s0, s21;
	[sflag:s9] =	ssyncadd.s32 $0xFFFFC000  }
0x30: {  	s31 =	sand.u32 $0x1, s0;
	_ =	strace $0x90000051  }
0x31: {  	s9 =	sadd.s32 $0x3, s31;
	_ =	strace $0x80000052  }
0x32: {  	_ =	swait.ge [sflag:s9], $0x80  }
0x33: {  	[sflag:s9] =	ssyncset.done $0x0  }
0x34: {  	s0 =	sshll.u32 s0, $0x7;
	[sflag:s9] =	ssyncadd.s32 $0xFFFFFF80  }
0x35: {  	s4 =	sshll.u32 s29, $0xE;
	s0 =	sand.u32 $0x80, s0;
	_ =	strace $0x90000052  }
0x36: {  	s4 =	sand.u32 $0x4000, s4;
	s0 =	sor.u32 $0x8000, s0;
	_ =	strace $0x80000053  }
0x37: {  	[hbm4b:s2+s15] =	stream.indirect.scatter [tilespmem:s4], [sflag:$0x5], $0x80, s0, s15, $0x2000b8;
	[tilespmem:$0x18100] =	vst v63  }
0x38: {  	_ =	swait.ge [sflag:s16], $0x4000  }
0x39: {  	[sflag:s16] =	ssyncset.done $0x0  }
0x3a: {  	[sflag:s16] =	ssyncadd.s32 $0xFFFFC000  }
0x3b: {  	_ =	strace $0x90000053  }
0x3c: {  	s10 =	smov.u32 s13;
	s12 =	rddreg [dreg:$0x7]  }
.LBB2_7:
0x3d: {  	s18 =	sadd.s32 $0x1, s18  }
0x3e: {  	p1 =	sne.s32 s18, s12  }
.Ltmp1:
0x3f: {  	_ = 	snop;
	(pc) =	sbr.rel @!p1 .LBB2_8-.Ltmp1, $1  }
0x40: {  	_ =	sdelay $0x3  }
.LBB2_1:
.Ltmp2:
0x41: {  	(pc) =	sbr.rel @!p0 .LBB2_2-.Ltmp2, $1  }
0x42: {  	_ =	sdelay $0x3  }
0x43: {  	_ =	strace $0x8000004E  }
0x44: {  	s0 =	simm.s32 $0x0;
	s13 =	smov.u32 s10;
	s9 =	simm.s32 $0x8000  }
0x45: {  	s20 =	simm.s32 $0x1;
	p1 =	por $0x0, $0x0;
	s23 =	simm.s32 $0x1  }
0x46: {  	s12 =	simm.s32 $0x0;
	s4 =	rddreg [dreg:$0x6];
	s20 =	simm.s32 @p1 $0x0  }
0x47: {  	[tilespmem:s0], [sflag:$0x1] =	stream.linear.gather [hbm4b:s4+s0], $0x4000, $0x200038;
	[tilespmem:$0x18100] =	vst v63  }
0x48: {  	s25 =	simm.s32 $0x5;
	p1 =	seq.s32 s20, $0x0;
	p2 =	sne.s32 s20, $0x0  }
0x49: {  	[tilespmem:s9], [sflag:$0x3] =	stream.linear.gather [hbm4b:s10+s0], $0x80, $0x200038;
	[tilespmem:$0x18100] =	vst v63  }
0x4a: {  	s14 =	sand.u32 @!p1 $0x1, s23;
	s22 =	simm.s32 @!p1 $0x0;
	s10 =	sand.u32 $0x1, s0  }
0x4b: {  	s9 =	sadd.s32 @!p1 s8, s20;
	s19 =	sshll.u32 @!p1 s14, $0x7;
	s21 =	sshll.u32 @!p1 s14, $0xE  }
0x4c: {  	s24 =	sadd.s32 @!p1 $0x1, s14;
	s14 =	sadd.s32 @!p1 $0x3, s14;
	s0 =	sand.u32 $0x4000, s12  }
0x4d: {  	_ =	strace $0x9000004E;
	s17 =	sshll.u32 @!p1 s9, $0xB;
	s9 =	sshll.u32 @!p1 s9, $0x4  }
0x4e: {  	s19 =	sor.u32 @!p1 $0x8000, s19;
	s31 =	sadd.s32 $0x1, s10;
	s17 =	sand.u32 @!p1 $0x1FFFF800, s17  }
0x4f: {  	s9 =	sand.u32 @!p1 $0x1FFFFFF0, s9;
	_ =	strace @!p1 $0x8000004F;
	s17 =	sadd.s32 @!p1 s5, s17  }
0x50: {  	[tilespmem:s21], [sflag:s24] =	stream.linear.gather @!p1 [hbm4b:s17+s22], $0x4000, $0x200038;
	[tilespmem:$0x18100] =	vst v63  }
0x51: {  	s4 =	sadd.s32 $0x3, s10;
	s9 =	sadd.s32 @!p1 s6, s9;
	_ =	strace @!p1 $0x9000004F  }
0x52: {  	s17 =	simm.s32 $0x1;
	s24 =	simm.s32 $0x0;
	_ =	strace @!p1 $0x80000050  }
0x53: {  	[tilespmem:s19], [sflag:s14] =	stream.linear.gather @!p1 [hbm4b:s9+s22], $0x80, $0x200038;
	[tilespmem:$0x18100] =	vst v63  }
0x54: {  	s17 =	simm.s32 @!p2 $0x0;
	p2 =	por p1, p1;
	_ =	strace @!p1 $0x90000050  }
0x55: {  	s19 =	sadd.s32 $0x0, s17;
	s9 =	sand.u32 $0x80, s24;
	_ =	strace $0x80000051  }
0x56: {  	s22 =	sadd.s32 $0x1, s20;
	s14 =	simm.s32 @!p2 $0x1;
	_ =	swait.ge [sflag:s31], $0x4000  }
0x57: {  	s26 =	sand.u32 $0x1, s19;
	s28 =	sshll.u32 s19, $0xE;
	[sflag:s31] =	ssyncset.done $0x0  }
0x58: {  	s29 =	sshll.u32 s19, $0x7;
	s17 =	sor.u32 $0x8000, s9;
	[sflag:s31] =	ssyncadd.s32 $0xFFFFC000  }
0x59: {  	p1 =	seq.s32 s22, $0x8;
	s9 =	simm.s32 @!p2 $0x2;
	_ =	strace $0x90000051  }
0x5a: {  	s14 =	simm.s32 @p2 $0x0;
	s21 =	smov.u32 s19;
	_ =	strace $0x80000052  }
0x5b: {  	s22 =	simm.s32 @p1 $0x0;
	s30 =	sadd.s32 $0x1, s14;
	_ =	swait.ge [sflag:s4], $0x80  }
0x5c: {  	s24 =	smov.u32 s26;
	p1 =	seq.s32 s20, s22;
	[sflag:s4] =	ssyncset.done $0x0  }
.LBB2_5:
0x5d: {  	s12 =	smov.u32 s23;
	s23 =	sadd.s32 @!p1 s8, s22;
	s10 =	sand.u32 @!p1 $0x1, s30  }
0x5e: {  	s31 =	smov.u32 s26;
	s14 =	smov.u32 s29;
	s25 =	sadd.s32 $0xFFFFFFFF, s25  }
0x5f: {  	[sflag:s4] =	ssyncadd.s32 $0xFFFFFF80;
	s4 =	smov.u32 s28;
	s26 =	sshll.u32 @!p1 s23, $0xB  }
0x60: {  	s28 =	sshll.u32 @!p1 s23, $0x4;
	s23 =	smov.u32 s9;
	_ =	strace $0x90000052  }
0x61: {  	s26 =	sand.u32 @!p1 $0x1FFFF800, s26;
	s23 =	smov.u32 @p2 s12;
	_ =	strace $0x80000053  }
0x62: {  	s12 =	sand.u32 @!p1 $0x1FFFFFF0, s28;
	s28 =	simm.s32 @!p1 $0x0;
	s9 =	sand.u32 @!p1 $0x1, s23  }
0x63: {  	[hbm4b:s2+s15] =	stream.indirect.scatter [tilespmem:s0], [sflag:$0x5], $0x80, s17, s15, $0x2000b8;
	[tilespmem:$0x18100] =	vst v63  }
0x64: {  	s0 =	sshll.u32 @!p1 s9, $0xE;
	s17 =	sshll.u32 @!p1 s10, $0x7;
	_ =	swait.ge [sflag:s16], $0x4000  }
0x65: {  	s12 =	sadd.s32 @!p1 s6, s12;
	s17 =	sor.u32 @!p1 $0x8000, s17;
	[sflag:s16] =	ssyncset.done $0x0  }
0x66: {  	s26 =	sadd.s32 @!p1 s5, s26;
	s10 =	sadd.s32 @!p1 $0x3, s10;
	[sflag:s16] =	ssyncadd.s32 $0xFFFFC000  }
0x67: {  	p2 =	sne.s32 s20, s22;
	s20 =	simm.s32 $0x1;
	_ =	strace $0x90000053  }
0x68: {  	s20 =	simm.s32 @!p2 $0x0;
	s9 =	sadd.s32 @!p1 $0x1, s9;
	_ =	strace @!p1 $0x8000004F  }
0x69: {  	[tilespmem:s0], [sflag:s9] =	stream.linear.gather @!p1 [hbm4b:s26+s28], $0x4000, $0x200038;
	[tilespmem:$0x18100] =	vst v63  }
0x6a: {  	s19 =	sadd.s32 s20, s19;
	s21 =	sadd.s32 s20, s21;
	_ =	strace @!p1 $0x9000004F  }
0x6b: {  	s0 =	sand.u32 $0x1, s19;
	s26 =	sand.u32 $0x1, s21;
	_ =	strace @!p1 $0x80000050  }
0x6c: {  	[tilespmem:s17], [sflag:s10] =	stream.linear.gather @!p1 [hbm4b:s12+s28], $0x80, $0x200038;
	[tilespmem:$0x18100] =	vst v63  }
0x6d: {  	s29 =	sshll.u32 s21, $0x7;
	s28 =	sshll.u32 s19, $0xE;
	_ =	strace @!p1 $0x90000050  }
0x6e: {  	p3 =	sne.s32 s25, $0x0;
	s9 =	sadd.s32 $0x1, s24;
	_ =	strace $0x80000051  }
0x6f: {  	s20 =	smov.u32 s22;
	s24 =	smov.u32 s0;
	_ =	swait.ge [sflag:s9], $0x4000  }
0x70: {  	p2 =	por p1, p1;
	[sflag:s9] =	ssyncset.done $0x0  }
0x71: {  	s0 =	sand.u32 $0x4000, s4;
	s4 =	sand.u32 $0x80, s14;
	[sflag:s9] =	ssyncadd.s32 $0xFFFFC000  }
.Ltmp3:
0x72: {  	s17 =	sor.u32 $0x8000, s4;
	_ =	strace $0x90000051;
	(pc) =	sbr.rel @p3 .LBB2_5-.Ltmp3, $4  }
0x73: {  	s22 =	sadd.s32 $0x1, s22;
	s4 =	sadd.s32 $0x3, s31;
	_ =	strace $0x80000052  }
0x74: {  	s10 =	simm.s32 @!p2 $0x1;
	p1 =	seq.s32 s22, $0x8;
	s9 =	sadd.s32 @!p2 $0x1, s23  }
0x75: {  	s10 =	simm.s32 @p2 $0x0;
	s22 =	simm.s32 @p1 $0x0;
	_ =	swait.ge [sflag:s4], $0x80  }
0x76: {  	s30 =	sadd.s32 s30, s10;
	p1 =	seq.s32 s20, s22;
	[sflag:s4] =	ssyncset.done $0x0  }
.Ltmp4:
0x77: {  	_ = 	snop;
	(pc) =	sbr.rel .LBB2_6-.Ltmp4, $1  }
0x78: {  	_ =	sdelay $0x3  }
.LBB2_2:
0x79: {  	_ =	strace $0x80000048;
	s19 =	simm.s32 $0x0  }
0x7a: {  	s31 =	simm.s32 $0x18000;
	s25 =	simm.s32 $0x1;
	s0 =	rddreg [dreg:$0x5]  }
0x7b: {  	[tilespmem:s19], [sflag:$0x1] =	stream.linear.gather [hbm4b:s0+s19], $0xC000, $0x200038;
	[tilespmem:$0x18100] =	vst v63  }
0x7c: {  	s20 =	simm.s32 $0x8;
	s21 =	simm.s32 $0x0;
	s22 =	simm.s32 $0x1  }
0x7d: {  	[tilespmem:s31], [sflag:$0x3] =	stream.linear.gather [hbm4b:s10+s19], $0x80, $0x200038;
	[tilespmem:$0x18100] =	vst v63  }
0x7e: {  	s23 =	simm.s32 $0x0;
	s24 =	smov.u32 s25;
	_ =	strace $0x90000048  }
.LBB2_3:
0x7f: {  	s26 =	smov.u32 s19;
	s19 =	sadd.s32 $0x1, s19  }
0x80: {  	p1 =	seq.s32 s19, $0x8  }
0x81: {  	s19 =	simm.s32 @p1 $0x0;
	p1 =	seq.s32 s20, $0x1  }
0x82: {  	p2 =	seq.s32 @!p1 s26, s19  }
0x83: {  	p3 =	por p2, p1  }
0x84: {  	s0 =	sadd.s32 @!p3 s8, s19  }
0x85: {  	s4 =	sand.u32 @!p3 $0x1, s25;
	s0 =	sshll.u32 @!p3 s0, $0x4  }
0x86: {  	s9 =	smul.u32 @!p3 $0x30000, s4;
	s0 =	sand.u32 @!p3 $0x1FFFFFF0, s0  }
0x87: {  	s14 =	smul.u32 @!p3 $0x180, s0  }
0x88: {  	_ =	strace @!p3 $0x80000049;
	s17 =	simm.s32 @!p3 $0x0  }
0x89: {  	s4 =	sadd.s32 @!p3 $0x1, s4;
	s9 =	sshrl.u32 @!p3 s9, $0x2;
	s14 =	sadd.s32 @!p3 s1, s14  }
0x8a: {  	[tilespmem:s9], [sflag:s4] =	stream.linear.gather @!p3 [hbm4b:s14+s17], $0xC000, $0x200038;
	[tilespmem:$0x18100] =	vst v63  }
0x8b: {  	s4 =	sand.u32 @!p3 $0x1, s22  }
0x8c: {  	s0 =	sadd.s32 @!p3 s6, s0;
	_ =	strace @!p3 $0x90000049;
	s9 =	sshll.u32 @!p3 s4, $0x7  }
0x8d: {  	s4 =	sadd.s32 @!p3 $0x3, s4;
	_ =	strace @!p3 $0x8000004A;
	s9 =	sor.u32 @!p3 $0x18000, s9  }
0x8e: {  	[tilespmem:s9], [sflag:s4] =	stream.linear.gather @!p3 [hbm4b:s0+s17], $0x80, $0x200038;
	[tilespmem:$0x18100] =	vst v63  }
0x8f: {  	s14 =	sand.u32 $0x1, s23;
	_ =	strace @!p3 $0x9000004A  }
0x90: {  	s17 =	sadd.s32 $0x1, s14;
	_ =	strace $0x8000004B  }
0x91: {  	_ =	swait.ge [sflag:s17], $0xC000  }
0x92: {  	[sflag:s17] =	ssyncset.done $0x0  }
0x93: {  	[sflag:s17] =	ssyncadd.s32 $0xFFFF4000  }
0x94: {  	s28 =	sand.u32 $0x1, s21;
	_ =	strace $0x9000004B  }
0x95: {  	s4 =	sadd.s32 $0x3, s28;
	_ =	strace $0x8000004C  }
0x96: {  	_ =	swait.ge [sflag:s4], $0x80  }
0x97: {  	[sflag:s4] =	ssyncset.done $0x0  }
0x98: {  	[sflag:s4] =	ssyncadd.s32 $0xFFFFFF80  }
0x99: {  	s29 =	sshll.u32 s21, $0x7;
	_ =	strace $0x9000004C  }
0x9a: {  	s29 =	sand.u32 $0x80, s29;
	_ =	strace $0x8000004D  }
0x9b: {  	v3 =	vld [tilespmem:s29+$0x18000];
	_ =	sdelay $0x4  }
0x9c: {  	v4 =	vshrl.u32 v3, $0x3  }
0x9d: {  	v4 =	vmul.u32 $0x18, v4  }
0x9e: {  	v3 =	vand.u32 $0x7, v3  }
0x9f: {  	v3 =	vor.u32 v3, v4  }
0xa0: {  	v4 =	vperm.xlane v3, v0;
	_ =	sdelay $0x1  }
0xa1: {  	v4 =	vadd.s32 v1, v4;
	_ =	sdelay $0x1  }
0xa2: {  	v3 =	vperm.xlane v3, v2  }
0xa3: {  	p4 =	seq.s32 s14, $0x1;
	s28 =	rddreg [dreg:$0x4]  }
0xa4: {  	s28 =	simm.s32 @!p4 $0x0;
	v3 =	vadd.s32 v1, v3  }
0xa5: {  	[hbm4b:s7+s3] =	stream.indirect_vreg.scatter [tilespmem:s28], [sflag:$0x5], $0x80, v4, vm0, $0x2000b8;
	[tilespmem:$0x18100] =	vst v63  }
0xa6: {  	s30 =	sor.u32 $0x800, s28  }
0xa7: {  	[hbm4b:s11+s3] =	stream.indirect_vreg.scatter [tilespmem:s30], [sflag:$0x5], $0x80, v4, vm1, $0x2000b8;
	[tilespmem:$0x18100] =	vst v63  }
0xa8: {  	s31 =	sor.u32 $0xC00, s28  }
0xa9: {  	[hbm4b:s7+s3] =	stream.indirect_vreg.scatter [tilespmem:s31], [sflag:$0x5], $0x80, v3, vm0, $0x2000b8;
	[tilespmem:$0x18100] =	vst v63  }
0xaa: {  	s4 =	sor.u32 $0x1400, s28  }
0xab: {  	[hbm4b:s11+s3] =	stream.indirect_vreg.scatter [tilespmem:s4], [sflag:$0x5], $0x80, v3, vm1, $0x2000b8;
	[tilespmem:$0x18100] =	vst v63  }
0xac: {  	v3 =	vld [tilespmem:s29+$0x18010];
	_ =	sdelay $0x4  }
0xad: {  	v57 =	vshrl.u32 v3, $0x3  }
0xae: {  	v4 =	vmul.u32 $0x18, v57  }
0xaf: {  	v3 =	vand.u32 $0x7, v3  }
0xb0: {  	v3 =	vor.u32 v3, v4  }
0xb1: {  	v4 =	vperm.xlane v3, v0;
	_ =	sdelay $0x1  }
0xb2: {  	v4 =	vadd.s32 v1, v4;
	_ =	sdelay $0x1  }
0xb3: {  	v3 =	vperm.xlane v3, v2;
	_ =	sdelay $0x1  }
0xb4: {  	s9 =	sor.u32 $0x1800, s28;
	v3 =	vadd.s32 v1, v3  }
0xb5: {  	[hbm4b:s7+s3] =	stream.indirect_vreg.scatter [tilespmem:s9], [sflag:$0x5], $0x80, v4, vm0, $0x2000b8;
	[tilespmem:$0x18100] =	vst v63  }
0xb6: {  	s13 =	sor.u32 $0x2000, s28  }
0xb7: {  	[hbm4b:s11+s3] =	stream.indirect_vreg.scatter [tilespmem:s13], [sflag:$0x5], $0x80, v4, vm1, $0x2000b8;
	[tilespmem:$0x18100] =	vst v63  }
0xb8: {  	s14 =	sor.u32 $0x2400, s28  }
0xb9: {  	[hbm4b:s7+s3] =	stream.indirect_vreg.scatter [tilespmem:s14], [sflag:$0x5], $0x80, v3, vm0, $0x2000b8;
	[tilespmem:$0x18100] =	vst v63  }
0xba: {  	s17 =	sor.u32 $0x2C00, s28  }
0xbb: {  	[hbm4b:s11+s3] =	stream.indirect_vreg.scatter [tilespmem:s17], [sflag:$0x5], $0x80, v3, vm1, $0x2000b8;
	[tilespmem:$0x18100] =	vst v63  }
0xbc: {  	v3 =	vld [tilespmem:s29+$0x18020];
	_ =	sdelay $0x4  }
0xbd: {  	v58 =	vshrl.u32 v3, $0x3  }
0xbe: {  	v4 =	vmul.u32 $0x18, v58  }
0xbf: {  	v3 =	vand.u32 $0x7, v3  }
0xc0: {  	v3 =	vor.u32 v3, v4  }
0xc1: {  	v4 =	vperm.xlane v3, v0;
	_ =	sdelay $0x1  }
0xc2: {  	v4 =	vadd.s32 v1, v4;
	_ =	sdelay $0x1  }
0xc3: {  	v3 =	vperm.xlane v3, v2;
	_ =	sdelay $0x1  }
0xc4: {  	s30 =	sor.u32 $0x3000, s28;
	v3 =	vadd.s32 v1, v3  }
0xc5: {  	[hbm4b:s7+s3] =	stream.indirect_vreg.scatter [tilespmem:s30], [sflag:$0x5], $0x80, v4, vm0, $0x2000b8;
	[tilespmem:$0x18100] =	vst v63  }
0xc6: {  	s31 =	sor.u32 $0x3800, s28  }
0xc7: {  	[hbm4b:s11+s3] =	stream.indirect_vreg.scatter [tilespmem:s31], [sflag:$0x5], $0x80, v4, vm1, $0x2000b8;
	[tilespmem:$0x18100] =	vst v63  }
0xc8: {  	s4 =	sor.u32 $0x3C00, s28  }
0xc9: {  	[hbm4b:s7+s3] =	stream.indirect_vreg.scatter [tilespmem:s4], [sflag:$0x5], $0x80, v3, vm0, $0x2000b8;
	[tilespmem:$0x18100] =	vst v63  }
0xca: {  	s9 =	sadd.s32 $0x4400, s28  }
0xcb: {  	[hbm4b:s11+s3] =	stream.indirect_vreg.scatter [tilespmem:s9], [sflag:$0x5], $0x80, v3, vm1, $0x2000b8;
	[tilespmem:$0x18100] =	vst v63  }
0xcc: {  	v3 =	vld [tilespmem:s29+$0x18030];
	_ =	sdelay $0x4  }
0xcd: {  	v59 =	vshrl.u32 v3, $0x3  }
0xce: {  	v4 =	vmul.u32 $0x18, v59  }
0xcf: {  	v3 =	vand.u32 $0x7, v3  }
0xd0: {  	v3 =	vor.u32 v3, v4  }
0xd1: {  	v4 =	vperm.xlane v3, v0;
	_ =	sdelay $0x1  }
0xd2: {  	v4 =	vadd.s32 v1, v4;
	_ =	sdelay $0x1  }
0xd3: {  	v3 =	vperm.xlane v3, v2;
	_ =	sdelay $0x1  }
0xd4: {  	s13 =	sadd.s32 $0x4800, s28;
	v3 =	vadd.s32 v1, v3  }
0xd5: {  	[hbm4b:s7+s3] =	stream.indirect_vreg.scatter [tilespmem:s13], [sflag:$0x5], $0x80, v4, vm0, $0x2000b8;
	[tilespmem:$0x18100] =	vst v63  }
0xd6: {  	s14 =	sadd.s32 $0x5000, s28  }
0xd7: {  	[hbm4b:s11+s3] =	stream.indirect_vreg.scatter [tilespmem:s14], [sflag:$0x5], $0x80, v4, vm1, $0x2000b8;
	[tilespmem:$0x18100] =	vst v63  }
0xd8: {  	s17 =	sadd.s32 $0x5400, s28  }
0xd9: {  	[hbm4b:s7+s3] =	stream.indirect_vreg.scatter [tilespmem:s17], [sflag:$0x5], $0x80, v3, vm0, $0x2000b8;
	[tilespmem:$0x18100] =	vst v63  }
0xda: {  	s30 =	sadd.s32 $0x5C00, s28  }
0xdb: {  	[hbm4b:s11+s3] =	stream.indirect_vreg.scatter [tilespmem:s30], [sflag:$0x5], $0x80, v3, vm1, $0x2000b8;
	[tilespmem:$0x18100] =	vst v63  }
0xdc: {  	v3 =	vld [tilespmem:s29+$0x18040];
	_ =	sdelay $0x4  }
0xdd: {  	v60 =	vshrl.u32 v3, $0x3  }
0xde: {  	v4 =	vmul.u32 $0x18, v60  }
0xdf: {  	v3 =	vand.u32 $0x7, v3  }
0xe0: {  	v3 =	vor.u32 v3, v4  }
0xe1: {  	v4 =	vperm.xlane v3, v0;
	_ =	sdelay $0x1  }
0xe2: {  	v4 =	vadd.s32 v1, v4;
	_ =	sdelay $0x1  }
0xe3: {  	v3 =	vperm.xlane v3, v2;
	_ =	sdelay $0x1  }
0xe4: {  	s31 =	sadd.s32 $0x6000, s28;
	v3 =	vadd.s32 v1, v3  }
0xe5: {  	[hbm4b:s7+s3] =	stream.indirect_vreg.scatter [tilespmem:s31], [sflag:$0x5], $0x80, v4, vm0, $0x2000b8;
	[tilespmem:$0x18100] =	vst v63  }
0xe6: {  	s4 =	sadd.s32 $0x6800, s28  }
0xe7: {  	[hbm4b:s11+s3] =	stream.indirect_vreg.scatter [tilespmem:s4], [sflag:$0x5], $0x80, v4, vm1, $0x2000b8;
	[tilespmem:$0x18100] =	vst v63  }
0xe8: {  	s9 =	sadd.s32 $0x6C00, s28  }
0xe9: {  	[hbm4b:s7+s3] =	stream.indirect_vreg.scatter [tilespmem:s9], [sflag:$0x5], $0x80, v3, vm0, $0x2000b8;
	[tilespmem:$0x18100] =	vst v63  }
0xea: {  	s13 =	sadd.s32 $0x7400, s28  }
0xeb: {  	[hbm4b:s11+s3] =	stream.indirect_vreg.scatter [tilespmem:s13], [sflag:$0x5], $0x80, v3, vm1, $0x2000b8;
	[tilespmem:$0x18100] =	vst v63  }
0xec: {  	v3 =	vld [tilespmem:s29+$0x18050];
	_ =	sdelay $0x4  }
0xed: {  	v61 =	vshrl.u32 v3, $0x3  }
0xee: {  	v4 =	vmul.u32 $0x18, v61  }
0xef: {  	v3 =	vand.u32 $0x7, v3  }
0xf0: {  	v3 =	vor.u32 v3, v4  }
0xf1: {  	v4 =	vperm.xlane v3, v0;
	_ =	sdelay $0x1  }
0xf2: {  	v4 =	vadd.s32 v1, v4;
	_ =	sdelay $0x1  }
0xf3: {  	v3 =	vperm.xlane v3, v2;
	_ =	sdelay $0x1  }
0xf4: {  	s14 =	sadd.s32 $0x7800, s28;
	v3 =	vadd.s32 v1, v3  }
0xf5: {  	[hbm4b:s7+s3] =	stream.indirect_vreg.scatter [tilespmem:s14], [sflag:$0x5], $0x80, v4, vm0, $0x2000b8;
	[tilespmem:$0x18100] =	vst v63  }
0xf6: {  	s17 =	sadd.s32 $0x8000, s28  }
0xf7: {  	[hbm4b:s11+s3] =	stream.indirect_vreg.scatter [tilespmem:s17], [sflag:$0x5], $0x80, v4, vm1, $0x2000b8;
	[tilespmem:$0x18100] =	vst v63  }
0xf8: {  	s30 =	sadd.s32 $0x8400, s28  }
0xf9: {  	[hbm4b:s7+s3] =	stream.indirect_vreg.scatter [tilespmem:s30], [sflag:$0x5], $0x80, v3, vm0, $0x2000b8;
	[tilespmem:$0x18100] =	vst v63  }
0xfa: {  	s31 =	sadd.s32 $0x8C00, s28  }
0xfb: {  	[hbm4b:s11+s3] =	stream.indirect_vreg.scatter [tilespmem:s31], [sflag:$0x5], $0x80, v3, vm1, $0x2000b8;
	[tilespmem:$0x18100] =	vst v63  }
0xfc: {  	v3 =	vld [tilespmem:s29+$0x18060];
	_ =	sdelay $0x4  }
0xfd: {  	v62 =	vshrl.u32 v3, $0x3  }
0xfe: {  	v4 =	vmul.u32 $0x18, v62  }
0xff: {  	v3 =	vand.u32 $0x7, v3  }
0x100: {  	v3 =	vor.u32 v3, v4  }
0x101: {  	v4 =	vperm.xlane v3, v0;
	_ =	sdelay $0x1  }
0x102: {  	v4 =	vadd.s32 v1, v4;
	_ =	sdelay $0x1  }
0x103: {  	v3 =	vperm.xlane v3, v2;
	_ =	sdelay $0x1  }
0x104: {  	s4 =	sadd.s32 $0x9000, s28;
	v3 =	vadd.s32 v1, v3  }
0x105: {  	[hbm4b:s7+s3] =	stream.indirect_vreg.scatter [tilespmem:s4], [sflag:$0x5], $0x80, v4, vm0, $0x2000b8;
	[tilespmem:$0x18100] =	vst v63  }
0x106: {  	s9 =	sadd.s32 $0x9800, s28  }
0x107: {  	[hbm4b:s11+s3] =	stream.indirect_vreg.scatter [tilespmem:s9], [sflag:$0x5], $0x80, v4, vm1, $0x2000b8;
	[tilespmem:$0x18100] =	vst v63  }
0x108: {  	s13 =	sadd.s32 $0x9C00, s28  }
0x109: {  	[hbm4b:s7+s3] =	stream.indirect_vreg.scatter [tilespmem:s13], [sflag:$0x5], $0x80, v3, vm0, $0x2000b8;
	[tilespmem:$0x18100] =	vst v63  }
0x10a: {  	s14 =	sadd.s32 $0xA400, s28  }
0x10b: {  	[hbm4b:s11+s3] =	stream.indirect_vreg.scatter [tilespmem:s14], [sflag:$0x5], $0x80, v3, vm1, $0x2000b8;
	[tilespmem:$0x18100] =	vst v63  }
0x10c: {  	v3 =	vld [tilespmem:s29+$0x18070];
	_ =	sdelay $0x4  }
0x10d: {  	v63 =	vshrl.u32 v3, $0x3  }
0x10e: {  	v4 =	vmul.u32 $0x18, v63  }
0x10f: {  	v3 =	vand.u32 $0x7, v3  }
0x110: {  	v3 =	vor.u32 v3, v4  }
0x111: {  	v4 =	vperm.xlane v3, v0;
	_ =	sdelay $0x1  }
0x112: {  	v4 =	vadd.s32 v1, v4;
	_ =	sdelay $0x1  }
0x113: {  	p2 =	por !p2, p1;
	s0 =	sadd.s32 @!p3 $0x1, s25;
	v3 =	vperm.xlane v3, v2  }
0x114: {  	s20 =	sadd.s32 $0xFFFFFFFF, s20;
	p6 =	sne.s32 s26, s19;
	s24 =	smov.u32 @p2 s0  }
0x115: {  	s0 =	simm.s32 $0x1;
	s17 =	sadd.s32 $0xA800, s28;
	s4 =	simm.s32 $0x0;
	v3 =	vadd.s32 v1, v3  }
0x116: {  	[hbm4b:s7+s3] =	stream.indirect_vreg.scatter [tilespmem:s17], [sflag:$0x5], $0x80, v4, vm0, $0x2000b8;
	[tilespmem:$0x18100] =	vst v63  }
0x117: {  	s24 =	smov.u32 @p1 s25;
	s4 =	simm.s32 @p2 $0x1;
	s29 =	sadd.s32 $0xB000, s28  }
0x118: {  	[hbm4b:s11+s3] =	stream.indirect_vreg.scatter [tilespmem:s29], [sflag:$0x5], $0x80, v4, vm1, $0x2000b8;
	[tilespmem:$0x18100] =	vst v63  }
0x119: {  	s30 =	sadd.s32 $0xB400, s28;
	s4 =	simm.s32 @p1 $0x0;
	p1 =	por p1, p6  }
0x11a: {  	[hbm4b:s7+s3] =	stream.indirect_vreg.scatter [tilespmem:s30], [sflag:$0x5], $0x80, v3, vm0, $0x2000b8;
	[tilespmem:$0x18100] =	vst v63  }
0x11b: {  	s31 =	sadd.s32 $0xBC00, s28;
	s0 =	simm.s32 @!p1 $0x0;
	p1 =	seq.s32 s20, $0x0  }
0x11c: {  	[hbm4b:s11+s3] =	stream.indirect_vreg.scatter [tilespmem:s31], [sflag:$0x5], $0x80, v3, vm1, $0x2000b8;
	[tilespmem:$0x18100] =	vst v63  }
.Ltmp5:
0x11d: {  	_ = 	snop;
	(pc) =	sbr.rel @!p1 .LBB2_3-.Ltmp5, $4  }
0x11e: {  	_ =	swait.ge [sflag:s16], $0xC000  }
0x11f: {  	[sflag:s16] =	ssyncset.done $0x0  }
0x120: {  	s25 =	smov.u32 s24;
	s22 =	sadd.s32 s22, s4;
	[sflag:s16] =	ssyncadd.s32 $0xFFFF4000  }
0x121: {  	s23 =	sadd.s32 s0, s23;
	s21 =	sadd.s32 s0, s21;
	_ =	strace $0x9000004D  }
.Ltmp6:
0x122: {  	_ = 	snop;
	(pc) =	sbr.rel .LBB2_7-.Ltmp6, $1  }
0x123: {  	_ =	sdelay $0x3  }
.LBB2_8:
0x124: {  	_ =	sfence.sel $0x180000  }
0x125: {  	[bflag:$0x0] =	sbarrier.arrive $0xFFFF  }
0x126: {  	_ =	strace $0x90000047  }
0x127: {  	s0 =	stileid.u32;
	[bflag:$0x2] =	sbarrier.arrive $0xFFFF  }
0x128: {  	p0 =	sne.s32 s0, $0x0;
	s0 =	rddreg [dreg:$0x3]  }
0x129: {  	s0 =	sadd.s32 @!p0 $0x100000, s0  }
0x12a: {  	[sflag:s0] =	ssyncadd.tile.s32 @!p0 $0x1;
	_ =	shalt  }
.Lfunc_end2:
_tile_overlayer_lowered:
.L_overlay_start_2:
0x12b: {  	(tag) =	ssettag $0x2  }
0x12c: {  	s0 =	rddreg [dreg:$0x0];
	s2 =	stileid.u32  }
0x12d: {  	s1 =	rddreg [dreg:$0x1];
	p0 =	sne.s32 s2, $0x0  }
0x12e: {  	s3 =	rddreg [dreg:$0x2];
	[bflag:$0x3] =	sbarrier.arrive $0xFFFF;
	s2 =	simm.s32 @!p0 $0x1C01  }
0x12f: {  	[timem:s3], [sflag:s2] =	dma.local @!p0 [hbm:s0], s1  }
0x130: {  	s0 =	simm.s32 @!p0 $0x1  }
0x131: {  	_ =	swait.ge @!p0 [sflag:s0], s1  }
0x132: {  	s1 =	ssub.s32 @!p0 $0x0, s1;
	[sflag:s0] =	ssyncset.done @!p0 $0x0  }
0x133: {  	[sflag:s0] =	ssyncadd.s32 @!p0 s1  }
0x134: {  	[bflag:$0x3] =	sbarrier.arrive $0xFFFF  }
0x135: {  	_ =	shalt  }

</sc_bundles>
